<compile_context>
chip_gen: v7x
topology: tpu7x:2x2x1
jax: 0.10.2.dev20260603
libtpu: 0.0.44.dev20260713+nightly
codegen_flags: <defaults>
</compile_context>

<pallas_src>
import functools

import jax
import jax.numpy as jnp
from jax import lax
from jax.experimental import pallas as pl
from jax.experimental.pallas import tpu as pltpu
from jax.experimental.pallas import tpu_sc as plsc

D = 64
NFIELD = 3
B = 16384
V = 100000
ROW_W = NFIELD * D
IDXH = B // 2
IDXQ = B // 4

_info = plsc.get_sparse_core_info()
_NC, _NS = _info.num_cores, _info.num_subcores
NW = _NC * _NS
DPW = D // NW
L = 16


def _body(
    uid, iid, cid, wtu, wti, wtc, outT,
    idx0, idx1, row_v, col_v, sem_r, sem_w0, sem_w1, sem_i0, sem_i1,
):
    wid = lax.axis_index("s") * _NC + lax.axis_index("c")
    ibufs = (idx0, idx1)
    isems = (sem_i0, sem_i1)
    wsems = (sem_w0, sem_w1)

    wcps = {}
    for f, (idx_hbm, wt) in enumerate(((uid, wtu), (iid, wti), (cid, wtc))):
        for i in range(DPW):
            d = wid * DPW + i
            c = f * D + d
            rcp = pltpu.async_copy(wt.at[pl.ds(d, 1)], row_v, sem_r)
            icp = pltpu.async_copy(idx_hbm.at[pl.ds(0, IDXQ)], ibufs[0], isems[0])
            for q in range(4):
                nicp = None
                if q < 3:
                    nicp = pltpu.async_copy(
                        idx_hbm.at[pl.ds((q + 1) * IDXQ, IDXQ)],
                        ibufs[(q + 1) % 2],
                        isems[(q + 1) % 2],
                    )
                icp.wait()
                if q == 0:
                    rcp.wait()
                if q % 2 == 0 and (q // 2) in wcps:
                    wcps[q // 2].wait()
                ib = ibufs[q % 2]

                @plsc.parallel_loop(0, IDXQ, step=L, unroll=4)
                def _g16(j, ib=ib, q=q):
                    vi = ib[pl.ds(j, L)]
                    vals = plsc.load_gather(row_v.at[0], [vi])
                    col_v[0, pl.ds(q * IDXQ + j, L)] = vals
                if q % 2 == 1:
                    h = q // 2
                    wcps[h] = pltpu.async_copy(
                        col_v.at[pl.ds(0, 1), pl.ds(h * IDXH, IDXH)],
                        outT.at[pl.ds(c, 1), pl.ds(h * IDXH, IDXH)],
                        wsems[h],
                    )
                icp = nicp
    for h in wcps:
        wcps[h].wait()


@jax.jit
def kernel(user_id, item_id, cat_id, W_user, W_item, W_cat):
    mesh = plsc.VectorSubcoreMesh(core_axis_name="c", subcore_axis_name="s")
    run = functools.partial(
        pl.kernel,
        out_type=jax.ShapeDtypeStruct((ROW_W, B), jnp.float32),
        scratch_types=[
            pltpu.VMEM((IDXQ,), jnp.int32),
            pltpu.VMEM((IDXQ,), jnp.int32),
            pltpu.VMEM((1, V), jnp.float32),
            pltpu.VMEM((1, B), jnp.float32),
            pltpu.SemaphoreType.DMA,
            pltpu.SemaphoreType.DMA,
            pltpu.SemaphoreType.DMA,
            pltpu.SemaphoreType.DMA,
            pltpu.SemaphoreType.DMA,
        ],
        mesh=mesh,
        compiler_params=pltpu.CompilerParams(needs_layout_passes=False),
    )(_body)
    outT = run(
        user_id.astype(jnp.int32),
        item_id.astype(jnp.int32),
        cat_id.astype(jnp.int32),
        W_user.T,
        W_item.T,
        W_cat.T,
    )
    return outT.T

# --- scband reference (transcript-rebuilt; emitter-appended) ---
"""Pipeline reference for scband-embedding-layer-35442070126621 (READ-ONLY COPY).

The authoritative reference and input builder live on the scoring server;
editing this copy changes nothing except your own understanding.
"""

import jax, jax.numpy as jnp
import numpy as np

VOCAB = 100000
EMBED_DIM = 64
BATCH = 16384

def setup_inputs(seed: int = 0) -> dict:
    key = jax.random.key(seed)
    k1, k2, k3, k4, k5, k6 = jax.random.split(key, 6)
    return {
        "user_id": jax.random.randint(k1, (BATCH,), 0, VOCAB, dtype=jnp.int64) if jax.config.jax_enable_x64 else jax.random.randint(k1, (BATCH,), 0, VOCAB, dtype=jnp.int32),
        "item_id": jax.random.randint(k2, (BATCH,), 0, VOCAB, dtype=jnp.int32),
        "cat_id": jax.random.randint(k3, (BATCH,), 0, VOCAB, dtype=jnp.int32),
        "W_user": jax.random.normal(k4, (VOCAB, EMBED_DIM), dtype=jnp.float32),
        "W_item": jax.random.normal(k5, (VOCAB, EMBED_DIM), dtype=jnp.float32),
        "W_cat": jax.random.normal(k6, (VOCAB, EMBED_DIM), dtype=jnp.float32),
    }

def reference(user_id, item_id, cat_id, W_user, W_item, W_cat):
    # EmbeddingLayer.forward: per-field embedding lookup, then concat on last dim
    e_user = jnp.take(W_user, user_id, axis=0)
    e_item = jnp.take(W_item, item_id, axis=0)
    e_cat = jnp.take(W_cat, cat_id, axis=0)
    return jnp.concatenate([e_user, e_item, e_cat], axis=-1)

if __name__ == "__main__":
    import jax
    _d = setup_inputs()
    print(jax.jit(kernel)(*tuple(_d.values())))

</pallas_src>

<mosaic_0001>
#map = affine_map<(d0, d1) -> (0)>
#map1 = affine_map<(d0, d1) -> (0, 0)>
module attributes {stable_mosaic.version = 14 : i64} {
  func.func @_body(%arg0: i32, %arg1: i32, %arg2: memref<16384xi32, #tpu.memory_space<hbm>>, %arg3: memref<16384xi32, #tpu.memory_space<hbm>>, %arg4: memref<16384xi32, #tpu.memory_space<hbm>>, %arg5: memref<64x100000xf32, #tpu.memory_space<hbm>>, %arg6: memref<64x100000xf32, #tpu.memory_space<hbm>>, %arg7: memref<64x100000xf32, #tpu.memory_space<hbm>>, %arg8: memref<192x16384xf32, #tpu.memory_space<hbm>>, %arg9: memref<4096xi32, #tpu.memory_space<vmem>>, %arg10: memref<4096xi32, #tpu.memory_space<vmem>>, %arg11: memref<1x100000xf32, #tpu.memory_space<vmem>>, %arg12: memref<1x16384xf32, #tpu.memory_space<vmem>>, %arg13: memref<!tpu.dma_semaphore, #tpu.memory_space<semaphore_mem>>, %arg14: memref<!tpu.dma_semaphore, #tpu.memory_space<semaphore_mem>>, %arg15: memref<!tpu.dma_semaphore, #tpu.memory_space<semaphore_mem>>, %arg16: memref<!tpu.dma_semaphore, #tpu.memory_space<semaphore_mem>>, %arg17: memref<!tpu.dma_semaphore, #tpu.memory_space<semaphore_mem>>) attributes {dimension_semantics = [#tpu.dimension_semantics<core_parallel>, #tpu.dimension_semantics<subcore_parallel>], iteration_bounds = array<i64: 2, 16>, scalar_prefetch = 0 : i64, scratch_operands = 9 : i64, tpu.core_type = #tpu.core_type<sc_vector_subcore>, window_params = [{transform_indices = #map}, {transform_indices = #map}, {transform_indices = #map}, {transform_indices = #map1}, {transform_indices = #map1}, {transform_indices = #map1}, {transform_indices = #map1}]} {
    %mul3A = arith.constant 2 : i32
    %mul3A_0 = arith.muli %arg1, %mul3A : i32
    %add3A = arith.addi %mul3A_0, %arg0 : i32
    %mul3A_1 = arith.constant 2 : i32
    %mul3A_2 = arith.muli %add3A, %mul3A_1 : i32
    %add3A_3 = arith.constant 0 : i32
    %add3A_4 = arith.addi %mul3A_2, %add3A_3 : i32
    %add3A_5 = arith.constant 0 : i32
    %add3A_6 = arith.addi %add3A_5, %add3A_4 : i32
    %dma_start3A = arith.constant 0 : i32
    %dma_start3A_7 = tpu.memref_slice %arg5[%add3A_4, %dma_start3A] : memref<64x100000xf32, #tpu.memory_space<hbm>> -> memref<1x100000xf32, #tpu.memory_space<hbm>>
    %dma_start3A_8 = arith.constant 0 : i32
    %dma_start3A_9 = tpu.memref_slice %arg5[%add3A_4, %dma_start3A_8] : memref<64x100000xf32, #tpu.memory_space<hbm>> -> memref<1x100000xf32, #tpu.memory_space<hbm>>
    tpu.enqueue_dma source(%dma_start3A_9 : memref<1x100000xf32, #tpu.memory_space<hbm>>) target(%arg11 : memref<1x100000xf32, #tpu.memory_space<vmem>>) target_semaphore(%arg13 : memref<!tpu.dma_semaphore, #tpu.memory_space<semaphore_mem>>)
    %dma_start3A_10 = arith.constant 0 : i32
    %dma_start3A_11 = tpu.memref_slice %arg2[%dma_start3A_10] : memref<16384xi32, #tpu.memory_space<hbm>> -> memref<4096xi32, #tpu.memory_space<hbm>>
    %dma_start3A_12 = arith.constant 0 : i32
    %dma_start3A_13 = tpu.memref_slice %arg2[%dma_start3A_12] : memref<16384xi32, #tpu.memory_space<hbm>> -> memref<4096xi32, #tpu.memory_space<hbm>>
    tpu.enqueue_dma source(%dma_start3A_13 : memref<4096xi32, #tpu.memory_space<hbm>>) target(%arg9 : memref<4096xi32, #tpu.memory_space<vmem>>) target_semaphore(%arg16 : memref<!tpu.dma_semaphore, #tpu.memory_space<semaphore_mem>>)
    %dma_start3A_14 = arith.constant 4096 : i32
    %dma_start3A_15 = tpu.memref_slice %arg2[%dma_start3A_14] : memref<16384xi32, #tpu.memory_space<hbm>> -> memref<4096xi32, #tpu.memory_space<hbm>>
    %dma_start3A_16 = arith.constant 4096 : i32
    %dma_start3A_17 = tpu.memref_slice %arg2[%dma_start3A_16] : memref<16384xi32, #tpu.memory_space<hbm>> -> memref<4096xi32, #tpu.memory_space<hbm>>
    tpu.enqueue_dma source(%dma_start3A_17 : memref<4096xi32, #tpu.memory_space<hbm>>) target(%arg10 : memref<4096xi32, #tpu.memory_space<vmem>>) target_semaphore(%arg17 : memref<!tpu.dma_semaphore, #tpu.memory_space<semaphore_mem>>)
    %dma_wait3A = arith.constant 0 : i32
    %dma_wait3A_18 = tpu.memref_slice %arg2[%dma_wait3A] : memref<16384xi32, #tpu.memory_space<hbm>> -> memref<4096xi32, #tpu.memory_space<hbm>>
    %dma_wait3A_19 = arith.constant 0 : i32
    %dma_wait3A_20 = tpu.memref_slice %arg2[%dma_wait3A_19] : memref<16384xi32, #tpu.memory_space<hbm>> -> memref<4096xi32, #tpu.memory_space<hbm>>
    tpu.wait_dma2 semaphore(%arg16 : memref<!tpu.dma_semaphore, #tpu.memory_space<semaphore_mem>>) src(%dma_wait3A_20 : memref<4096xi32, #tpu.memory_space<hbm>>) dst(%arg9 : memref<4096xi32, #tpu.memory_space<vmem>>)
    %dma_wait3A_21 = arith.constant 0 : i32
    %dma_wait3A_22 = tpu.memref_slice %arg5[%add3A_4, %dma_wait3A_21] : memref<64x100000xf32, #tpu.memory_space<hbm>> -> memref<1x100000xf32, #tpu.memory_space<hbm>>
    %dma_wait3A_23 = arith.constant 0 : i32
    %dma_wait3A_24 = tpu.memref_slice %arg5[%add3A_4, %dma_wait3A_23] : memref<64x100000xf32, #tpu.memory_space<hbm>> -> memref<1x100000xf32, #tpu.memory_space<hbm>>
    tpu.wait_dma2 semaphore(%arg13 : memref<!tpu.dma_semaphore, #tpu.memory_space<semaphore_mem>>) src(%dma_wait3A_24 : memref<1x100000xf32, #tpu.memory_space<hbm>>) dst(%arg11 : memref<1x100000xf32, #tpu.memory_space<vmem>>)
    %parallel_loop3A = arith.constant 0 : i32
    %parallel_loop3A_25 = arith.constant 4096 : i32
    %parallel_loop3A_26 = arith.constant 16 : i32
    scf.for %parallel_loop3A_586 = %parallel_loop3A to %parallel_loop3A_25 step %parallel_loop3A_26  : i32 {
      %parallel_loop3A_587 = arith.index_cast %parallel_loop3A_586 : i32 to index
      %parallel_loop3A_588 = tpu.vector_load %arg9[%parallel_loop3A_587] {strides = array<i32>} : memref<4096xi32, #tpu.memory_space<vmem>>, vector<16xi32>,
      %parallel_loop3A_589 = arith.constant 0 : i32
      %parallel_loop3A_590 = arith.constant 0 : i32
      %parallel_loop3A_591 = tpu.memref_slice %arg11[%parallel_loop3A_589, %parallel_loop3A_590] : memref<1x100000xf32, #tpu.memory_space<vmem>> -> memref<1x100000xf32, #tpu.memory_space<vmem>>
      %parallel_loop3A_592 = tpu.memref_squeeze %parallel_loop3A_591 : memref<1x100000xf32, #tpu.memory_space<vmem>> -> memref<100000xf32, #tpu.memory_space<vmem>>
      %parallel_loop3A_593 = tpu.vector_load_idx %parallel_loop3A_592[%parallel_loop3A_588] : memref<100000xf32, #tpu.memory_space<vmem>>[vector<16xi32>], vector<16xf32>,
      %parallel_loop3A_594 = arith.constant 0 : i32
      %parallel_loop3A_595 = arith.addi %parallel_loop3A_594, %parallel_loop3A_586 : i32
      %parallel_loop3A_596 = arith.constant 0 : i32
      %parallel_loop3A_597 = arith.index_cast %parallel_loop3A_596 : i32 to index
      %parallel_loop3A_598 = arith.index_cast %parallel_loop3A_595 : i32 to index
      %parallel_loop3A_599 = tpu.vector_load %arg12[%parallel_loop3A_597, %parallel_loop3A_598] {strides = array<i32>} : memref<1x16384xf32, #tpu.memory_space<vmem>>, vector<16xf32>,
      tpu.vector_store %arg12[%parallel_loop3A_597, %parallel_loop3A_598], %parallel_loop3A_593 {strides = array<i32>} : memref<1x16384xf32, #tpu.memory_space<vmem>>, vector<16xf32>,
    } {sc.loop_unroll_factor = 4 : i64, sc.parallel_access}
    %dma_start3A_27 = arith.constant 8192 : i32
    %dma_start3A_28 = tpu.memref_slice %arg2[%dma_start3A_27] : memref<16384xi32, #tpu.memory_space<hbm>> -> memref<4096xi32, #tpu.memory_space<hbm>>
    %dma_start3A_29 = arith.constant 8192 : i32
    %dma_start3A_30 = tpu.memref_slice %arg2[%dma_start3A_29] : memref<16384xi32, #tpu.memory_space<hbm>> -> memref<4096xi32, #tpu.memory_space<hbm>>
    tpu.enqueue_dma source(%dma_start3A_30 : memref<4096xi32, #tpu.memory_space<hbm>>) target(%arg9 : memref<4096xi32, #tpu.memory_space<vmem>>) target_semaphore(%arg16 : memref<!tpu.dma_semaphore, #tpu.memory_space<semaphore_mem>>)
    %dma_wait3A_31 = arith.constant 4096 : i32
    %dma_wait3A_32 = tpu.memref_slice %arg2[%dma_wait3A_31] : memref<16384xi32, #tpu.memory_space<hbm>> -> memref<4096xi32, #tpu.memory_space<hbm>>
    %dma_wait3A_33 = arith.constant 4096 : i32
    %dma_wait3A_34 = tpu.memref_slice %arg2[%dma_wait3A_33] : memref<16384xi32, #tpu.memory_space<hbm>> -> memref<4096xi32, #tpu.memory_space<hbm>>
    tpu.wait_dma2 semaphore(%arg17 : memref<!tpu.dma_semaphore, #tpu.memory_space<semaphore_mem>>) src(%dma_wait3A_34 : memref<4096xi32, #tpu.memory_space<hbm>>) dst(%arg10 : memref<4096xi32, #tpu.memory_space<vmem>>)
    %parallel_loop3A_35 = arith.constant 0 : i32
    %parallel_loop3A_36 = arith.constant 4096 : i32
    %parallel_loop3A_37 = arith.constant 16 : i32
    scf.for %parallel_loop3A_586 = %parallel_loop3A_35 to %parallel_loop3A_36 step %parallel_loop3A_37  : i32 {
      %parallel_loop3A_587 = arith.index_cast %parallel_loop3A_586 : i32 to index
      %parallel_loop3A_588 = tpu.vector_load %arg10[%parallel_loop3A_587] {strides = array<i32>} : memref<4096xi32, #tpu.memory_space<vmem>>, vector<16xi32>,
      %parallel_loop3A_589 = arith.constant 0 : i32
      %parallel_loop3A_590 = arith.constant 0 : i32
      %parallel_loop3A_591 = tpu.memref_slice %arg11[%parallel_loop3A_589, %parallel_loop3A_590] : memref<1x100000xf32, #tpu.memory_space<vmem>> -> memref<1x100000xf32, #tpu.memory_space<vmem>>
      %parallel_loop3A_592 = tpu.memref_squeeze %parallel_loop3A_591 : memref<1x100000xf32, #tpu.memory_space<vmem>> -> memref<100000xf32, #tpu.memory_space<vmem>>
      %parallel_loop3A_593 = tpu.vector_load_idx %parallel_loop3A_592[%parallel_loop3A_588] : memref<100000xf32, #tpu.memory_space<vmem>>[vector<16xi32>], vector<16xf32>,
      %parallel_loop3A_594 = arith.constant 4096 : i32
      %parallel_loop3A_595 = arith.addi %parallel_loop3A_594, %parallel_loop3A_586 : i32
      %parallel_loop3A_596 = arith.constant 0 : i32
      %parallel_loop3A_597 = arith.index_cast %parallel_loop3A_596 : i32 to index
      %parallel_loop3A_598 = arith.index_cast %parallel_loop3A_595 : i32 to index
      %parallel_loop3A_599 = tpu.vector_load %arg12[%parallel_loop3A_597, %parallel_loop3A_598] {strides = array<i32>} : memref<1x16384xf32, #tpu.memory_space<vmem>>, vector<16xf32>,
      tpu.vector_store %arg12[%parallel_loop3A_597, %parallel_loop3A_598], %parallel_loop3A_593 {strides = array<i32>} : memref<1x16384xf32, #tpu.memory_space<vmem>>, vector<16xf32>,
    } {sc.loop_unroll_factor = 4 : i64, sc.parallel_access}
    %dma_start3A_38 = arith.constant 0 : i32
    %dma_start3A_39 = arith.constant 0 : i32
    %dma_start3A_40 = tpu.memref_slice %arg12[%dma_start3A_38, %dma_start3A_39] : memref<1x16384xf32, #tpu.memory_space<vmem>> -> memref<1x8192xf32, #tpu.memory_space<vmem>>
    %dma_start3A_41 = arith.constant 0 : i32
    %dma_start3A_42 = tpu.memref_slice %arg8[%add3A_6, %dma_start3A_41] : memref<192x16384xf32, #tpu.memory_space<hbm>> -> memref<1x8192xf32, #tpu.memory_space<hbm>>
    %dma_start3A_43 = arith.constant 0 : i32
    %dma_start3A_44 = tpu.memref_slice %arg8[%add3A_6, %dma_start3A_43] : memref<192x16384xf32, #tpu.memory_space<hbm>> -> memref<1x8192xf32, #tpu.memory_space<hbm>>
    %dma_start3A_45 = arith.constant 0 : i32
    %dma_start3A_46 = arith.constant 0 : i32
    %dma_start3A_47 = tpu.memref_slice %arg12[%dma_start3A_45, %dma_start3A_46] : memref<1x16384xf32, #tpu.memory_space<vmem>> -> memref<1x8192xf32, #tpu.memory_space<vmem>>
    tpu.enqueue_dma source(%dma_start3A_47 : memref<1x8192xf32, #tpu.memory_space<vmem>>) target(%dma_start3A_44 : memref<1x8192xf32, #tpu.memory_space<hbm>>) target_semaphore(%arg14 : memref<!tpu.dma_semaphore, #tpu.memory_space<semaphore_mem>>)
    %dma_start3A_48 = arith.constant 12288 : i32
    %dma_start3A_49 = tpu.memref_slice %arg2[%dma_start3A_48] : memref<16384xi32, #tpu.memory_space<hbm>> -> memref<4096xi32, #tpu.memory_space<hbm>>
    %dma_start3A_50 = arith.constant 12288 : i32
    %dma_start3A_51 = tpu.memref_slice %arg2[%dma_start3A_50] : memref<16384xi32, #tpu.memory_space<hbm>> -> memref<4096xi32, #tpu.memory_space<hbm>>
    tpu.enqueue_dma source(%dma_start3A_51 : memref<4096xi32, #tpu.memory_space<hbm>>) target(%arg10 : memref<4096xi32, #tpu.memory_space<vmem>>) target_semaphore(%arg17 : memref<!tpu.dma_semaphore, #tpu.memory_space<semaphore_mem>>)
    %dma_wait3A_52 = arith.constant 8192 : i32
    %dma_wait3A_53 = tpu.memref_slice %arg2[%dma_wait3A_52] : memref<16384xi32, #tpu.memory_space<hbm>> -> memref<4096xi32, #tpu.memory_space<hbm>>
    %dma_wait3A_54 = arith.constant 8192 : i32
    %dma_wait3A_55 = tpu.memref_slice %arg2[%dma_wait3A_54] : memref<16384xi32, #tpu.memory_space<hbm>> -> memref<4096xi32, #tpu.memory_space<hbm>>
    tpu.wait_dma2 semaphore(%arg16 : memref<!tpu.dma_semaphore, #tpu.memory_space<semaphore_mem>>) src(%dma_wait3A_55 : memref<4096xi32, #tpu.memory_space<hbm>>) dst(%arg9 : memref<4096xi32, #tpu.memory_space<vmem>>)
    %parallel_loop3A_56 = arith.constant 0 : i32
    %parallel_loop3A_57 = arith.constant 4096 : i32
    %parallel_loop3A_58 = arith.constant 16 : i32
    scf.for %parallel_loop3A_586 = %parallel_loop3A_56 to %parallel_loop3A_57 step %parallel_loop3A_58  : i32 {
      %parallel_loop3A_587 = arith.index_cast %parallel_loop3A_586 : i32 to index
      %parallel_loop3A_588 = tpu.vector_load %arg9[%parallel_loop3A_587] {strides = array<i32>} : memref<4096xi32, #tpu.memory_space<vmem>>, vector<16xi32>,
      %parallel_loop3A_589 = arith.constant 0 : i32
      %parallel_loop3A_590 = arith.constant 0 : i32
      %parallel_loop3A_591 = tpu.memref_slice %arg11[%parallel_loop3A_589, %parallel_loop3A_590] : memref<1x100000xf32, #tpu.memory_space<vmem>> -> memref<1x100000xf32, #tpu.memory_space<vmem>>
      %parallel_loop3A_592 = tpu.memref_squeeze %parallel_loop3A_591 : memref<1x100000xf32, #tpu.memory_space<vmem>> -> memref<100000xf32, #tpu.memory_space<vmem>>
      %parallel_loop3A_593 = tpu.vector_load_idx %parallel_loop3A_592[%parallel_loop3A_588] : memref<100000xf32, #tpu.memory_space<vmem>>[vector<16xi32>], vector<16xf32>,
      %parallel_loop3A_594 = arith.constant 8192 : i32
      %parallel_loop3A_595 = arith.addi %parallel_loop3A_594, %parallel_loop3A_586 : i32
      %parallel_loop3A_596 = arith.constant 0 : i32
      %parallel_loop3A_597 = arith.index_cast %parallel_loop3A_596 : i32 to index
      %parallel_loop3A_598 = arith.index_cast %parallel_loop3A_595 : i32 to index
      %parallel_loop3A_599 = tpu.vector_load %arg12[%parallel_loop3A_597, %parallel_loop3A_598] {strides = array<i32>} : memref<1x16384xf32, #tpu.memory_space<vmem>>, vector<16xf32>,
      tpu.vector_store %arg12[%parallel_loop3A_597, %parallel_loop3A_598], %parallel_loop3A_593 {strides = array<i32>} : memref<1x16384xf32, #tpu.memory_space<vmem>>, vector<16xf32>,
    } {sc.loop_unroll_factor = 4 : i64, sc.parallel_access}
    %dma_wait3A_59 = arith.constant 12288 : i32
    %dma_wait3A_60 = tpu.memref_slice %arg2[%dma_wait3A_59] : memref<16384xi32, #tpu.memory_space<hbm>> -> memref<4096xi32, #tpu.memory_space<hbm>>
    %dma_wait3A_61 = arith.constant 12288 : i32
    %dma_wait3A_62 = tpu.memref_slice %arg2[%dma_wait3A_61] : memref<16384xi32, #tpu.memory_space<hbm>> -> memref<4096xi32, #tpu.memory_space<hbm>>
    tpu.wait_dma2 semaphore(%arg17 : memref<!tpu.dma_semaphore, #tpu.memory_space<semaphore_mem>>) src(%dma_wait3A_62 : memref<4096xi32, #tpu.memory_space<hbm>>) dst(%arg10 : memref<4096xi32, #tpu.memory_space<vmem>>)
    %parallel_loop3A_63 = arith.constant 0 : i32
    %parallel_loop3A_64 = arith.constant 4096 : i32
    %parallel_loop3A_65 = arith.constant 16 : i32
    scf.for %parallel_loop3A_586 = %parallel_loop3A_63 to %parallel_loop3A_64 step %parallel_loop3A_65  : i32 {
      %parallel_loop3A_587 = arith.index_cast %parallel_loop3A_586 : i32 to index
      %parallel_loop3A_588 = tpu.vector_load %arg10[%parallel_loop3A_587] {strides = array<i32>} : memref<4096xi32, #tpu.memory_space<vmem>>, vector<16xi32>,
      %parallel_loop3A_589 = arith.constant 0 : i32
      %parallel_loop3A_590 = arith.constant 0 : i32
      %parallel_loop3A_591 = tpu.memref_slice %arg11[%parallel_loop3A_589, %parallel_loop3A_590] : memref<1x100000xf32, #tpu.memory_space<vmem>> -> memref<1x100000xf32, #tpu.memory_space<vmem>>
      %parallel_loop3A_592 = tpu.memref_squeeze %parallel_loop3A_591 : memref<1x100000xf32, #tpu.memory_space<vmem>> -> memref<100000xf32, #tpu.memory_space<vmem>>
      %parallel_loop3A_593 = tpu.vector_load_idx %parallel_loop3A_592[%parallel_loop3A_588] : memref<100000xf32, #tpu.memory_space<vmem>>[vector<16xi32>], vector<16xf32>,
      %parallel_loop3A_594 = arith.constant 12288 : i32
      %parallel_loop3A_595 = arith.addi %parallel_loop3A_594, %parallel_loop3A_586 : i32
      %parallel_loop3A_596 = arith.constant 0 : i32
      %parallel_loop3A_597 = arith.index_cast %parallel_loop3A_596 : i32 to index
      %parallel_loop3A_598 = arith.index_cast %parallel_loop3A_595 : i32 to index
      %parallel_loop3A_599 = tpu.vector_load %arg12[%parallel_loop3A_597, %parallel_loop3A_598] {strides = array<i32>} : memref<1x16384xf32, #tpu.memory_space<vmem>>, vector<16xf32>,
      tpu.vector_store %arg12[%parallel_loop3A_597, %parallel_loop3A_598], %parallel_loop3A_593 {strides = array<i32>} : memref<1x16384xf32, #tpu.memory_space<vmem>>, vector<16xf32>,
    } {sc.loop_unroll_factor = 4 : i64, sc.parallel_access}
    %dma_start3A_66 = arith.constant 0 : i32
    %dma_start3A_67 = arith.constant 8192 : i32
    %dma_start3A_68 = tpu.memref_slice %arg12[%dma_start3A_66, %dma_start3A_67] : memref<1x16384xf32, #tpu.memory_space<vmem>> -> memref<1x8192xf32, #tpu.memory_space<vmem>>
    %dma_start3A_69 = arith.constant 8192 : i32
    %dma_start3A_70 = tpu.memref_slice %arg8[%add3A_6, %dma_start3A_69] : memref<192x16384xf32, #tpu.memory_space<hbm>> -> memref<1x8192xf32, #tpu.memory_space<hbm>>
    %dma_start3A_71 = arith.constant 8192 : i32
    %dma_start3A_72 = tpu.memref_slice %arg8[%add3A_6, %dma_start3A_71] : memref<192x16384xf32, #tpu.memory_space<hbm>> -> memref<1x8192xf32, #tpu.memory_space<hbm>>
    %dma_start3A_73 = arith.constant 0 : i32
    %dma_start3A_74 = arith.constant 8192 : i32
    %dma_start3A_75 = tpu.memref_slice %arg12[%dma_start3A_73, %dma_start3A_74] : memref<1x16384xf32, #tpu.memory_space<vmem>> -> memref<1x8192xf32, #tpu.memory_space<vmem>>
    tpu.enqueue_dma source(%dma_start3A_75 : memref<1x8192xf32, #tpu.memory_space<vmem>>) target(%dma_start3A_72 : memref<1x8192xf32, #tpu.memory_space<hbm>>) target_semaphore(%arg15 : memref<!tpu.dma_semaphore, #tpu.memory_space<semaphore_mem>>)
    %mul3A_76 = arith.constant 2 : i32
    %mul3A_77 = arith.muli %add3A, %mul3A_76 : i32
    %add3A_78 = arith.constant 1 : i32
    %add3A_79 = arith.addi %mul3A_77, %add3A_78 : i32
    %add3A_80 = arith.constant 0 : i32
    %add3A_81 = arith.addi %add3A_80, %add3A_79 : i32
    %dma_start3A_82 = arith.constant 0 : i32
    %dma_start3A_83 = tpu.memref_slice %arg5[%add3A_79, %dma_start3A_82] : memref<64x100000xf32, #tpu.memory_space<hbm>> -> memref<1x100000xf32, #tpu.memory_space<hbm>>
    %dma_start3A_84 = arith.constant 0 : i32
    %dma_start3A_85 = tpu.memref_slice %arg5[%add3A_79, %dma_start3A_84] : memref<64x100000xf32, #tpu.memory_space<hbm>> -> memref<1x100000xf32, #tpu.memory_space<hbm>>
    tpu.enqueue_dma source(%dma_start3A_85 : memref<1x100000xf32, #tpu.memory_space<hbm>>) target(%arg11 : memref<1x100000xf32, #tpu.memory_space<vmem>>) target_semaphore(%arg13 : memref<!tpu.dma_semaphore, #tpu.memory_space<semaphore_mem>>)
    %dma_start3A_86 = arith.constant 0 : i32
    %dma_start3A_87 = tpu.memref_slice %arg2[%dma_start3A_86] : memref<16384xi32, #tpu.memory_space<hbm>> -> memref<4096xi32, #tpu.memory_space<hbm>>
    %dma_start3A_88 = arith.constant 0 : i32
    %dma_start3A_89 = tpu.memref_slice %arg2[%dma_start3A_88] : memref<16384xi32, #tpu.memory_space<hbm>> -> memref<4096xi32, #tpu.memory_space<hbm>>
    tpu.enqueue_dma source(%dma_start3A_89 : memref<4096xi32, #tpu.memory_space<hbm>>) target(%arg9 : memref<4096xi32, #tpu.memory_space<vmem>>) target_semaphore(%arg16 : memref<!tpu.dma_semaphore, #tpu.memory_space<semaphore_mem>>)
    %dma_start3A_90 = arith.constant 4096 : i32
    %dma_start3A_91 = tpu.memref_slice %arg2[%dma_start3A_90] : memref<16384xi32, #tpu.memory_space<hbm>> -> memref<4096xi32, #tpu.memory_space<hbm>>
    %dma_start3A_92 = arith.constant 4096 : i32
    %dma_start3A_93 = tpu.memref_slice %arg2[%dma_start3A_92] : memref<16384xi32, #tpu.memory_space<hbm>> -> memref<4096xi32, #tpu.memory_space<hbm>>
    tpu.enqueue_dma source(%dma_start3A_93 : memref<4096xi32, #tpu.memory_space<hbm>>) target(%arg10 : memref<4096xi32, #tpu.memory_space<vmem>>) target_semaphore(%arg17 : memref<!tpu.dma_semaphore, #tpu.memory_space<semaphore_mem>>)
    %dma_wait3A_94 = arith.constant 0 : i32
    %dma_wait3A_95 = tpu.memref_slice %arg2[%dma_wait3A_94] : memref<16384xi32, #tpu.memory_space<hbm>> -> memref<4096xi32, #tpu.memory_space<hbm>>
    %dma_wait3A_96 = arith.constant 0 : i32
    %dma_wait3A_97 = tpu.memref_slice %arg2[%dma_wait3A_96] : memref<16384xi32, #tpu.memory_space<hbm>> -> memref<4096xi32, #tpu.memory_space<hbm>>
    tpu.wait_dma2 semaphore(%arg16 : memref<!tpu.dma_semaphore, #tpu.memory_space<semaphore_mem>>) src(%dma_wait3A_97 : memref<4096xi32, #tpu.memory_space<hbm>>) dst(%arg9 : memref<4096xi32, #tpu.memory_space<vmem>>)
    %dma_wait3A_98 = arith.constant 0 : i32
    %dma_wait3A_99 = tpu.memref_slice %arg5[%add3A_79, %dma_wait3A_98] : memref<64x100000xf32, #tpu.memory_space<hbm>> -> memref<1x100000xf32, #tpu.memory_space<hbm>>
    %dma_wait3A_100 = arith.constant 0 : i32
    %dma_wait3A_101 = tpu.memref_slice %arg5[%add3A_79, %dma_wait3A_100] : memref<64x100000xf32, #tpu.memory_space<hbm>> -> memref<1x100000xf32, #tpu.memory_space<hbm>>
    tpu.wait_dma2 semaphore(%arg13 : memref<!tpu.dma_semaphore, #tpu.memory_space<semaphore_mem>>) src(%dma_wait3A_101 : memref<1x100000xf32, #tpu.memory_space<hbm>>) dst(%arg11 : memref<1x100000xf32, #tpu.memory_space<vmem>>)
    %dma_wait3A_102 = arith.constant 0 : i32
    %dma_wait3A_103 = arith.constant 0 : i32
    %dma_wait3A_104 = tpu.memref_slice %arg12[%dma_wait3A_102, %dma_wait3A_103] : memref<1x16384xf32, #tpu.memory_space<vmem>> -> memref<1x8192xf32, #tpu.memory_space<vmem>>
    %dma_wait3A_105 = arith.constant 0 : i32
    %dma_wait3A_106 = tpu.memref_slice %arg8[%add3A_6, %dma_wait3A_105] : memref<192x16384xf32, #tpu.memory_space<hbm>> -> memref<1x8192xf32, #tpu.memory_space<hbm>>
    %dma_wait3A_107 = arith.constant 0 : i32
    %dma_wait3A_108 = tpu.memref_slice %arg8[%add3A_6, %dma_wait3A_107] : memref<192x16384xf32, #tpu.memory_space<hbm>> -> memref<1x8192xf32, #tpu.memory_space<hbm>>
    %dma_wait3A_109 = arith.constant 0 : i32
    %dma_wait3A_110 = arith.constant 0 : i32
    %dma_wait3A_111 = tpu.memref_slice %arg12[%dma_wait3A_109, %dma_wait3A_110] : memref<1x16384xf32, #tpu.memory_space<vmem>> -> memref<1x8192xf32, #tpu.memory_space<vmem>>
    tpu.wait_dma2 semaphore(%arg14 : memref<!tpu.dma_semaphore, #tpu.memory_space<semaphore_mem>>) src(%dma_wait3A_111 : memref<1x8192xf32, #tpu.memory_space<vmem>>) dst(%dma_wait3A_108 : memref<1x8192xf32, #tpu.memory_space<hbm>>)
    %parallel_loop3A_112 = arith.constant 0 : i32
    %parallel_loop3A_113 = arith.constant 4096 : i32
    %parallel_loop3A_114 = arith.constant 16 : i32
    scf.for %parallel_loop3A_586 = %parallel_loop3A_112 to %parallel_loop3A_113 step %parallel_loop3A_114  : i32 {
      %parallel_loop3A_587 = arith.index_cast %parallel_loop3A_586 : i32 to index
      %parallel_loop3A_588 = tpu.vector_load %arg9[%parallel_loop3A_587] {strides = array<i32>} : memref<4096xi32, #tpu.memory_space<vmem>>, vector<16xi32>,
      %parallel_loop3A_589 = arith.constant 0 : i32
      %parallel_loop3A_590 = arith.constant 0 : i32
      %parallel_loop3A_591 = tpu.memref_slice %arg11[%parallel_loop3A_589, %parallel_loop3A_590] : memref<1x100000xf32, #tpu.memory_space<vmem>> -> memref<1x100000xf32, #tpu.memory_space<vmem>>
      %parallel_loop3A_592 = tpu.memref_squeeze %parallel_loop3A_591 : memref<1x100000xf32, #tpu.memory_space<vmem>> -> memref<100000xf32, #tpu.memory_space<vmem>>
      %parallel_loop3A_593 = tpu.vector_load_idx %parallel_loop3A_592[%parallel_loop3A_588] : memref<100000xf32, #tpu.memory_space<vmem>>[vector<16xi32>], vector<16xf32>,
      %parallel_loop3A_594 = arith.constant 0 : i32
      %parallel_loop3A_595 = arith.addi %parallel_loop3A_594, %parallel_loop3A_586 : i32
      %parallel_loop3A_596 = arith.constant 0 : i32
      %parallel_loop3A_597 = arith.index_cast %parallel_loop3A_596 : i32 to index
      %parallel_loop3A_598 = arith.index_cast %parallel_loop3A_595 : i32 to index
      %parallel_loop3A_599 = tpu.vector_load %arg12[%parallel_loop3A_597, %parallel_loop3A_598] {strides = array<i32>} : memref<1x16384xf32, #tpu.memory_space<vmem>>, vector<16xf32>,
      tpu.vector_store %arg12[%parallel_loop3A_597, %parallel_loop3A_598], %parallel_loop3A_593 {strides = array<i32>} : memref<1x16384xf32, #tpu.memory_space<vmem>>, vector<16xf32>,
    } {sc.loop_unroll_factor = 4 : i64, sc.parallel_access}
    %dma_start3A_115 = arith.constant 8192 : i32
    %dma_start3A_116 = tpu.memref_slice %arg2[%dma_start3A_115] : memref<16384xi32, #tpu.memory_space<hbm>> -> memref<4096xi32, #tpu.memory_space<hbm>>
    %dma_start3A_117 = arith.constant 8192 : i32
    %dma_start3A_118 = tpu.memref_slice %arg2[%dma_start3A_117] : memref<16384xi32, #tpu.memory_space<hbm>> -> memref<4096xi32, #tpu.memory_space<hbm>>
    tpu.enqueue_dma source(%dma_start3A_118 : memref<4096xi32, #tpu.memory_space<hbm>>) target(%arg9 : memref<4096xi32, #tpu.memory_space<vmem>>) target_semaphore(%arg16 : memref<!tpu.dma_semaphore, #tpu.memory_space<semaphore_mem>>)
    %dma_wait3A_119 = arith.constant 4096 : i32
    %dma_wait3A_120 = tpu.memref_slice %arg2[%dma_wait3A_119] : memref<16384xi32, #tpu.memory_space<hbm>> -> memref<4096xi32, #tpu.memory_space<hbm>>
    %dma_wait3A_121 = arith.constant 4096 : i32
    %dma_wait3A_122 = tpu.memref_slice %arg2[%dma_wait3A_121] : memref<16384xi32, #tpu.memory_space<hbm>> -> memref<4096xi32, #tpu.memory_space<hbm>>
    tpu.wait_dma2 semaphore(%arg17 : memref<!tpu.dma_semaphore, #tpu.memory_space<semaphore_mem>>) src(%dma_wait3A_122 : memref<4096xi32, #tpu.memory_space<hbm>>) dst(%arg10 : memref<4096xi32, #tpu.memory_space<vmem>>)
    %parallel_loop3A_123 = arith.constant 0 : i32
    %parallel_loop3A_124 = arith.constant 4096 : i32
    %parallel_loop3A_125 = arith.constant 16 : i32
    scf.for %parallel_loop3A_586 = %parallel_loop3A_123 to %parallel_loop3A_124 step %parallel_loop3A_125  : i32 {
      %parallel_loop3A_587 = arith.index_cast %parallel_loop3A_586 : i32 to index
      %parallel_loop3A_588 = tpu.vector_load %arg10[%parallel_loop3A_587] {strides = array<i32>} : memref<4096xi32, #tpu.memory_space<vmem>>, vector<16xi32>,
      %parallel_loop3A_589 = arith.constant 0 : i32
      %parallel_loop3A_590 = arith.constant 0 : i32
      %parallel_loop3A_591 = tpu.memref_slice %arg11[%parallel_loop3A_589, %parallel_loop3A_590] : memref<1x100000xf32, #tpu.memory_space<vmem>> -> memref<1x100000xf32, #tpu.memory_space<vmem>>
      %parallel_loop3A_592 = tpu.memref_squeeze %parallel_loop3A_591 : memref<1x100000xf32, #tpu.memory_space<vmem>> -> memref<100000xf32, #tpu.memory_space<vmem>>
      %parallel_loop3A_593 = tpu.vector_load_idx %parallel_loop3A_592[%parallel_loop3A_588] : memref<100000xf32, #tpu.memory_space<vmem>>[vector<16xi32>], vector<16xf32>,
      %parallel_loop3A_594 = arith.constant 4096 : i32
      %parallel_loop3A_595 = arith.addi %parallel_loop3A_594, %parallel_loop3A_586 : i32
      %parallel_loop3A_596 = arith.constant 0 : i32
      %parallel_loop3A_597 = arith.index_cast %parallel_loop3A_596 : i32 to index
      %parallel_loop3A_598 = arith.index_cast %parallel_loop3A_595 : i32 to index
      %parallel_loop3A_599 = tpu.vector_load %arg12[%parallel_loop3A_597, %parallel_loop3A_598] {strides = array<i32>} : memref<1x16384xf32, #tpu.memory_space<vmem>>, vector<16xf32>,
      tpu.vector_store %arg12[%parallel_loop3A_597, %parallel_loop3A_598], %parallel_loop3A_593 {strides = array<i32>} : memref<1x16384xf32, #tpu.memory_space<vmem>>, vector<16xf32>,
    } {sc.loop_unroll_factor = 4 : i64, sc.parallel_access}
    %dma_start3A_126 = arith.constant 0 : i32
    %dma_start3A_127 = arith.constant 0 : i32
    %dma_start3A_128 = tpu.memref_slice %arg12[%dma_start3A_126, %dma_start3A_127] : memref<1x16384xf32, #tpu.memory_space<vmem>> -> memref<1x8192xf32, #tpu.memory_space<vmem>>
    %dma_start3A_129 = arith.constant 0 : i32
    %dma_start3A_130 = tpu.memref_slice %arg8[%add3A_81, %dma_start3A_129] : memref<192x16384xf32, #tpu.memory_space<hbm>> -> memref<1x8192xf32, #tpu.memory_space<hbm>>
    %dma_start3A_131 = arith.constant 0 : i32
    %dma_start3A_132 = tpu.memref_slice %arg8[%add3A_81, %dma_start3A_131] : memref<192x16384xf32, #tpu.memory_space<hbm>> -> memref<1x8192xf32, #tpu.memory_space<hbm>>
    %dma_start3A_133 = arith.constant 0 : i32
    %dma_start3A_134 = arith.constant 0 : i32
    %dma_start3A_135 = tpu.memref_slice %arg12[%dma_start3A_133, %dma_start3A_134] : memref<1x16384xf32, #tpu.memory_space<vmem>> -> memref<1x8192xf32, #tpu.memory_space<vmem>>
    tpu.enqueue_dma source(%dma_start3A_135 : memref<1x8192xf32, #tpu.memory_space<vmem>>) target(%dma_start3A_132 : memref<1x8192xf32, #tpu.memory_space<hbm>>) target_semaphore(%arg14 : memref<!tpu.dma_semaphore, #tpu.memory_space<semaphore_mem>>)
    %dma_start3A_136 = arith.constant 12288 : i32
    %dma_start3A_137 = tpu.memref_slice %arg2[%dma_start3A_136] : memref<16384xi32, #tpu.memory_space<hbm>> -> memref<4096xi32, #tpu.memory_space<hbm>>
    %dma_start3A_138 = arith.constant 12288 : i32
    %dma_start3A_139 = tpu.memref_slice %arg2[%dma_start3A_138] : memref<16384xi32, #tpu.memory_space<hbm>> -> memref<4096xi32, #tpu.memory_space<hbm>>
    tpu.enqueue_dma source(%dma_start3A_139 : memref<4096xi32, #tpu.memory_space<hbm>>) target(%arg10 : memref<4096xi32, #tpu.memory_space<vmem>>) target_semaphore(%arg17 : memref<!tpu.dma_semaphore, #tpu.memory_space<semaphore_mem>>)
    %dma_wait3A_140 = arith.constant 8192 : i32
    %dma_wait3A_141 = tpu.memref_slice %arg2[%dma_wait3A_140] : memref<16384xi32, #tpu.memory_space<hbm>> -> memref<4096xi32, #tpu.memory_space<hbm>>
    %dma_wait3A_142 = arith.constant 8192 : i32
    %dma_wait3A_143 = tpu.memref_slice %arg2[%dma_wait3A_142] : memref<16384xi32, #tpu.memory_space<hbm>> -> memref<4096xi32, #tpu.memory_space<hbm>>
    tpu.wait_dma2 semaphore(%arg16 : memref<!tpu.dma_semaphore, #tpu.memory_space<semaphore_mem>>) src(%dma_wait3A_143 : memref<4096xi32, #tpu.memory_space<hbm>>) dst(%arg9 : memref<4096xi32, #tpu.memory_space<vmem>>)
    %dma_wait3A_144 = arith.constant 0 : i32
    %dma_wait3A_145 = arith.constant 8192 : i32
    %dma_wait3A_146 = tpu.memref_slice %arg12[%dma_wait3A_144, %dma_wait3A_145] : memref<1x16384xf32, #tpu.memory_space<vmem>> -> memref<1x8192xf32, #tpu.memory_space<vmem>>
    %dma_wait3A_147 = arith.constant 8192 : i32
    %dma_wait3A_148 = tpu.memref_slice %arg8[%add3A_6, %dma_wait3A_147] : memref<192x16384xf32, #tpu.memory_space<hbm>> -> memref<1x8192xf32, #tpu.memory_space<hbm>>
    %dma_wait3A_149 = arith.constant 8192 : i32
    %dma_wait3A_150 = tpu.memref_slice %arg8[%add3A_6, %dma_wait3A_149] : memref<192x16384xf32, #tpu.memory_space<hbm>> -> memref<1x8192xf32, #tpu.memory_space<hbm>>
    %dma_wait3A_151 = arith.constant 0 : i32
    %dma_wait3A_152 = arith.constant 8192 : i32
    %dma_wait3A_153 = tpu.memref_slice %arg12[%dma_wait3A_151, %dma_wait3A_152] : memref<1x16384xf32, #tpu.memory_space<vmem>> -> memref<1x8192xf32, #tpu.memory_space<vmem>>
    tpu.wait_dma2 semaphore(%arg15 : memref<!tpu.dma_semaphore, #tpu.memory_space<semaphore_mem>>) src(%dma_wait3A_153 : memref<1x8192xf32, #tpu.memory_space<vmem>>) dst(%dma_wait3A_150 : memref<1x8192xf32, #tpu.memory_space<hbm>>)
    %parallel_loop3A_154 = arith.constant 0 : i32
    %parallel_loop3A_155 = arith.constant 4096 : i32
    %parallel_loop3A_156 = arith.constant 16 : i32
    scf.for %parallel_loop3A_586 = %parallel_loop3A_154 to %parallel_loop3A_155 step %parallel_loop3A_156  : i32 {
      %parallel_loop3A_587 = arith.index_cast %parallel_loop3A_586 : i32 to index
      %parallel_loop3A_588 = tpu.vector_load %arg9[%parallel_loop3A_587] {strides = array<i32>} : memref<4096xi32, #tpu.memory_space<vmem>>, vector<16xi32>,
      %parallel_loop3A_589 = arith.constant 0 : i32
      %parallel_loop3A_590 = arith.constant 0 : i32
      %parallel_loop3A_591 = tpu.memref_slice %arg11[%parallel_loop3A_589, %parallel_loop3A_590] : memref<1x100000xf32, #tpu.memory_space<vmem>> -> memref<1x100000xf32, #tpu.memory_space<vmem>>
      %parallel_loop3A_592 = tpu.memref_squeeze %parallel_loop3A_591 : memref<1x100000xf32, #tpu.memory_space<vmem>> -> memref<100000xf32, #tpu.memory_space<vmem>>
      %parallel_loop3A_593 = tpu.vector_load_idx %parallel_loop3A_592[%parallel_loop3A_588] : memref<100000xf32, #tpu.memory_space<vmem>>[vector<16xi32>], vector<16xf32>,
      %parallel_loop3A_594 = arith.constant 8192 : i32
      %parallel_loop3A_595 = arith.addi %parallel_loop3A_594, %parallel_loop3A_586 : i32
      %parallel_loop3A_596 = arith.constant 0 : i32
      %parallel_loop3A_597 = arith.index_cast %parallel_loop3A_596 : i32 to index
      %parallel_loop3A_598 = arith.index_cast %parallel_loop3A_595 : i32 to index
      %parallel_loop3A_599 = tpu.vector_load %arg12[%parallel_loop3A_597, %parallel_loop3A_598] {strides = array<i32>} : memref<1x16384xf32, #tpu.memory_space<vmem>>, vector<16xf32>,
      tpu.vector_store %arg12[%parallel_loop3A_597, %parallel_loop3A_598], %parallel_loop3A_593 {strides = array<i32>} : memref<1x16384xf32, #tpu.memory_space<vmem>>, vector<16xf32>,
    } {sc.loop_unroll_factor = 4 : i64, sc.parallel_access}
    %dma_wait3A_157 = arith.constant 12288 : i32
    %dma_wait3A_158 = tpu.memref_slice %arg2[%dma_wait3A_157] : memref<16384xi32, #tpu.memory_space<hbm>> -> memref<4096xi32, #tpu.memory_space<hbm>>
    %dma_wait3A_159 = arith.constant 12288 : i32
    %dma_wait3A_160 = tpu.memref_slice %arg2[%dma_wait3A_159] : memref<16384xi32, #tpu.memory_space<hbm>> -> memref<4096xi32, #tpu.memory_space<hbm>>
    tpu.wait_dma2 semaphore(%arg17 : memref<!tpu.dma_semaphore, #tpu.memory_space<semaphore_mem>>) src(%dma_wait3A_160 : memref<4096xi32, #tpu.memory_space<hbm>>) dst(%arg10 : memref<4096xi32, #tpu.memory_space<vmem>>)
    %parallel_loop3A_161 = arith.constant 0 : i32
    %parallel_loop3A_162 = arith.constant 4096 : i32
    %parallel_loop3A_163 = arith.constant 16 : i32
    scf.for %parallel_loop3A_586 = %parallel_loop3A_161 to %parallel_loop3A_162 step %parallel_loop3A_163  : i32 {
      %parallel_loop3A_587 = arith.index_cast %parallel_loop3A_586 : i32 to index
      %parallel_loop3A_588 = tpu.vector_load %arg10[%parallel_loop3A_587] {strides = array<i32>} : memref<4096xi32, #tpu.memory_space<vmem>>, vector<16xi32>,
      %parallel_loop3A_589 = arith.constant 0 : i32
      %parallel_loop3A_590 = arith.constant 0 : i32
      %parallel_loop3A_591 = tpu.memref_slice %arg11[%parallel_loop3A_589, %parallel_loop3A_590] : memref<1x100000xf32, #tpu.memory_space<vmem>> -> memref<1x100000xf32, #tpu.memory_space<vmem>>
      %parallel_loop3A_592 = tpu.memref_squeeze %parallel_loop3A_591 : memref<1x100000xf32, #tpu.memory_space<vmem>> -> memref<100000xf32, #tpu.memory_space<vmem>>
      %parallel_loop3A_593 = tpu.vector_load_idx %parallel_loop3A_592[%parallel_loop3A_588] : memref<100000xf32, #tpu.memory_space<vmem>>[vector<16xi32>], vector<16xf32>,
      %parallel_loop3A_594 = arith.constant 12288 : i32
      %parallel_loop3A_595 = arith.addi %parallel_loop3A_594, %parallel_loop3A_586 : i32
      %parallel_loop3A_596 = arith.constant 0 : i32
      %parallel_loop3A_597 = arith.index_cast %parallel_loop3A_596 : i32 to index
      %parallel_loop3A_598 = arith.index_cast %parallel_loop3A_595 : i32 to index
      %parallel_loop3A_599 = tpu.vector_load %arg12[%parallel_loop3A_597, %parallel_loop3A_598] {strides = array<i32>} : memref<1x16384xf32, #tpu.memory_space<vmem>>, vector<16xf32>,
      tpu.vector_store %arg12[%parallel_loop3A_597, %parallel_loop3A_598], %parallel_loop3A_593 {strides = array<i32>} : memref<1x16384xf32, #tpu.memory_space<vmem>>, vector<16xf32>,
    } {sc.loop_unroll_factor = 4 : i64, sc.parallel_access}
    %dma_start3A_164 = arith.constant 0 : i32
    %dma_start3A_165 = arith.constant 8192 : i32
    %dma_start3A_166 = tpu.memref_slice %arg12[%dma_start3A_164, %dma_start3A_165] : memref<1x16384xf32, #tpu.memory_space<vmem>> -> memref<1x8192xf32, #tpu.memory_space<vmem>>
    %dma_start3A_167 = arith.constant 8192 : i32
    %dma_start3A_168 = tpu.memref_slice %arg8[%add3A_81, %dma_start3A_167] : memref<192x16384xf32, #tpu.memory_space<hbm>> -> memref<1x8192xf32, #tpu.memory_space<hbm>>
    %dma_start3A_169 = arith.constant 8192 : i32
    %dma_start3A_170 = tpu.memref_slice %arg8[%add3A_81, %dma_start3A_169] : memref<192x16384xf32, #tpu.memory_space<hbm>> -> memref<1x8192xf32, #tpu.memory_space<hbm>>
    %dma_start3A_171 = arith.constant 0 : i32
    %dma_start3A_172 = arith.constant 8192 : i32
    %dma_start3A_173 = tpu.memref_slice %arg12[%dma_start3A_171, %dma_start3A_172] : memref<1x16384xf32, #tpu.memory_space<vmem>> -> memref<1x8192xf32, #tpu.memory_space<vmem>>
    tpu.enqueue_dma source(%dma_start3A_173 : memref<1x8192xf32, #tpu.memory_space<vmem>>) target(%dma_start3A_170 : memref<1x8192xf32, #tpu.memory_space<hbm>>) target_semaphore(%arg15 : memref<!tpu.dma_semaphore, #tpu.memory_space<semaphore_mem>>)
    %mul3A_174 = arith.constant 2 : i32
    %mul3A_175 = arith.muli %add3A, %mul3A_174 : i32
    %add3A_176 = arith.constant 0 : i32
    %add3A_177 = arith.addi %mul3A_175, %add3A_176 : i32
    %add3A_178 = arith.constant 64 : i32
    %add3A_179 = arith.addi %add3A_178, %add3A_177 : i32
    %dma_start3A_180 = arith.constant 0 : i32
    %dma_start3A_181 = tpu.memref_slice %arg6[%add3A_177, %dma_start3A_180] : memref<64x100000xf32, #tpu.memory_space<hbm>> -> memref<1x100000xf32, #tpu.memory_space<hbm>>
    %dma_start3A_182 = arith.constant 0 : i32
    %dma_start3A_183 = tpu.memref_slice %arg6[%add3A_177, %dma_start3A_182] : memref<64x100000xf32, #tpu.memory_space<hbm>> -> memref<1x100000xf32, #tpu.memory_space<hbm>>
    tpu.enqueue_dma source(%dma_start3A_183 : memref<1x100000xf32, #tpu.memory_space<hbm>>) target(%arg11 : memref<1x100000xf32, #tpu.memory_space<vmem>>) target_semaphore(%arg13 : memref<!tpu.dma_semaphore, #tpu.memory_space<semaphore_mem>>)
    %dma_start3A_184 = arith.constant 0 : i32
    %dma_start3A_185 = tpu.memref_slice %arg3[%dma_start3A_184] : memref<16384xi32, #tpu.memory_space<hbm>> -> memref<4096xi32, #tpu.memory_space<hbm>>
    %dma_start3A_186 = arith.constant 0 : i32
    %dma_start3A_187 = tpu.memref_slice %arg3[%dma_start3A_186] : memref<16384xi32, #tpu.memory_space<hbm>> -> memref<4096xi32, #tpu.memory_space<hbm>>
    tpu.enqueue_dma source(%dma_start3A_187 : memref<4096xi32, #tpu.memory_space<hbm>>) target(%arg9 : memref<4096xi32, #tpu.memory_space<vmem>>) target_semaphore(%arg16 : memref<!tpu.dma_semaphore, #tpu.memory_space<semaphore_mem>>)
    %dma_start3A_188 = arith.constant 4096 : i32
    %dma_start3A_189 = tpu.memref_slice %arg3[%dma_start3A_188] : memref<16384xi32, #tpu.memory_space<hbm>> -> memref<4096xi32, #tpu.memory_space<hbm>>
    %dma_start3A_190 = arith.constant 4096 : i32
    %dma_start3A_191 = tpu.memref_slice %arg3[%dma_start3A_190] : memref<16384xi32, #tpu.memory_space<hbm>> -> memref<4096xi32, #tpu.memory_space<hbm>>
    tpu.enqueue_dma source(%dma_start3A_191 : memref<4096xi32, #tpu.memory_space<hbm>>) target(%arg10 : memref<4096xi32, #tpu.memory_space<vmem>>) target_semaphore(%arg17 : memref<!tpu.dma_semaphore, #tpu.memory_space<semaphore_mem>>)
    %dma_wait3A_192 = arith.constant 0 : i32
    %dma_wait3A_193 = tpu.memref_slice %arg3[%dma_wait3A_192] : memref<16384xi32, #tpu.memory_space<hbm>> -> memref<4096xi32, #tpu.memory_space<hbm>>
    %dma_wait3A_194 = arith.constant 0 : i32
    %dma_wait3A_195 = tpu.memref_slice %arg3[%dma_wait3A_194] : memref<16384xi32, #tpu.memory_space<hbm>> -> memref<4096xi32, #tpu.memory_space<hbm>>
    tpu.wait_dma2 semaphore(%arg16 : memref<!tpu.dma_semaphore, #tpu.memory_space<semaphore_mem>>) src(%dma_wait3A_195 : memref<4096xi32, #tpu.memory_space<hbm>>) dst(%arg9 : memref<4096xi32, #tpu.memory_space<vmem>>)
    %dma_wait3A_196 = arith.constant 0 : i32
    %dma_wait3A_197 = tpu.memref_slice %arg6[%add3A_177, %dma_wait3A_196] : memref<64x100000xf32, #tpu.memory_space<hbm>> -> memref<1x100000xf32, #tpu.memory_space<hbm>>
    %dma_wait3A_198 = arith.constant 0 : i32
    %dma_wait3A_199 = tpu.memref_slice %arg6[%add3A_177, %dma_wait3A_198] : memref<64x100000xf32, #tpu.memory_space<hbm>> -> memref<1x100000xf32, #tpu.memory_space<hbm>>
    tpu.wait_dma2 semaphore(%arg13 : memref<!tpu.dma_semaphore, #tpu.memory_space<semaphore_mem>>) src(%dma_wait3A_199 : memref<1x100000xf32, #tpu.memory_space<hbm>>) dst(%arg11 : memref<1x100000xf32, #tpu.memory_space<vmem>>)
    %dma_wait3A_200 = arith.constant 0 : i32
    %dma_wait3A_201 = arith.constant 0 : i32
    %dma_wait3A_202 = tpu.memref_slice %arg12[%dma_wait3A_200, %dma_wait3A_201] : memref<1x16384xf32, #tpu.memory_space<vmem>> -> memref<1x8192xf32, #tpu.memory_space<vmem>>
    %dma_wait3A_203 = arith.constant 0 : i32
    %dma_wait3A_204 = tpu.memref_slice %arg8[%add3A_81, %dma_wait3A_203] : memref<192x16384xf32, #tpu.memory_space<hbm>> -> memref<1x8192xf32, #tpu.memory_space<hbm>>
    %dma_wait3A_205 = arith.constant 0 : i32
    %dma_wait3A_206 = tpu.memref_slice %arg8[%add3A_81, %dma_wait3A_205] : memref<192x16384xf32, #tpu.memory_space<hbm>> -> memref<1x8192xf32, #tpu.memory_space<hbm>>
    %dma_wait3A_207 = arith.constant 0 : i32
    %dma_wait3A_208 = arith.constant 0 : i32
    %dma_wait3A_209 = tpu.memref_slice %arg12[%dma_wait3A_207, %dma_wait3A_208] : memref<1x16384xf32, #tpu.memory_space<vmem>> -> memref<1x8192xf32, #tpu.memory_space<vmem>>
    tpu.wait_dma2 semaphore(%arg14 : memref<!tpu.dma_semaphore, #tpu.memory_space<semaphore_mem>>) src(%dma_wait3A_209 : memref<1x8192xf32, #tpu.memory_space<vmem>>) dst(%dma_wait3A_206 : memref<1x8192xf32, #tpu.memory_space<hbm>>)
    %parallel_loop3A_210 = arith.constant 0 : i32
    %parallel_loop3A_211 = arith.constant 4096 : i32
    %parallel_loop3A_212 = arith.constant 16 : i32
    scf.for %parallel_loop3A_586 = %parallel_loop3A_210 to %parallel_loop3A_211 step %parallel_loop3A_212  : i32 {
      %parallel_loop3A_587 = arith.index_cast %parallel_loop3A_586 : i32 to index
      %parallel_loop3A_588 = tpu.vector_load %arg9[%parallel_loop3A_587] {strides = array<i32>} : memref<4096xi32, #tpu.memory_space<vmem>>, vector<16xi32>,
      %parallel_loop3A_589 = arith.constant 0 : i32
      %parallel_loop3A_590 = arith.constant 0 : i32
      %parallel_loop3A_591 = tpu.memref_slice %arg11[%parallel_loop3A_589, %parallel_loop3A_590] : memref<1x100000xf32, #tpu.memory_space<vmem>> -> memref<1x100000xf32, #tpu.memory_space<vmem>>
      %parallel_loop3A_592 = tpu.memref_squeeze %parallel_loop3A_591 : memref<1x100000xf32, #tpu.memory_space<vmem>> -> memref<100000xf32, #tpu.memory_space<vmem>>
      %parallel_loop3A_593 = tpu.vector_load_idx %parallel_loop3A_592[%parallel_loop3A_588] : memref<100000xf32, #tpu.memory_space<vmem>>[vector<16xi32>], vector<16xf32>,
      %parallel_loop3A_594 = arith.constant 0 : i32
      %parallel_loop3A_595 = arith.addi %parallel_loop3A_594, %parallel_loop3A_586 : i32
      %parallel_loop3A_596 = arith.constant 0 : i32
      %parallel_loop3A_597 = arith.index_cast %parallel_loop3A_596 : i32 to index
      %parallel_loop3A_598 = arith.index_cast %parallel_loop3A_595 : i32 to index
      %parallel_loop3A_599 = tpu.vector_load %arg12[%parallel_loop3A_597, %parallel_loop3A_598] {strides = array<i32>} : memref<1x16384xf32, #tpu.memory_space<vmem>>, vector<16xf32>,
      tpu.vector_store %arg12[%parallel_loop3A_597, %parallel_loop3A_598], %parallel_loop3A_593 {strides = array<i32>} : memref<1x16384xf32, #tpu.memory_space<vmem>>, vector<16xf32>,
    } {sc.loop_unroll_factor = 4 : i64, sc.parallel_access}
    %dma_start3A_213 = arith.constant 8192 : i32
    %dma_start3A_214 = tpu.memref_slice %arg3[%dma_start3A_213] : memref<16384xi32, #tpu.memory_space<hbm>> -> memref<4096xi32, #tpu.memory_space<hbm>>
    %dma_start3A_215 = arith.constant 8192 : i32
    %dma_start3A_216 = tpu.memref_slice %arg3[%dma_start3A_215] : memref<16384xi32, #tpu.memory_space<hbm>> -> memref<4096xi32, #tpu.memory_space<hbm>>
    tpu.enqueue_dma source(%dma_start3A_216 : memref<4096xi32, #tpu.memory_space<hbm>>) target(%arg9 : memref<4096xi32, #tpu.memory_space<vmem>>) target_semaphore(%arg16 : memref<!tpu.dma_semaphore, #tpu.memory_space<semaphore_mem>>)
    %dma_wait3A_217 = arith.constant 4096 : i32
    %dma_wait3A_218 = tpu.memref_slice %arg3[%dma_wait3A_217] : memref<16384xi32, #tpu.memory_space<hbm>> -> memref<4096xi32, #tpu.memory_space<hbm>>
    %dma_wait3A_219 = arith.constant 4096 : i32
    %dma_wait3A_220 = tpu.memref_slice %arg3[%dma_wait3A_219] : memref<16384xi32, #tpu.memory_space<hbm>> -> memref<4096xi32, #tpu.memory_space<hbm>>
    tpu.wait_dma2 semaphore(%arg17 : memref<!tpu.dma_semaphore, #tpu.memory_space<semaphore_mem>>) src(%dma_wait3A_220 : memref<4096xi32, #tpu.memory_space<hbm>>) dst(%arg10 : memref<4096xi32, #tpu.memory_space<vmem>>)
    %parallel_loop3A_221 = arith.constant 0 : i32
    %parallel_loop3A_222 = arith.constant 4096 : i32
    %parallel_loop3A_223 = arith.constant 16 : i32
    scf.for %parallel_loop3A_586 = %parallel_loop3A_221 to %parallel_loop3A_222 step %parallel_loop3A_223  : i32 {
      %parallel_loop3A_587 = arith.index_cast %parallel_loop3A_586 : i32 to index
      %parallel_loop3A_588 = tpu.vector_load %arg10[%parallel_loop3A_587] {strides = array<i32>} : memref<4096xi32, #tpu.memory_space<vmem>>, vector<16xi32>,
      %parallel_loop3A_589 = arith.constant 0 : i32
      %parallel_loop3A_590 = arith.constant 0 : i32
      %parallel_loop3A_591 = tpu.memref_slice %arg11[%parallel_loop3A_589, %parallel_loop3A_590] : memref<1x100000xf32, #tpu.memory_space<vmem>> -> memref<1x100000xf32, #tpu.memory_space<vmem>>
      %parallel_loop3A_592 = tpu.memref_squeeze %parallel_loop3A_591 : memref<1x100000xf32, #tpu.memory_space<vmem>> -> memref<100000xf32, #tpu.memory_space<vmem>>
      %parallel_loop3A_593 = tpu.vector_load_idx %parallel_loop3A_592[%parallel_loop3A_588] : memref<100000xf32, #tpu.memory_space<vmem>>[vector<16xi32>], vector<16xf32>,
      %parallel_loop3A_594 = arith.constant 4096 : i32
      %parallel_loop3A_595 = arith.addi %parallel_loop3A_594, %parallel_loop3A_586 : i32
      %parallel_loop3A_596 = arith.constant 0 : i32
      %parallel_loop3A_597 = arith.index_cast %parallel_loop3A_596 : i32 to index
      %parallel_loop3A_598 = arith.index_cast %parallel_loop3A_595 : i32 to index
      %parallel_loop3A_599 = tpu.vector_load %arg12[%parallel_loop3A_597, %parallel_loop3A_598] {strides = array<i32>} : memref<1x16384xf32, #tpu.memory_space<vmem>>, vector<16xf32>,
      tpu.vector_store %arg12[%parallel_loop3A_597, %parallel_loop3A_598], %parallel_loop3A_593 {strides = array<i32>} : memref<1x16384xf32, #tpu.memory_space<vmem>>, vector<16xf32>,
    } {sc.loop_unroll_factor = 4 : i64, sc.parallel_access}
    %dma_start3A_224 = arith.constant 0 : i32
    %dma_start3A_225 = arith.constant 0 : i32
    %dma_start3A_226 = tpu.memref_slice %arg12[%dma_start3A_224, %dma_start3A_225] : memref<1x16384xf32, #tpu.memory_space<vmem>> -> memref<1x8192xf32, #tpu.memory_space<vmem>>
    %dma_start3A_227 = arith.constant 0 : i32
    %dma_start3A_228 = tpu.memref_slice %arg8[%add3A_179, %dma_start3A_227] : memref<192x16384xf32, #tpu.memory_space<hbm>> -> memref<1x8192xf32, #tpu.memory_space<hbm>>
    %dma_start3A_229 = arith.constant 0 : i32
    %dma_start3A_230 = tpu.memref_slice %arg8[%add3A_179, %dma_start3A_229] : memref<192x16384xf32, #tpu.memory_space<hbm>> -> memref<1x8192xf32, #tpu.memory_space<hbm>>
    %dma_start3A_231 = arith.constant 0 : i32
    %dma_start3A_232 = arith.constant 0 : i32
    %dma_start3A_233 = tpu.memref_slice %arg12[%dma_start3A_231, %dma_start3A_232] : memref<1x16384xf32, #tpu.memory_space<vmem>> -> memref<1x8192xf32, #tpu.memory_space<vmem>>
    tpu.enqueue_dma source(%dma_start3A_233 : memref<1x8192xf32, #tpu.memory_space<vmem>>) target(%dma_start3A_230 : memref<1x8192xf32, #tpu.memory_space<hbm>>) target_semaphore(%arg14 : memref<!tpu.dma_semaphore, #tpu.memory_space<semaphore_mem>>)
    %dma_start3A_234 = arith.constant 12288 : i32
    %dma_start3A_235 = tpu.memref_slice %arg3[%dma_start3A_234] : memref<16384xi32, #tpu.memory_space<hbm>> -> memref<4096xi32, #tpu.memory_space<hbm>>
    %dma_start3A_236 = arith.constant 12288 : i32
    %dma_start3A_237 = tpu.memref_slice %arg3[%dma_start3A_236] : memref<16384xi32, #tpu.memory_space<hbm>> -> memref<4096xi32, #tpu.memory_space<hbm>>
    tpu.enqueue_dma source(%dma_start3A_237 : memref<4096xi32, #tpu.memory_space<hbm>>) target(%arg10 : memref<4096xi32, #tpu.memory_space<vmem>>) target_semaphore(%arg17 : memref<!tpu.dma_semaphore, #tpu.memory_space<semaphore_mem>>)
    %dma_wait3A_238 = arith.constant 8192 : i32
    %dma_wait3A_239 = tpu.memref_slice %arg3[%dma_wait3A_238] : memref<16384xi32, #tpu.memory_space<hbm>> -> memref<4096xi32, #tpu.memory_space<hbm>>
    %dma_wait3A_240 = arith.constant 8192 : i32
    %dma_wait3A_241 = tpu.memref_slice %arg3[%dma_wait3A_240] : memref<16384xi32, #tpu.memory_space<hbm>> -> memref<4096xi32, #tpu.memory_space<hbm>>
    tpu.wait_dma2 semaphore(%arg16 : memref<!tpu.dma_semaphore, #tpu.memory_space<semaphore_mem>>) src(%dma_wait3A_241 : memref<4096xi32, #tpu.memory_space<hbm>>) dst(%arg9 : memref<4096xi32, #tpu.memory_space<vmem>>)
    %dma_wait3A_242 = arith.constant 0 : i32
    %dma_wait3A_243 = arith.constant 8192 : i32
    %dma_wait3A_244 = tpu.memref_slice %arg12[%dma_wait3A_242, %dma_wait3A_243] : memref<1x16384xf32, #tpu.memory_space<vmem>> -> memref<1x8192xf32, #tpu.memory_space<vmem>>
    %dma_wait3A_245 = arith.constant 8192 : i32
    %dma_wait3A_246 = tpu.memref_slice %arg8[%add3A_81, %dma_wait3A_245] : memref<192x16384xf32, #tpu.memory_space<hbm>> -> memref<1x8192xf32, #tpu.memory_space<hbm>>
    %dma_wait3A_247 = arith.constant 8192 : i32
    %dma_wait3A_248 = tpu.memref_slice %arg8[%add3A_81, %dma_wait3A_247] : memref<192x16384xf32, #tpu.memory_space<hbm>> -> memref<1x8192xf32, #tpu.memory_space<hbm>>
    %dma_wait3A_249 = arith.constant 0 : i32
    %dma_wait3A_250 = arith.constant 8192 : i32
    %dma_wait3A_251 = tpu.memref_slice %arg12[%dma_wait3A_249, %dma_wait3A_250] : memref<1x16384xf32, #tpu.memory_space<vmem>> -> memref<1x8192xf32, #tpu.memory_space<vmem>>
    tpu.wait_dma2 semaphore(%arg15 : memref<!tpu.dma_semaphore, #tpu.memory_space<semaphore_mem>>) src(%dma_wait3A_251 : memref<1x8192xf32, #tpu.memory_space<vmem>>) dst(%dma_wait3A_248 : memref<1x8192xf32, #tpu.memory_space<hbm>>)
    %parallel_loop3A_252 = arith.constant 0 : i32
    %parallel_loop3A_253 = arith.constant 4096 : i32
    %parallel_loop3A_254 = arith.constant 16 : i32
    scf.for %parallel_loop3A_586 = %parallel_loop3A_252 to %parallel_loop3A_253 step %parallel_loop3A_254  : i32 {
      %parallel_loop3A_587 = arith.index_cast %parallel_loop3A_586 : i32 to index
      %parallel_loop3A_588 = tpu.vector_load %arg9[%parallel_loop3A_587] {strides = array<i32>} : memref<4096xi32, #tpu.memory_space<vmem>>, vector<16xi32>,
      %parallel_loop3A_589 = arith.constant 0 : i32
      %parallel_loop3A_590 = arith.constant 0 : i32
      %parallel_loop3A_591 = tpu.memref_slice %arg11[%parallel_loop3A_589, %parallel_loop3A_590] : memref<1x100000xf32, #tpu.memory_space<vmem>> -> memref<1x100000xf32, #tpu.memory_space<vmem>>
      %parallel_loop3A_592 = tpu.memref_squeeze %parallel_loop3A_591 : memref<1x100000xf32, #tpu.memory_space<vmem>> -> memref<100000xf32, #tpu.memory_space<vmem>>
      %parallel_loop3A_593 = tpu.vector_load_idx %parallel_loop3A_592[%parallel_loop3A_588] : memref<100000xf32, #tpu.memory_space<vmem>>[vector<16xi32>], vector<16xf32>,
      %parallel_loop3A_594 = arith.constant 8192 : i32
      %parallel_loop3A_595 = arith.addi %parallel_loop3A_594, %parallel_loop3A_586 : i32
      %parallel_loop3A_596 = arith.constant 0 : i32
      %parallel_loop3A_597 = arith.index_cast %parallel_loop3A_596 : i32 to index
      %parallel_loop3A_598 = arith.index_cast %parallel_loop3A_595 : i32 to index
      %parallel_loop3A_599 = tpu.vector_load %arg12[%parallel_loop3A_597, %parallel_loop3A_598] {strides = array<i32>} : memref<1x16384xf32, #tpu.memory_space<vmem>>, vector<16xf32>,
      tpu.vector_store %arg12[%parallel_loop3A_597, %parallel_loop3A_598], %parallel_loop3A_593 {strides = array<i32>} : memref<1x16384xf32, #tpu.memory_space<vmem>>, vector<16xf32>,
    } {sc.loop_unroll_factor = 4 : i64, sc.parallel_access}
    %dma_wait3A_255 = arith.constant 12288 : i32
    %dma_wait3A_256 = tpu.memref_slice %arg3[%dma_wait3A_255] : memref<16384xi32, #tpu.memory_space<hbm>> -> memref<4096xi32, #tpu.memory_space<hbm>>
    %dma_wait3A_257 = arith.constant 12288 : i32
    %dma_wait3A_258 = tpu.memref_slice %arg3[%dma_wait3A_257] : memref<16384xi32, #tpu.memory_space<hbm>> -> memref<4096xi32, #tpu.memory_space<hbm>>
    tpu.wait_dma2 semaphore(%arg17 : memref<!tpu.dma_semaphore, #tpu.memory_space<semaphore_mem>>) src(%dma_wait3A_258 : memref<4096xi32, #tpu.memory_space<hbm>>) dst(%arg10 : memref<4096xi32, #tpu.memory_space<vmem>>)
    %parallel_loop3A_259 = arith.constant 0 : i32
    %parallel_loop3A_260 = arith.constant 4096 : i32
    %parallel_loop3A_261 = arith.constant 16 : i32
    scf.for %parallel_loop3A_586 = %parallel_loop3A_259 to %parallel_loop3A_260 step %parallel_loop3A_261  : i32 {
      %parallel_loop3A_587 = arith.index_cast %parallel_loop3A_586 : i32 to index
      %parallel_loop3A_588 = tpu.vector_load %arg10[%parallel_loop3A_587] {strides = array<i32>} : memref<4096xi32, #tpu.memory_space<vmem>>, vector<16xi32>,
      %parallel_loop3A_589 = arith.constant 0 : i32
      %parallel_loop3A_590 = arith.constant 0 : i32
      %parallel_loop3A_591 = tpu.memref_slice %arg11[%parallel_loop3A_589, %parallel_loop3A_590] : memref<1x100000xf32, #tpu.memory_space<vmem>> -> memref<1x100000xf32, #tpu.memory_space<vmem>>
      %parallel_loop3A_592 = tpu.memref_squeeze %parallel_loop3A_591 : memref<1x100000xf32, #tpu.memory_space<vmem>> -> memref<100000xf32, #tpu.memory_space<vmem>>
      %parallel_loop3A_593 = tpu.vector_load_idx %parallel_loop3A_592[%parallel_loop3A_588] : memref<100000xf32, #tpu.memory_space<vmem>>[vector<16xi32>], vector<16xf32>,
      %parallel_loop3A_594 = arith.constant 12288 : i32
      %parallel_loop3A_595 = arith.addi %parallel_loop3A_594, %parallel_loop3A_586 : i32
      %parallel_loop3A_596 = arith.constant 0 : i32
      %parallel_loop3A_597 = arith.index_cast %parallel_loop3A_596 : i32 to index
      %parallel_loop3A_598 = arith.index_cast %parallel_loop3A_595 : i32 to index
      %parallel_loop3A_599 = tpu.vector_load %arg12[%parallel_loop3A_597, %parallel_loop3A_598] {strides = array<i32>} : memref<1x16384xf32, #tpu.memory_space<vmem>>, vector<16xf32>,
      tpu.vector_store %arg12[%parallel_loop3A_597, %parallel_loop3A_598], %parallel_loop3A_593 {strides = array<i32>} : memref<1x16384xf32, #tpu.memory_space<vmem>>, vector<16xf32>,
    } {sc.loop_unroll_factor = 4 : i64, sc.parallel_access}
    %dma_start3A_262 = arith.constant 0 : i32
    %dma_start3A_263 = arith.constant 8192 : i32
    %dma_start3A_264 = tpu.memref_slice %arg12[%dma_start3A_262, %dma_start3A_263] : memref<1x16384xf32, #tpu.memory_space<vmem>> -> memref<1x8192xf32, #tpu.memory_space<vmem>>
    %dma_start3A_265 = arith.constant 8192 : i32
    %dma_start3A_266 = tpu.memref_slice %arg8[%add3A_179, %dma_start3A_265] : memref<192x16384xf32, #tpu.memory_space<hbm>> -> memref<1x8192xf32, #tpu.memory_space<hbm>>
    %dma_start3A_267 = arith.constant 8192 : i32
    %dma_start3A_268 = tpu.memref_slice %arg8[%add3A_179, %dma_start3A_267] : memref<192x16384xf32, #tpu.memory_space<hbm>> -> memref<1x8192xf32, #tpu.memory_space<hbm>>
    %dma_start3A_269 = arith.constant 0 : i32
    %dma_start3A_270 = arith.constant 8192 : i32
    %dma_start3A_271 = tpu.memref_slice %arg12[%dma_start3A_269, %dma_start3A_270] : memref<1x16384xf32, #tpu.memory_space<vmem>> -> memref<1x8192xf32, #tpu.memory_space<vmem>>
    tpu.enqueue_dma source(%dma_start3A_271 : memref<1x8192xf32, #tpu.memory_space<vmem>>) target(%dma_start3A_268 : memref<1x8192xf32, #tpu.memory_space<hbm>>) target_semaphore(%arg15 : memref<!tpu.dma_semaphore, #tpu.memory_space<semaphore_mem>>)
    %mul3A_272 = arith.constant 2 : i32
    %mul3A_273 = arith.muli %add3A, %mul3A_272 : i32
    %add3A_274 = arith.constant 1 : i32
    %add3A_275 = arith.addi %mul3A_273, %add3A_274 : i32
    %add3A_276 = arith.constant 64 : i32
    %add3A_277 = arith.addi %add3A_276, %add3A_275 : i32
    %dma_start3A_278 = arith.constant 0 : i32
    %dma_start3A_279 = tpu.memref_slice %arg6[%add3A_275, %dma_start3A_278] : memref<64x100000xf32, #tpu.memory_space<hbm>> -> memref<1x100000xf32, #tpu.memory_space<hbm>>
    %dma_start3A_280 = arith.constant 0 : i32
    %dma_start3A_281 = tpu.memref_slice %arg6[%add3A_275, %dma_start3A_280] : memref<64x100000xf32, #tpu.memory_space<hbm>> -> memref<1x100000xf32, #tpu.memory_space<hbm>>
    tpu.enqueue_dma source(%dma_start3A_281 : memref<1x100000xf32, #tpu.memory_space<hbm>>) target(%arg11 : memref<1x100000xf32, #tpu.memory_space<vmem>>) target_semaphore(%arg13 : memref<!tpu.dma_semaphore, #tpu.memory_space<semaphore_mem>>)
    %dma_start3A_282 = arith.constant 0 : i32
    %dma_start3A_283 = tpu.memref_slice %arg3[%dma_start3A_282] : memref<16384xi32, #tpu.memory_space<hbm>> -> memref<4096xi32, #tpu.memory_space<hbm>>
    %dma_start3A_284 = arith.constant 0 : i32
    %dma_start3A_285 = tpu.memref_slice %arg3[%dma_start3A_284] : memref<16384xi32, #tpu.memory_space<hbm>> -> memref<4096xi32, #tpu.memory_space<hbm>>
    tpu.enqueue_dma source(%dma_start3A_285 : memref<4096xi32, #tpu.memory_space<hbm>>) target(%arg9 : memref<4096xi32, #tpu.memory_space<vmem>>) target_semaphore(%arg16 : memref<!tpu.dma_semaphore, #tpu.memory_space<semaphore_mem>>)
    %dma_start3A_286 = arith.constant 4096 : i32
    %dma_start3A_287 = tpu.memref_slice %arg3[%dma_start3A_286] : memref<16384xi32, #tpu.memory_space<hbm>> -> memref<4096xi32, #tpu.memory_space<hbm>>
    %dma_start3A_288 = arith.constant 4096 : i32
    %dma_start3A_289 = tpu.memref_slice %arg3[%dma_start3A_288] : memref<16384xi32, #tpu.memory_space<hbm>> -> memref<4096xi32, #tpu.memory_space<hbm>>
    tpu.enqueue_dma source(%dma_start3A_289 : memref<4096xi32, #tpu.memory_space<hbm>>) target(%arg10 : memref<4096xi32, #tpu.memory_space<vmem>>) target_semaphore(%arg17 : memref<!tpu.dma_semaphore, #tpu.memory_space<semaphore_mem>>)
    %dma_wait3A_290 = arith.constant 0 : i32
    %dma_wait3A_291 = tpu.memref_slice %arg3[%dma_wait3A_290] : memref<16384xi32, #tpu.memory_space<hbm>> -> memref<4096xi32, #tpu.memory_space<hbm>>
    %dma_wait3A_292 = arith.constant 0 : i32
    %dma_wait3A_293 = tpu.memref_slice %arg3[%dma_wait3A_292] : memref<16384xi32, #tpu.memory_space<hbm>> -> memref<4096xi32, #tpu.memory_space<hbm>>
    tpu.wait_dma2 semaphore(%arg16 : memref<!tpu.dma_semaphore, #tpu.memory_space<semaphore_mem>>) src(%dma_wait3A_293 : memref<4096xi32, #tpu.memory_space<hbm>>) dst(%arg9 : memref<4096xi32, #tpu.memory_space<vmem>>)
    %dma_wait3A_294 = arith.constant 0 : i32
    %dma_wait3A_295 = tpu.memref_slice %arg6[%add3A_275, %dma_wait3A_294] : memref<64x100000xf32, #tpu.memory_space<hbm>> -> memref<1x100000xf32, #tpu.memory_space<hbm>>
    %dma_wait3A_296 = arith.constant 0 : i32
    %dma_wait3A_297 = tpu.memref_slice %arg6[%add3A_275, %dma_wait3A_296] : memref<64x100000xf32, #tpu.memory_space<hbm>> -> memref<1x100000xf32, #tpu.memory_space<hbm>>
    tpu.wait_dma2 semaphore(%arg13 : memref<!tpu.dma_semaphore, #tpu.memory_space<semaphore_mem>>) src(%dma_wait3A_297 : memref<1x100000xf32, #tpu.memory_space<hbm>>) dst(%arg11 : memref<1x100000xf32, #tpu.memory_space<vmem>>)
    %dma_wait3A_298 = arith.constant 0 : i32
    %dma_wait3A_299 = arith.constant 0 : i32
    %dma_wait3A_300 = tpu.memref_slice %arg12[%dma_wait3A_298, %dma_wait3A_299] : memref<1x16384xf32, #tpu.memory_space<vmem>> -> memref<1x8192xf32, #tpu.memory_space<vmem>>
    %dma_wait3A_301 = arith.constant 0 : i32
    %dma_wait3A_302 = tpu.memref_slice %arg8[%add3A_179, %dma_wait3A_301] : memref<192x16384xf32, #tpu.memory_space<hbm>> -> memref<1x8192xf32, #tpu.memory_space<hbm>>
    %dma_wait3A_303 = arith.constant 0 : i32
    %dma_wait3A_304 = tpu.memref_slice %arg8[%add3A_179, %dma_wait3A_303] : memref<192x16384xf32, #tpu.memory_space<hbm>> -> memref<1x8192xf32, #tpu.memory_space<hbm>>
    %dma_wait3A_305 = arith.constant 0 : i32
    %dma_wait3A_306 = arith.constant 0 : i32
    %dma_wait3A_307 = tpu.memref_slice %arg12[%dma_wait3A_305, %dma_wait3A_306] : memref<1x16384xf32, #tpu.memory_space<vmem>> -> memref<1x8192xf32, #tpu.memory_space<vmem>>
    tpu.wait_dma2 semaphore(%arg14 : memref<!tpu.dma_semaphore, #tpu.memory_space<semaphore_mem>>) src(%dma_wait3A_307 : memref<1x8192xf32, #tpu.memory_space<vmem>>) dst(%dma_wait3A_304 : memref<1x8192xf32, #tpu.memory_space<hbm>>)
    %parallel_loop3A_308 = arith.constant 0 : i32
    %parallel_loop3A_309 = arith.constant 4096 : i32
    %parallel_loop3A_310 = arith.constant 16 : i32
    scf.for %parallel_loop3A_586 = %parallel_loop3A_308 to %parallel_loop3A_309 step %parallel_loop3A_310  : i32 {
      %parallel_loop3A_587 = arith.index_cast %parallel_loop3A_586 : i32 to index
      %parallel_loop3A_588 = tpu.vector_load %arg9[%parallel_loop3A_587] {strides = array<i32>} : memref<4096xi32, #tpu.memory_space<vmem>>, vector<16xi32>,
      %parallel_loop3A_589 = arith.constant 0 : i32
      %parallel_loop3A_590 = arith.constant 0 : i32
      %parallel_loop3A_591 = tpu.memref_slice %arg11[%parallel_loop3A_589, %parallel_loop3A_590] : memref<1x100000xf32, #tpu.memory_space<vmem>> -> memref<1x100000xf32, #tpu.memory_space<vmem>>
      %parallel_loop3A_592 = tpu.memref_squeeze %parallel_loop3A_591 : memref<1x100000xf32, #tpu.memory_space<vmem>> -> memref<100000xf32, #tpu.memory_space<vmem>>
      %parallel_loop3A_593 = tpu.vector_load_idx %parallel_loop3A_592[%parallel_loop3A_588] : memref<100000xf32, #tpu.memory_space<vmem>>[vector<16xi32>], vector<16xf32>,
      %parallel_loop3A_594 = arith.constant 0 : i32
      %parallel_loop3A_595 = arith.addi %parallel_loop3A_594, %parallel_loop3A_586 : i32
      %parallel_loop3A_596 = arith.constant 0 : i32
      %parallel_loop3A_597 = arith.index_cast %parallel_loop3A_596 : i32 to index
      %parallel_loop3A_598 = arith.index_cast %parallel_loop3A_595 : i32 to index
      %parallel_loop3A_599 = tpu.vector_load %arg12[%parallel_loop3A_597, %parallel_loop3A_598] {strides = array<i32>} : memref<1x16384xf32, #tpu.memory_space<vmem>>, vector<16xf32>,
      tpu.vector_store %arg12[%parallel_loop3A_597, %parallel_loop3A_598], %parallel_loop3A_593 {strides = array<i32>} : memref<1x16384xf32, #tpu.memory_space<vmem>>, vector<16xf32>,
    } {sc.loop_unroll_factor = 4 : i64, sc.parallel_access}
    %dma_start3A_311 = arith.constant 8192 : i32
    %dma_start3A_312 = tpu.memref_slice %arg3[%dma_start3A_311] : memref<16384xi32, #tpu.memory_space<hbm>> -> memref<4096xi32, #tpu.memory_space<hbm>>
    %dma_start3A_313 = arith.constant 8192 : i32
    %dma_start3A_314 = tpu.memref_slice %arg3[%dma_start3A_313] : memref<16384xi32, #tpu.memory_space<hbm>> -> memref<4096xi32, #tpu.memory_space<hbm>>
    tpu.enqueue_dma source(%dma_start3A_314 : memref<4096xi32, #tpu.memory_space<hbm>>) target(%arg9 : memref<4096xi32, #tpu.memory_space<vmem>>) target_semaphore(%arg16 : memref<!tpu.dma_semaphore, #tpu.memory_space<semaphore_mem>>)
    %dma_wait3A_315 = arith.constant 4096 : i32
    %dma_wait3A_316 = tpu.memref_slice %arg3[%dma_wait3A_315] : memref<16384xi32, #tpu.memory_space<hbm>> -> memref<4096xi32, #tpu.memory_space<hbm>>
    %dma_wait3A_317 = arith.constant 4096 : i32
    %dma_wait3A_318 = tpu.memref_slice %arg3[%dma_wait3A_317] : memref<16384xi32, #tpu.memory_space<hbm>> -> memref<4096xi32, #tpu.memory_space<hbm>>
    tpu.wait_dma2 semaphore(%arg17 : memref<!tpu.dma_semaphore, #tpu.memory_space<semaphore_mem>>) src(%dma_wait3A_318 : memref<4096xi32, #tpu.memory_space<hbm>>) dst(%arg10 : memref<4096xi32, #tpu.memory_space<vmem>>)
    %parallel_loop3A_319 = arith.constant 0 : i32
    %parallel_loop3A_320 = arith.constant 4096 : i32
    %parallel_loop3A_321 = arith.constant 16 : i32
    scf.for %parallel_loop3A_586 = %parallel_loop3A_319 to %parallel_loop3A_320 step %parallel_loop3A_321  : i32 {
      %parallel_loop3A_587 = arith.index_cast %parallel_loop3A_586 : i32 to index
      %parallel_loop3A_588 = tpu.vector_load %arg10[%parallel_loop3A_587] {strides = array<i32>} : memref<4096xi32, #tpu.memory_space<vmem>>, vector<16xi32>,
      %parallel_loop3A_589 = arith.constant 0 : i32
      %parallel_loop3A_590 = arith.constant 0 : i32
      %parallel_loop3A_591 = tpu.memref_slice %arg11[%parallel_loop3A_589, %parallel_loop3A_590] : memref<1x100000xf32, #tpu.memory_space<vmem>> -> memref<1x100000xf32, #tpu.memory_space<vmem>>
      %parallel_loop3A_592 = tpu.memref_squeeze %parallel_loop3A_591 : memref<1x100000xf32, #tpu.memory_space<vmem>> -> memref<100000xf32, #tpu.memory_space<vmem>>
      %parallel_loop3A_593 = tpu.vector_load_idx %parallel_loop3A_592[%parallel_loop3A_588] : memref<100000xf32, #tpu.memory_space<vmem>>[vector<16xi32>], vector<16xf32>,
      %parallel_loop3A_594 = arith.constant 4096 : i32
      %parallel_loop3A_595 = arith.addi %parallel_loop3A_594, %parallel_loop3A_586 : i32
      %parallel_loop3A_596 = arith.constant 0 : i32
      %parallel_loop3A_597 = arith.index_cast %parallel_loop3A_596 : i32 to index
      %parallel_loop3A_598 = arith.index_cast %parallel_loop3A_595 : i32 to index
      %parallel_loop3A_599 = tpu.vector_load %arg12[%parallel_loop3A_597, %parallel_loop3A_598] {strides = array<i32>} : memref<1x16384xf32, #tpu.memory_space<vmem>>, vector<16xf32>,
      tpu.vector_store %arg12[%parallel_loop3A_597, %parallel_loop3A_598], %parallel_loop3A_593 {strides = array<i32>} : memref<1x16384xf32, #tpu.memory_space<vmem>>, vector<16xf32>,
    } {sc.loop_unroll_factor = 4 : i64, sc.parallel_access}
    %dma_start3A_322 = arith.constant 0 : i32
    %dma_start3A_323 = arith.constant 0 : i32
    %dma_start3A_324 = tpu.memref_slice %arg12[%dma_start3A_322, %dma_start3A_323] : memref<1x16384xf32, #tpu.memory_space<vmem>> -> memref<1x8192xf32, #tpu.memory_space<vmem>>
    %dma_start3A_325 = arith.constant 0 : i32
    %dma_start3A_326 = tpu.memref_slice %arg8[%add3A_277, %dma_start3A_325] : memref<192x16384xf32, #tpu.memory_space<hbm>> -> memref<1x8192xf32, #tpu.memory_space<hbm>>
    %dma_start3A_327 = arith.constant 0 : i32
    %dma_start3A_328 = tpu.memref_slice %arg8[%add3A_277, %dma_start3A_327] : memref<192x16384xf32, #tpu.memory_space<hbm>> -> memref<1x8192xf32, #tpu.memory_space<hbm>>
    %dma_start3A_329 = arith.constant 0 : i32
    %dma_start3A_330 = arith.constant 0 : i32
    %dma_start3A_331 = tpu.memref_slice %arg12[%dma_start3A_329, %dma_start3A_330] : memref<1x16384xf32, #tpu.memory_space<vmem>> -> memref<1x8192xf32, #tpu.memory_space<vmem>>
    tpu.enqueue_dma source(%dma_start3A_331 : memref<1x8192xf32, #tpu.memory_space<vmem>>) target(%dma_start3A_328 : memref<1x8192xf32, #tpu.memory_space<hbm>>) target_semaphore(%arg14 : memref<!tpu.dma_semaphore, #tpu.memory_space<semaphore_mem>>)
    %dma_start3A_332 = arith.constant 12288 : i32
    %dma_start3A_333 = tpu.memref_slice %arg3[%dma_start3A_332] : memref<16384xi32, #tpu.memory_space<hbm>> -> memref<4096xi32, #tpu.memory_space<hbm>>
    %dma_start3A_334 = arith.constant 12288 : i32
    %dma_start3A_335 = tpu.memref_slice %arg3[%dma_start3A_334] : memref<16384xi32, #tpu.memory_space<hbm>> -> memref<4096xi32, #tpu.memory_space<hbm>>
    tpu.enqueue_dma source(%dma_start3A_335 : memref<4096xi32, #tpu.memory_space<hbm>>) target(%arg10 : memref<4096xi32, #tpu.memory_space<vmem>>) target_semaphore(%arg17 : memref<!tpu.dma_semaphore, #tpu.memory_space<semaphore_mem>>)
    %dma_wait3A_336 = arith.constant 8192 : i32
    %dma_wait3A_337 = tpu.memref_slice %arg3[%dma_wait3A_336] : memref<16384xi32, #tpu.memory_space<hbm>> -> memref<4096xi32, #tpu.memory_space<hbm>>
    %dma_wait3A_338 = arith.constant 8192 : i32
    %dma_wait3A_339 = tpu.memref_slice %arg3[%dma_wait3A_338] : memref<16384xi32, #tpu.memory_space<hbm>> -> memref<4096xi32, #tpu.memory_space<hbm>>
    tpu.wait_dma2 semaphore(%arg16 : memref<!tpu.dma_semaphore, #tpu.memory_space<semaphore_mem>>) src(%dma_wait3A_339 : memref<4096xi32, #tpu.memory_space<hbm>>) dst(%arg9 : memref<4096xi32, #tpu.memory_space<vmem>>)
    %dma_wait3A_340 = arith.constant 0 : i32
    %dma_wait3A_341 = arith.constant 8192 : i32
    %dma_wait3A_342 = tpu.memref_slice %arg12[%dma_wait3A_340, %dma_wait3A_341] : memref<1x16384xf32, #tpu.memory_space<vmem>> -> memref<1x8192xf32, #tpu.memory_space<vmem>>
    %dma_wait3A_343 = arith.constant 8192 : i32
    %dma_wait3A_344 = tpu.memref_slice %arg8[%add3A_179, %dma_wait3A_343] : memref<192x16384xf32, #tpu.memory_space<hbm>> -> memref<1x8192xf32, #tpu.memory_space<hbm>>
    %dma_wait3A_345 = arith.constant 8192 : i32
    %dma_wait3A_346 = tpu.memref_slice %arg8[%add3A_179, %dma_wait3A_345] : memref<192x16384xf32, #tpu.memory_space<hbm>> -> memref<1x8192xf32, #tpu.memory_space<hbm>>
    %dma_wait3A_347 = arith.constant 0 : i32
    %dma_wait3A_348 = arith.constant 8192 : i32
    %dma_wait3A_349 = tpu.memref_slice %arg12[%dma_wait3A_347, %dma_wait3A_348] : memref<1x16384xf32, #tpu.memory_space<vmem>> -> memref<1x8192xf32, #tpu.memory_space<vmem>>
    tpu.wait_dma2 semaphore(%arg15 : memref<!tpu.dma_semaphore, #tpu.memory_space<semaphore_mem>>) src(%dma_wait3A_349 : memref<1x8192xf32, #tpu.memory_space<vmem>>) dst(%dma_wait3A_346 : memref<1x8192xf32, #tpu.memory_space<hbm>>)
    %parallel_loop3A_350 = arith.constant 0 : i32
    %parallel_loop3A_351 = arith.constant 4096 : i32
    %parallel_loop3A_352 = arith.constant 16 : i32
    scf.for %parallel_loop3A_586 = %parallel_loop3A_350 to %parallel_loop3A_351 step %parallel_loop3A_352  : i32 {
      %parallel_loop3A_587 = arith.index_cast %parallel_loop3A_586 : i32 to index
      %parallel_loop3A_588 = tpu.vector_load %arg9[%parallel_loop3A_587] {strides = array<i32>} : memref<4096xi32, #tpu.memory_space<vmem>>, vector<16xi32>,
      %parallel_loop3A_589 = arith.constant 0 : i32
      %parallel_loop3A_590 = arith.constant 0 : i32
      %parallel_loop3A_591 = tpu.memref_slice %arg11[%parallel_loop3A_589, %parallel_loop3A_590] : memref<1x100000xf32, #tpu.memory_space<vmem>> -> memref<1x100000xf32, #tpu.memory_space<vmem>>
      %parallel_loop3A_592 = tpu.memref_squeeze %parallel_loop3A_591 : memref<1x100000xf32, #tpu.memory_space<vmem>> -> memref<100000xf32, #tpu.memory_space<vmem>>
      %parallel_loop3A_593 = tpu.vector_load_idx %parallel_loop3A_592[%parallel_loop3A_588] : memref<100000xf32, #tpu.memory_space<vmem>>[vector<16xi32>], vector<16xf32>,
      %parallel_loop3A_594 = arith.constant 8192 : i32
      %parallel_loop3A_595 = arith.addi %parallel_loop3A_594, %parallel_loop3A_586 : i32
      %parallel_loop3A_596 = arith.constant 0 : i32
      %parallel_loop3A_597 = arith.index_cast %parallel_loop3A_596 : i32 to index
      %parallel_loop3A_598 = arith.index_cast %parallel_loop3A_595 : i32 to index
      %parallel_loop3A_599 = tpu.vector_load %arg12[%parallel_loop3A_597, %parallel_loop3A_598] {strides = array<i32>} : memref<1x16384xf32, #tpu.memory_space<vmem>>, vector<16xf32>,
      tpu.vector_store %arg12[%parallel_loop3A_597, %parallel_loop3A_598], %parallel_loop3A_593 {strides = array<i32>} : memref<1x16384xf32, #tpu.memory_space<vmem>>, vector<16xf32>,
    } {sc.loop_unroll_factor = 4 : i64, sc.parallel_access}
    %dma_wait3A_353 = arith.constant 12288 : i32
    %dma_wait3A_354 = tpu.memref_slice %arg3[%dma_wait3A_353] : memref<16384xi32, #tpu.memory_space<hbm>> -> memref<4096xi32, #tpu.memory_space<hbm>>
    %dma_wait3A_355 = arith.constant 12288 : i32
    %dma_wait3A_356 = tpu.memref_slice %arg3[%dma_wait3A_355] : memref<16384xi32, #tpu.memory_space<hbm>> -> memref<4096xi32, #tpu.memory_space<hbm>>
    tpu.wait_dma2 semaphore(%arg17 : memref<!tpu.dma_semaphore, #tpu.memory_space<semaphore_mem>>) src(%dma_wait3A_356 : memref<4096xi32, #tpu.memory_space<hbm>>) dst(%arg10 : memref<4096xi32, #tpu.memory_space<vmem>>)
    %parallel_loop3A_357 = arith.constant 0 : i32
    %parallel_loop3A_358 = arith.constant 4096 : i32
    %parallel_loop3A_359 = arith.constant 16 : i32
    scf.for %parallel_loop3A_586 = %parallel_loop3A_357 to %parallel_loop3A_358 step %parallel_loop3A_359  : i32 {
      %parallel_loop3A_587 = arith.index_cast %parallel_loop3A_586 : i32 to index
      %parallel_loop3A_588 = tpu.vector_load %arg10[%parallel_loop3A_587] {strides = array<i32>} : memref<4096xi32, #tpu.memory_space<vmem>>, vector<16xi32>,
      %parallel_loop3A_589 = arith.constant 0 : i32
      %parallel_loop3A_590 = arith.constant 0 : i32
      %parallel_loop3A_591 = tpu.memref_slice %arg11[%parallel_loop3A_589, %parallel_loop3A_590] : memref<1x100000xf32, #tpu.memory_space<vmem>> -> memref<1x100000xf32, #tpu.memory_space<vmem>>
      %parallel_loop3A_592 = tpu.memref_squeeze %parallel_loop3A_591 : memref<1x100000xf32, #tpu.memory_space<vmem>> -> memref<100000xf32, #tpu.memory_space<vmem>>
      %parallel_loop3A_593 = tpu.vector_load_idx %parallel_loop3A_592[%parallel_loop3A_588] : memref<100000xf32, #tpu.memory_space<vmem>>[vector<16xi32>], vector<16xf32>,
      %parallel_loop3A_594 = arith.constant 12288 : i32
      %parallel_loop3A_595 = arith.addi %parallel_loop3A_594, %parallel_loop3A_586 : i32
      %parallel_loop3A_596 = arith.constant 0 : i32
      %parallel_loop3A_597 = arith.index_cast %parallel_loop3A_596 : i32 to index
      %parallel_loop3A_598 = arith.index_cast %parallel_loop3A_595 : i32 to index
      %parallel_loop3A_599 = tpu.vector_load %arg12[%parallel_loop3A_597, %parallel_loop3A_598] {strides = array<i32>} : memref<1x16384xf32, #tpu.memory_space<vmem>>, vector<16xf32>,
      tpu.vector_store %arg12[%parallel_loop3A_597, %parallel_loop3A_598], %parallel_loop3A_593 {strides = array<i32>} : memref<1x16384xf32, #tpu.memory_space<vmem>>, vector<16xf32>,
    } {sc.loop_unroll_factor = 4 : i64, sc.parallel_access}
    %dma_start3A_360 = arith.constant 0 : i32
    %dma_start3A_361 = arith.constant 8192 : i32
    %dma_start3A_362 = tpu.memref_slice %arg12[%dma_start3A_360, %dma_start3A_361] : memref<1x16384xf32, #tpu.memory_space<vmem>> -> memref<1x8192xf32, #tpu.memory_space<vmem>>
    %dma_start3A_363 = arith.constant 8192 : i32
    %dma_start3A_364 = tpu.memref_slice %arg8[%add3A_277, %dma_start3A_363] : memref<192x16384xf32, #tpu.memory_space<hbm>> -> memref<1x8192xf32, #tpu.memory_space<hbm>>
    %dma_start3A_365 = arith.constant 8192 : i32
    %dma_start3A_366 = tpu.memref_slice %arg8[%add3A_277, %dma_start3A_365] : memref<192x16384xf32, #tpu.memory_space<hbm>> -> memref<1x8192xf32, #tpu.memory_space<hbm>>
    %dma_start3A_367 = arith.constant 0 : i32
    %dma_start3A_368 = arith.constant 8192 : i32
    %dma_start3A_369 = tpu.memref_slice %arg12[%dma_start3A_367, %dma_start3A_368] : memref<1x16384xf32, #tpu.memory_space<vmem>> -> memref<1x8192xf32, #tpu.memory_space<vmem>>
    tpu.enqueue_dma source(%dma_start3A_369 : memref<1x8192xf32, #tpu.memory_space<vmem>>) target(%dma_start3A_366 : memref<1x8192xf32, #tpu.memory_space<hbm>>) target_semaphore(%arg15 : memref<!tpu.dma_semaphore, #tpu.memory_space<semaphore_mem>>)
    %mul3A_370 = arith.constant 2 : i32
    %mul3A_371 = arith.muli %add3A, %mul3A_370 : i32
    %add3A_372 = arith.constant 0 : i32
    %add3A_373 = arith.addi %mul3A_371, %add3A_372 : i32
    %add3A_374 = arith.constant 128 : i32
    %add3A_375 = arith.addi %add3A_374, %add3A_373 : i32
    %dma_start3A_376 = arith.constant 0 : i32
    %dma_start3A_377 = tpu.memref_slice %arg7[%add3A_373, %dma_start3A_376] : memref<64x100000xf32, #tpu.memory_space<hbm>> -> memref<1x100000xf32, #tpu.memory_space<hbm>>
    %dma_start3A_378 = arith.constant 0 : i32
    %dma_start3A_379 = tpu.memref_slice %arg7[%add3A_373, %dma_start3A_378] : memref<64x100000xf32, #tpu.memory_space<hbm>> -> memref<1x100000xf32, #tpu.memory_space<hbm>>
    tpu.enqueue_dma source(%dma_start3A_379 : memref<1x100000xf32, #tpu.memory_space<hbm>>) target(%arg11 : memref<1x100000xf32, #tpu.memory_space<vmem>>) target_semaphore(%arg13 : memref<!tpu.dma_semaphore, #tpu.memory_space<semaphore_mem>>)
    %dma_start3A_380 = arith.constant 0 : i32
    %dma_start3A_381 = tpu.memref_slice %arg4[%dma_start3A_380] : memref<16384xi32, #tpu.memory_space<hbm>> -> memref<4096xi32, #tpu.memory_space<hbm>>
    %dma_start3A_382 = arith.constant 0 : i32
    %dma_start3A_383 = tpu.memref_slice %arg4[%dma_start3A_382] : memref<16384xi32, #tpu.memory_space<hbm>> -> memref<4096xi32, #tpu.memory_space<hbm>>
    tpu.enqueue_dma source(%dma_start3A_383 : memref<4096xi32, #tpu.memory_space<hbm>>) target(%arg9 : memref<4096xi32, #tpu.memory_space<vmem>>) target_semaphore(%arg16 : memref<!tpu.dma_semaphore, #tpu.memory_space<semaphore_mem>>)
    %dma_start3A_384 = arith.constant 4096 : i32
    %dma_start3A_385 = tpu.memref_slice %arg4[%dma_start3A_384] : memref<16384xi32, #tpu.memory_space<hbm>> -> memref<4096xi32, #tpu.memory_space<hbm>>
    %dma_start3A_386 = arith.constant 4096 : i32
    %dma_start3A_387 = tpu.memref_slice %arg4[%dma_start3A_386] : memref<16384xi32, #tpu.memory_space<hbm>> -> memref<4096xi32, #tpu.memory_space<hbm>>
    tpu.enqueue_dma source(%dma_start3A_387 : memref<4096xi32, #tpu.memory_space<hbm>>) target(%arg10 : memref<4096xi32, #tpu.memory_space<vmem>>) target_semaphore(%arg17 : memref<!tpu.dma_semaphore, #tpu.memory_space<semaphore_mem>>)
    %dma_wait3A_388 = arith.constant 0 : i32
    %dma_wait3A_389 = tpu.memref_slice %arg4[%dma_wait3A_388] : memref<16384xi32, #tpu.memory_space<hbm>> -> memref<4096xi32, #tpu.memory_space<hbm>>
    %dma_wait3A_390 = arith.constant 0 : i32
    %dma_wait3A_391 = tpu.memref_slice %arg4[%dma_wait3A_390] : memref<16384xi32, #tpu.memory_space<hbm>> -> memref<4096xi32, #tpu.memory_space<hbm>>
    tpu.wait_dma2 semaphore(%arg16 : memref<!tpu.dma_semaphore, #tpu.memory_space<semaphore_mem>>) src(%dma_wait3A_391 : memref<4096xi32, #tpu.memory_space<hbm>>) dst(%arg9 : memref<4096xi32, #tpu.memory_space<vmem>>)
    %dma_wait3A_392 = arith.constant 0 : i32
    %dma_wait3A_393 = tpu.memref_slice %arg7[%add3A_373, %dma_wait3A_392] : memref<64x100000xf32, #tpu.memory_space<hbm>> -> memref<1x100000xf32, #tpu.memory_space<hbm>>
    %dma_wait3A_394 = arith.constant 0 : i32
    %dma_wait3A_395 = tpu.memref_slice %arg7[%add3A_373, %dma_wait3A_394] : memref<64x100000xf32, #tpu.memory_space<hbm>> -> memref<1x100000xf32, #tpu.memory_space<hbm>>
    tpu.wait_dma2 semaphore(%arg13 : memref<!tpu.dma_semaphore, #tpu.memory_space<semaphore_mem>>) src(%dma_wait3A_395 : memref<1x100000xf32, #tpu.memory_space<hbm>>) dst(%arg11 : memref<1x100000xf32, #tpu.memory_space<vmem>>)
    %dma_wait3A_396 = arith.constant 0 : i32
    %dma_wait3A_397 = arith.constant 0 : i32
    %dma_wait3A_398 = tpu.memref_slice %arg12[%dma_wait3A_396, %dma_wait3A_397] : memref<1x16384xf32, #tpu.memory_space<vmem>> -> memref<1x8192xf32, #tpu.memory_space<vmem>>
    %dma_wait3A_399 = arith.constant 0 : i32
    %dma_wait3A_400 = tpu.memref_slice %arg8[%add3A_277, %dma_wait3A_399] : memref<192x16384xf32, #tpu.memory_space<hbm>> -> memref<1x8192xf32, #tpu.memory_space<hbm>>
    %dma_wait3A_401 = arith.constant 0 : i32
    %dma_wait3A_402 = tpu.memref_slice %arg8[%add3A_277, %dma_wait3A_401] : memref<192x16384xf32, #tpu.memory_space<hbm>> -> memref<1x8192xf32, #tpu.memory_space<hbm>>
    %dma_wait3A_403 = arith.constant 0 : i32
    %dma_wait3A_404 = arith.constant 0 : i32
    %dma_wait3A_405 = tpu.memref_slice %arg12[%dma_wait3A_403, %dma_wait3A_404] : memref<1x16384xf32, #tpu.memory_space<vmem>> -> memref<1x8192xf32, #tpu.memory_space<vmem>>
    tpu.wait_dma2 semaphore(%arg14 : memref<!tpu.dma_semaphore, #tpu.memory_space<semaphore_mem>>) src(%dma_wait3A_405 : memref<1x8192xf32, #tpu.memory_space<vmem>>) dst(%dma_wait3A_402 : memref<1x8192xf32, #tpu.memory_space<hbm>>)
    %parallel_loop3A_406 = arith.constant 0 : i32
    %parallel_loop3A_407 = arith.constant 4096 : i32
    %parallel_loop3A_408 = arith.constant 16 : i32
    scf.for %parallel_loop3A_586 = %parallel_loop3A_406 to %parallel_loop3A_407 step %parallel_loop3A_408  : i32 {
      %parallel_loop3A_587 = arith.index_cast %parallel_loop3A_586 : i32 to index
      %parallel_loop3A_588 = tpu.vector_load %arg9[%parallel_loop3A_587] {strides = array<i32>} : memref<4096xi32, #tpu.memory_space<vmem>>, vector<16xi32>,
      %parallel_loop3A_589 = arith.constant 0 : i32
      %parallel_loop3A_590 = arith.constant 0 : i32
      %parallel_loop3A_591 = tpu.memref_slice %arg11[%parallel_loop3A_589, %parallel_loop3A_590] : memref<1x100000xf32, #tpu.memory_space<vmem>> -> memref<1x100000xf32, #tpu.memory_space<vmem>>
      %parallel_loop3A_592 = tpu.memref_squeeze %parallel_loop3A_591 : memref<1x100000xf32, #tpu.memory_space<vmem>> -> memref<100000xf32, #tpu.memory_space<vmem>>
      %parallel_loop3A_593 = tpu.vector_load_idx %parallel_loop3A_592[%parallel_loop3A_588] : memref<100000xf32, #tpu.memory_space<vmem>>[vector<16xi32>], vector<16xf32>,
      %parallel_loop3A_594 = arith.constant 0 : i32
      %parallel_loop3A_595 = arith.addi %parallel_loop3A_594, %parallel_loop3A_586 : i32
      %parallel_loop3A_596 = arith.constant 0 : i32
      %parallel_loop3A_597 = arith.index_cast %parallel_loop3A_596 : i32 to index
      %parallel_loop3A_598 = arith.index_cast %parallel_loop3A_595 : i32 to index
      %parallel_loop3A_599 = tpu.vector_load %arg12[%parallel_loop3A_597, %parallel_loop3A_598] {strides = array<i32>} : memref<1x16384xf32, #tpu.memory_space<vmem>>, vector<16xf32>,
      tpu.vector_store %arg12[%parallel_loop3A_597, %parallel_loop3A_598], %parallel_loop3A_593 {strides = array<i32>} : memref<1x16384xf32, #tpu.memory_space<vmem>>, vector<16xf32>,
    } {sc.loop_unroll_factor = 4 : i64, sc.parallel_access}
    %dma_start3A_409 = arith.constant 8192 : i32
    %dma_start3A_410 = tpu.memref_slice %arg4[%dma_start3A_409] : memref<16384xi32, #tpu.memory_space<hbm>> -> memref<4096xi32, #tpu.memory_space<hbm>>
    %dma_start3A_411 = arith.constant 8192 : i32
    %dma_start3A_412 = tpu.memref_slice %arg4[%dma_start3A_411] : memref<16384xi32, #tpu.memory_space<hbm>> -> memref<4096xi32, #tpu.memory_space<hbm>>
    tpu.enqueue_dma source(%dma_start3A_412 : memref<4096xi32, #tpu.memory_space<hbm>>) target(%arg9 : memref<4096xi32, #tpu.memory_space<vmem>>) target_semaphore(%arg16 : memref<!tpu.dma_semaphore, #tpu.memory_space<semaphore_mem>>)
    %dma_wait3A_413 = arith.constant 4096 : i32
    %dma_wait3A_414 = tpu.memref_slice %arg4[%dma_wait3A_413] : memref<16384xi32, #tpu.memory_space<hbm>> -> memref<4096xi32, #tpu.memory_space<hbm>>
    %dma_wait3A_415 = arith.constant 4096 : i32
    %dma_wait3A_416 = tpu.memref_slice %arg4[%dma_wait3A_415] : memref<16384xi32, #tpu.memory_space<hbm>> -> memref<4096xi32, #tpu.memory_space<hbm>>
    tpu.wait_dma2 semaphore(%arg17 : memref<!tpu.dma_semaphore, #tpu.memory_space<semaphore_mem>>) src(%dma_wait3A_416 : memref<4096xi32, #tpu.memory_space<hbm>>) dst(%arg10 : memref<4096xi32, #tpu.memory_space<vmem>>)
    %parallel_loop3A_417 = arith.constant 0 : i32
    %parallel_loop3A_418 = arith.constant 4096 : i32
    %parallel_loop3A_419 = arith.constant 16 : i32
    scf.for %parallel_loop3A_586 = %parallel_loop3A_417 to %parallel_loop3A_418 step %parallel_loop3A_419  : i32 {
      %parallel_loop3A_587 = arith.index_cast %parallel_loop3A_586 : i32 to index
      %parallel_loop3A_588 = tpu.vector_load %arg10[%parallel_loop3A_587] {strides = array<i32>} : memref<4096xi32, #tpu.memory_space<vmem>>, vector<16xi32>,
      %parallel_loop3A_589 = arith.constant 0 : i32
      %parallel_loop3A_590 = arith.constant 0 : i32
      %parallel_loop3A_591 = tpu.memref_slice %arg11[%parallel_loop3A_589, %parallel_loop3A_590] : memref<1x100000xf32, #tpu.memory_space<vmem>> -> memref<1x100000xf32, #tpu.memory_space<vmem>>
      %parallel_loop3A_592 = tpu.memref_squeeze %parallel_loop3A_591 : memref<1x100000xf32, #tpu.memory_space<vmem>> -> memref<100000xf32, #tpu.memory_space<vmem>>
      %parallel_loop3A_593 = tpu.vector_load_idx %parallel_loop3A_592[%parallel_loop3A_588] : memref<100000xf32, #tpu.memory_space<vmem>>[vector<16xi32>], vector<16xf32>,
      %parallel_loop3A_594 = arith.constant 4096 : i32
      %parallel_loop3A_595 = arith.addi %parallel_loop3A_594, %parallel_loop3A_586 : i32
      %parallel_loop3A_596 = arith.constant 0 : i32
      %parallel_loop3A_597 = arith.index_cast %parallel_loop3A_596 : i32 to index
      %parallel_loop3A_598 = arith.index_cast %parallel_loop3A_595 : i32 to index
      %parallel_loop3A_599 = tpu.vector_load %arg12[%parallel_loop3A_597, %parallel_loop3A_598] {strides = array<i32>} : memref<1x16384xf32, #tpu.memory_space<vmem>>, vector<16xf32>,
      tpu.vector_store %arg12[%parallel_loop3A_597, %parallel_loop3A_598], %parallel_loop3A_593 {strides = array<i32>} : memref<1x16384xf32, #tpu.memory_space<vmem>>, vector<16xf32>,
    } {sc.loop_unroll_factor = 4 : i64, sc.parallel_access}
    %dma_start3A_420 = arith.constant 0 : i32
    %dma_start3A_421 = arith.constant 0 : i32
    %dma_start3A_422 = tpu.memref_slice %arg12[%dma_start3A_420, %dma_start3A_421] : memref<1x16384xf32, #tpu.memory_space<vmem>> -> memref<1x8192xf32, #tpu.memory_space<vmem>>
    %dma_start3A_423 = arith.constant 0 : i32
    %dma_start3A_424 = tpu.memref_slice %arg8[%add3A_375, %dma_start3A_423] : memref<192x16384xf32, #tpu.memory_space<hbm>> -> memref<1x8192xf32, #tpu.memory_space<hbm>>
    %dma_start3A_425 = arith.constant 0 : i32
    %dma_start3A_426 = tpu.memref_slice %arg8[%add3A_375, %dma_start3A_425] : memref<192x16384xf32, #tpu.memory_space<hbm>> -> memref<1x8192xf32, #tpu.memory_space<hbm>>
    %dma_start3A_427 = arith.constant 0 : i32
    %dma_start3A_428 = arith.constant 0 : i32
    %dma_start3A_429 = tpu.memref_slice %arg12[%dma_start3A_427, %dma_start3A_428] : memref<1x16384xf32, #tpu.memory_space<vmem>> -> memref<1x8192xf32, #tpu.memory_space<vmem>>
    tpu.enqueue_dma source(%dma_start3A_429 : memref<1x8192xf32, #tpu.memory_space<vmem>>) target(%dma_start3A_426 : memref<1x8192xf32, #tpu.memory_space<hbm>>) target_semaphore(%arg14 : memref<!tpu.dma_semaphore, #tpu.memory_space<semaphore_mem>>)
    %dma_start3A_430 = arith.constant 12288 : i32
    %dma_start3A_431 = tpu.memref_slice %arg4[%dma_start3A_430] : memref<16384xi32, #tpu.memory_space<hbm>> -> memref<4096xi32, #tpu.memory_space<hbm>>
    %dma_start3A_432 = arith.constant 12288 : i32
    %dma_start3A_433 = tpu.memref_slice %arg4[%dma_start3A_432] : memref<16384xi32, #tpu.memory_space<hbm>> -> memref<4096xi32, #tpu.memory_space<hbm>>
    tpu.enqueue_dma source(%dma_start3A_433 : memref<4096xi32, #tpu.memory_space<hbm>>) target(%arg10 : memref<4096xi32, #tpu.memory_space<vmem>>) target_semaphore(%arg17 : memref<!tpu.dma_semaphore, #tpu.memory_space<semaphore_mem>>)
    %dma_wait3A_434 = arith.constant 8192 : i32
    %dma_wait3A_435 = tpu.memref_slice %arg4[%dma_wait3A_434] : memref<16384xi32, #tpu.memory_space<hbm>> -> memref<4096xi32, #tpu.memory_space<hbm>>
    %dma_wait3A_436 = arith.constant 8192 : i32
    %dma_wait3A_437 = tpu.memref_slice %arg4[%dma_wait3A_436] : memref<16384xi32, #tpu.memory_space<hbm>> -> memref<4096xi32, #tpu.memory_space<hbm>>
    tpu.wait_dma2 semaphore(%arg16 : memref<!tpu.dma_semaphore, #tpu.memory_space<semaphore_mem>>) src(%dma_wait3A_437 : memref<4096xi32, #tpu.memory_space<hbm>>) dst(%arg9 : memref<4096xi32, #tpu.memory_space<vmem>>)
    %dma_wait3A_438 = arith.constant 0 : i32
    %dma_wait3A_439 = arith.constant 8192 : i32
    %dma_wait3A_440 = tpu.memref_slice %arg12[%dma_wait3A_438, %dma_wait3A_439] : memref<1x16384xf32, #tpu.memory_space<vmem>> -> memref<1x8192xf32, #tpu.memory_space<vmem>>
    %dma_wait3A_441 = arith.constant 8192 : i32
    %dma_wait3A_442 = tpu.memref_slice %arg8[%add3A_277, %dma_wait3A_441] : memref<192x16384xf32, #tpu.memory_space<hbm>> -> memref<1x8192xf32, #tpu.memory_space<hbm>>
    %dma_wait3A_443 = arith.constant 8192 : i32
    %dma_wait3A_444 = tpu.memref_slice %arg8[%add3A_277, %dma_wait3A_443] : memref<192x16384xf32, #tpu.memory_space<hbm>> -> memref<1x8192xf32, #tpu.memory_space<hbm>>
    %dma_wait3A_445 = arith.constant 0 : i32
    %dma_wait3A_446 = arith.constant 8192 : i32
    %dma_wait3A_447 = tpu.memref_slice %arg12[%dma_wait3A_445, %dma_wait3A_446] : memref<1x16384xf32, #tpu.memory_space<vmem>> -> memref<1x8192xf32, #tpu.memory_space<vmem>>
    tpu.wait_dma2 semaphore(%arg15 : memref<!tpu.dma_semaphore, #tpu.memory_space<semaphore_mem>>) src(%dma_wait3A_447 : memref<1x8192xf32, #tpu.memory_space<vmem>>) dst(%dma_wait3A_444 : memref<1x8192xf32, #tpu.memory_space<hbm>>)
    %parallel_loop3A_448 = arith.constant 0 : i32
    %parallel_loop3A_449 = arith.constant 4096 : i32
    %parallel_loop3A_450 = arith.constant 16 : i32
    scf.for %parallel_loop3A_586 = %parallel_loop3A_448 to %parallel_loop3A_449 step %parallel_loop3A_450  : i32 {
      %parallel_loop3A_587 = arith.index_cast %parallel_loop3A_586 : i32 to index
      %parallel_loop3A_588 = tpu.vector_load %arg9[%parallel_loop3A_587] {strides = array<i32>} : memref<4096xi32, #tpu.memory_space<vmem>>, vector<16xi32>,
      %parallel_loop3A_589 = arith.constant 0 : i32
      %parallel_loop3A_590 = arith.constant 0 : i32
      %parallel_loop3A_591 = tpu.memref_slice %arg11[%parallel_loop3A_589, %parallel_loop3A_590] : memref<1x100000xf32, #tpu.memory_space<vmem>> -> memref<1x100000xf32, #tpu.memory_space<vmem>>
      %parallel_loop3A_592 = tpu.memref_squeeze %parallel_loop3A_591 : memref<1x100000xf32, #tpu.memory_space<vmem>> -> memref<100000xf32, #tpu.memory_space<vmem>>
      %parallel_loop3A_593 = tpu.vector_load_idx %parallel_loop3A_592[%parallel_loop3A_588] : memref<100000xf32, #tpu.memory_space<vmem>>[vector<16xi32>], vector<16xf32>,
      %parallel_loop3A_594 = arith.constant 8192 : i32
      %parallel_loop3A_595 = arith.addi %parallel_loop3A_594, %parallel_loop3A_586 : i32
      %parallel_loop3A_596 = arith.constant 0 : i32
      %parallel_loop3A_597 = arith.index_cast %parallel_loop3A_596 : i32 to index
      %parallel_loop3A_598 = arith.index_cast %parallel_loop3A_595 : i32 to index
      %parallel_loop3A_599 = tpu.vector_load %arg12[%parallel_loop3A_597, %parallel_loop3A_598] {strides = array<i32>} : memref<1x16384xf32, #tpu.memory_space<vmem>>, vector<16xf32>,
      tpu.vector_store %arg12[%parallel_loop3A_597, %parallel_loop3A_598], %parallel_loop3A_593 {strides = array<i32>} : memref<1x16384xf32, #tpu.memory_space<vmem>>, vector<16xf32>,
    } {sc.loop_unroll_factor = 4 : i64, sc.parallel_access}
    %dma_wait3A_451 = arith.constant 12288 : i32
    %dma_wait3A_452 = tpu.memref_slice %arg4[%dma_wait3A_451] : memref<16384xi32, #tpu.memory_space<hbm>> -> memref<4096xi32, #tpu.memory_space<hbm>>
    %dma_wait3A_453 = arith.constant 12288 : i32
    %dma_wait3A_454 = tpu.memref_slice %arg4[%dma_wait3A_453] : memref<16384xi32, #tpu.memory_space<hbm>> -> memref<4096xi32, #tpu.memory_space<hbm>>
    tpu.wait_dma2 semaphore(%arg17 : memref<!tpu.dma_semaphore, #tpu.memory_space<semaphore_mem>>) src(%dma_wait3A_454 : memref<4096xi32, #tpu.memory_space<hbm>>) dst(%arg10 : memref<4096xi32, #tpu.memory_space<vmem>>)
    %parallel_loop3A_455 = arith.constant 0 : i32
    %parallel_loop3A_456 = arith.constant 4096 : i32
    %parallel_loop3A_457 = arith.constant 16 : i32
    scf.for %parallel_loop3A_586 = %parallel_loop3A_455 to %parallel_loop3A_456 step %parallel_loop3A_457  : i32 {
      %parallel_loop3A_587 = arith.index_cast %parallel_loop3A_586 : i32 to index
      %parallel_loop3A_588 = tpu.vector_load %arg10[%parallel_loop3A_587] {strides = array<i32>} : memref<4096xi32, #tpu.memory_space<vmem>>, vector<16xi32>,
      %parallel_loop3A_589 = arith.constant 0 : i32
      %parallel_loop3A_590 = arith.constant 0 : i32
      %parallel_loop3A_591 = tpu.memref_slice %arg11[%parallel_loop3A_589, %parallel_loop3A_590] : memref<1x100000xf32, #tpu.memory_space<vmem>> -> memref<1x100000xf32, #tpu.memory_space<vmem>>
      %parallel_loop3A_592 = tpu.memref_squeeze %parallel_loop3A_591 : memref<1x100000xf32, #tpu.memory_space<vmem>> -> memref<100000xf32, #tpu.memory_space<vmem>>
      %parallel_loop3A_593 = tpu.vector_load_idx %parallel_loop3A_592[%parallel_loop3A_588] : memref<100000xf32, #tpu.memory_space<vmem>>[vector<16xi32>], vector<16xf32>,
      %parallel_loop3A_594 = arith.constant 12288 : i32
      %parallel_loop3A_595 = arith.addi %parallel_loop3A_594, %parallel_loop3A_586 : i32
      %parallel_loop3A_596 = arith.constant 0 : i32
      %parallel_loop3A_597 = arith.index_cast %parallel_loop3A_596 : i32 to index
      %parallel_loop3A_598 = arith.index_cast %parallel_loop3A_595 : i32 to index
      %parallel_loop3A_599 = tpu.vector_load %arg12[%parallel_loop3A_597, %parallel_loop3A_598] {strides = array<i32>} : memref<1x16384xf32, #tpu.memory_space<vmem>>, vector<16xf32>,
      tpu.vector_store %arg12[%parallel_loop3A_597, %parallel_loop3A_598], %parallel_loop3A_593 {strides = array<i32>} : memref<1x16384xf32, #tpu.memory_space<vmem>>, vector<16xf32>,
    } {sc.loop_unroll_factor = 4 : i64, sc.parallel_access}
    %dma_start3A_458 = arith.constant 0 : i32
    %dma_start3A_459 = arith.constant 8192 : i32
    %dma_start3A_460 = tpu.memref_slice %arg12[%dma_start3A_458, %dma_start3A_459] : memref<1x16384xf32, #tpu.memory_space<vmem>> -> memref<1x8192xf32, #tpu.memory_space<vmem>>
    %dma_start3A_461 = arith.constant 8192 : i32
    %dma_start3A_462 = tpu.memref_slice %arg8[%add3A_375, %dma_start3A_461] : memref<192x16384xf32, #tpu.memory_space<hbm>> -> memref<1x8192xf32, #tpu.memory_space<hbm>>
    %dma_start3A_463 = arith.constant 8192 : i32
    %dma_start3A_464 = tpu.memref_slice %arg8[%add3A_375, %dma_start3A_463] : memref<192x16384xf32, #tpu.memory_space<hbm>> -> memref<1x8192xf32, #tpu.memory_space<hbm>>
    %dma_start3A_465 = arith.constant 0 : i32
    %dma_start3A_466 = arith.constant 8192 : i32
    %dma_start3A_467 = tpu.memref_slice %arg12[%dma_start3A_465, %dma_start3A_466] : memref<1x16384xf32, #tpu.memory_space<vmem>> -> memref<1x8192xf32, #tpu.memory_space<vmem>>
    tpu.enqueue_dma source(%dma_start3A_467 : memref<1x8192xf32, #tpu.memory_space<vmem>>) target(%dma_start3A_464 : memref<1x8192xf32, #tpu.memory_space<hbm>>) target_semaphore(%arg15 : memref<!tpu.dma_semaphore, #tpu.memory_space<semaphore_mem>>)
    %mul3A_468 = arith.constant 2 : i32
    %mul3A_469 = arith.muli %add3A, %mul3A_468 : i32
    %add3A_470 = arith.constant 1 : i32
    %add3A_471 = arith.addi %mul3A_469, %add3A_470 : i32
    %add3A_472 = arith.constant 128 : i32
    %add3A_473 = arith.addi %add3A_472, %add3A_471 : i32
    %dma_start3A_474 = arith.constant 0 : i32
    %dma_start3A_475 = tpu.memref_slice %arg7[%add3A_471, %dma_start3A_474] : memref<64x100000xf32, #tpu.memory_space<hbm>> -> memref<1x100000xf32, #tpu.memory_space<hbm>>
    %dma_start3A_476 = arith.constant 0 : i32
    %dma_start3A_477 = tpu.memref_slice %arg7[%add3A_471, %dma_start3A_476] : memref<64x100000xf32, #tpu.memory_space<hbm>> -> memref<1x100000xf32, #tpu.memory_space<hbm>>
    tpu.enqueue_dma source(%dma_start3A_477 : memref<1x100000xf32, #tpu.memory_space<hbm>>) target(%arg11 : memref<1x100000xf32, #tpu.memory_space<vmem>>) target_semaphore(%arg13 : memref<!tpu.dma_semaphore, #tpu.memory_space<semaphore_mem>>)
    %dma_start3A_478 = arith.constant 0 : i32
    %dma_start3A_479 = tpu.memref_slice %arg4[%dma_start3A_478] : memref<16384xi32, #tpu.memory_space<hbm>> -> memref<4096xi32, #tpu.memory_space<hbm>>
    %dma_start3A_480 = arith.constant 0 : i32
    %dma_start3A_481 = tpu.memref_slice %arg4[%dma_start3A_480] : memref<16384xi32, #tpu.memory_space<hbm>> -> memref<4096xi32, #tpu.memory_space<hbm>>
    tpu.enqueue_dma source(%dma_start3A_481 : memref<4096xi32, #tpu.memory_space<hbm>>) target(%arg9 : memref<4096xi32, #tpu.memory_space<vmem>>) target_semaphore(%arg16 : memref<!tpu.dma_semaphore, #tpu.memory_space<semaphore_mem>>)
    %dma_start3A_482 = arith.constant 4096 : i32
    %dma_start3A_483 = tpu.memref_slice %arg4[%dma_start3A_482] : memref<16384xi32, #tpu.memory_space<hbm>> -> memref<4096xi32, #tpu.memory_space<hbm>>
    %dma_start3A_484 = arith.constant 4096 : i32
    %dma_start3A_485 = tpu.memref_slice %arg4[%dma_start3A_484] : memref<16384xi32, #tpu.memory_space<hbm>> -> memref<4096xi32, #tpu.memory_space<hbm>>
    tpu.enqueue_dma source(%dma_start3A_485 : memref<4096xi32, #tpu.memory_space<hbm>>) target(%arg10 : memref<4096xi32, #tpu.memory_space<vmem>>) target_semaphore(%arg17 : memref<!tpu.dma_semaphore, #tpu.memory_space<semaphore_mem>>)
    %dma_wait3A_486 = arith.constant 0 : i32
    %dma_wait3A_487 = tpu.memref_slice %arg4[%dma_wait3A_486] : memref<16384xi32, #tpu.memory_space<hbm>> -> memref<4096xi32, #tpu.memory_space<hbm>>
    %dma_wait3A_488 = arith.constant 0 : i32
    %dma_wait3A_489 = tpu.memref_slice %arg4[%dma_wait3A_488] : memref<16384xi32, #tpu.memory_space<hbm>> -> memref<4096xi32, #tpu.memory_space<hbm>>
    tpu.wait_dma2 semaphore(%arg16 : memref<!tpu.dma_semaphore, #tpu.memory_space<semaphore_mem>>) src(%dma_wait3A_489 : memref<4096xi32, #tpu.memory_space<hbm>>) dst(%arg9 : memref<4096xi32, #tpu.memory_space<vmem>>)
    %dma_wait3A_490 = arith.constant 0 : i32
    %dma_wait3A_491 = tpu.memref_slice %arg7[%add3A_471, %dma_wait3A_490] : memref<64x100000xf32, #tpu.memory_space<hbm>> -> memref<1x100000xf32, #tpu.memory_space<hbm>>
    %dma_wait3A_492 = arith.constant 0 : i32
    %dma_wait3A_493 = tpu.memref_slice %arg7[%add3A_471, %dma_wait3A_492] : memref<64x100000xf32, #tpu.memory_space<hbm>> -> memref<1x100000xf32, #tpu.memory_space<hbm>>
    tpu.wait_dma2 semaphore(%arg13 : memref<!tpu.dma_semaphore, #tpu.memory_space<semaphore_mem>>) src(%dma_wait3A_493 : memref<1x100000xf32, #tpu.memory_space<hbm>>) dst(%arg11 : memref<1x100000xf32, #tpu.memory_space<vmem>>)
    %dma_wait3A_494 = arith.constant 0 : i32
    %dma_wait3A_495 = arith.constant 0 : i32
    %dma_wait3A_496 = tpu.memref_slice %arg12[%dma_wait3A_494, %dma_wait3A_495] : memref<1x16384xf32, #tpu.memory_space<vmem>> -> memref<1x8192xf32, #tpu.memory_space<vmem>>
    %dma_wait3A_497 = arith.constant 0 : i32
    %dma_wait3A_498 = tpu.memref_slice %arg8[%add3A_375, %dma_wait3A_497] : memref<192x16384xf32, #tpu.memory_space<hbm>> -> memref<1x8192xf32, #tpu.memory_space<hbm>>
    %dma_wait3A_499 = arith.constant 0 : i32
    %dma_wait3A_500 = tpu.memref_slice %arg8[%add3A_375, %dma_wait3A_499] : memref<192x16384xf32, #tpu.memory_space<hbm>> -> memref<1x8192xf32, #tpu.memory_space<hbm>>
    %dma_wait3A_501 = arith.constant 0 : i32
    %dma_wait3A_502 = arith.constant 0 : i32
    %dma_wait3A_503 = tpu.memref_slice %arg12[%dma_wait3A_501, %dma_wait3A_502] : memref<1x16384xf32, #tpu.memory_space<vmem>> -> memref<1x8192xf32, #tpu.memory_space<vmem>>
    tpu.wait_dma2 semaphore(%arg14 : memref<!tpu.dma_semaphore, #tpu.memory_space<semaphore_mem>>) src(%dma_wait3A_503 : memref<1x8192xf32, #tpu.memory_space<vmem>>) dst(%dma_wait3A_500 : memref<1x8192xf32, #tpu.memory_space<hbm>>)
    %parallel_loop3A_504 = arith.constant 0 : i32
    %parallel_loop3A_505 = arith.constant 4096 : i32
    %parallel_loop3A_506 = arith.constant 16 : i32
    scf.for %parallel_loop3A_586 = %parallel_loop3A_504 to %parallel_loop3A_505 step %parallel_loop3A_506  : i32 {
      %parallel_loop3A_587 = arith.index_cast %parallel_loop3A_586 : i32 to index
      %parallel_loop3A_588 = tpu.vector_load %arg9[%parallel_loop3A_587] {strides = array<i32>} : memref<4096xi32, #tpu.memory_space<vmem>>, vector<16xi32>,
      %parallel_loop3A_589 = arith.constant 0 : i32
      %parallel_loop3A_590 = arith.constant 0 : i32
      %parallel_loop3A_591 = tpu.memref_slice %arg11[%parallel_loop3A_589, %parallel_loop3A_590] : memref<1x100000xf32, #tpu.memory_space<vmem>> -> memref<1x100000xf32, #tpu.memory_space<vmem>>
      %parallel_loop3A_592 = tpu.memref_squeeze %parallel_loop3A_591 : memref<1x100000xf32, #tpu.memory_space<vmem>> -> memref<100000xf32, #tpu.memory_space<vmem>>
      %parallel_loop3A_593 = tpu.vector_load_idx %parallel_loop3A_592[%parallel_loop3A_588] : memref<100000xf32, #tpu.memory_space<vmem>>[vector<16xi32>], vector<16xf32>,
      %parallel_loop3A_594 = arith.constant 0 : i32
      %parallel_loop3A_595 = arith.addi %parallel_loop3A_594, %parallel_loop3A_586 : i32
      %parallel_loop3A_596 = arith.constant 0 : i32
      %parallel_loop3A_597 = arith.index_cast %parallel_loop3A_596 : i32 to index
      %parallel_loop3A_598 = arith.index_cast %parallel_loop3A_595 : i32 to index
      %parallel_loop3A_599 = tpu.vector_load %arg12[%parallel_loop3A_597, %parallel_loop3A_598] {strides = array<i32>} : memref<1x16384xf32, #tpu.memory_space<vmem>>, vector<16xf32>,
      tpu.vector_store %arg12[%parallel_loop3A_597, %parallel_loop3A_598], %parallel_loop3A_593 {strides = array<i32>} : memref<1x16384xf32, #tpu.memory_space<vmem>>, vector<16xf32>,
    } {sc.loop_unroll_factor = 4 : i64, sc.parallel_access}
    %dma_start3A_507 = arith.constant 8192 : i32
    %dma_start3A_508 = tpu.memref_slice %arg4[%dma_start3A_507] : memref<16384xi32, #tpu.memory_space<hbm>> -> memref<4096xi32, #tpu.memory_space<hbm>>
    %dma_start3A_509 = arith.constant 8192 : i32
    %dma_start3A_510 = tpu.memref_slice %arg4[%dma_start3A_509] : memref<16384xi32, #tpu.memory_space<hbm>> -> memref<4096xi32, #tpu.memory_space<hbm>>
    tpu.enqueue_dma source(%dma_start3A_510 : memref<4096xi32, #tpu.memory_space<hbm>>) target(%arg9 : memref<4096xi32, #tpu.memory_space<vmem>>) target_semaphore(%arg16 : memref<!tpu.dma_semaphore, #tpu.memory_space<semaphore_mem>>)
    %dma_wait3A_511 = arith.constant 4096 : i32
    %dma_wait3A_512 = tpu.memref_slice %arg4[%dma_wait3A_511] : memref<16384xi32, #tpu.memory_space<hbm>> -> memref<4096xi32, #tpu.memory_space<hbm>>
    %dma_wait3A_513 = arith.constant 4096 : i32
    %dma_wait3A_514 = tpu.memref_slice %arg4[%dma_wait3A_513] : memref<16384xi32, #tpu.memory_space<hbm>> -> memref<4096xi32, #tpu.memory_space<hbm>>
    tpu.wait_dma2 semaphore(%arg17 : memref<!tpu.dma_semaphore, #tpu.memory_space<semaphore_mem>>) src(%dma_wait3A_514 : memref<4096xi32, #tpu.memory_space<hbm>>) dst(%arg10 : memref<4096xi32, #tpu.memory_space<vmem>>)
    %parallel_loop3A_515 = arith.constant 0 : i32
    %parallel_loop3A_516 = arith.constant 4096 : i32
    %parallel_loop3A_517 = arith.constant 16 : i32
    scf.for %parallel_loop3A_586 = %parallel_loop3A_515 to %parallel_loop3A_516 step %parallel_loop3A_517  : i32 {
      %parallel_loop3A_587 = arith.index_cast %parallel_loop3A_586 : i32 to index
      %parallel_loop3A_588 = tpu.vector_load %arg10[%parallel_loop3A_587] {strides = array<i32>} : memref<4096xi32, #tpu.memory_space<vmem>>, vector<16xi32>,
      %parallel_loop3A_589 = arith.constant 0 : i32
      %parallel_loop3A_590 = arith.constant 0 : i32
      %parallel_loop3A_591 = tpu.memref_slice %arg11[%parallel_loop3A_589, %parallel_loop3A_590] : memref<1x100000xf32, #tpu.memory_space<vmem>> -> memref<1x100000xf32, #tpu.memory_space<vmem>>
      %parallel_loop3A_592 = tpu.memref_squeeze %parallel_loop3A_591 : memref<1x100000xf32, #tpu.memory_space<vmem>> -> memref<100000xf32, #tpu.memory_space<vmem>>
      %parallel_loop3A_593 = tpu.vector_load_idx %parallel_loop3A_592[%parallel_loop3A_588] : memref<100000xf32, #tpu.memory_space<vmem>>[vector<16xi32>], vector<16xf32>,
      %parallel_loop3A_594 = arith.constant 4096 : i32
      %parallel_loop3A_595 = arith.addi %parallel_loop3A_594, %parallel_loop3A_586 : i32
      %parallel_loop3A_596 = arith.constant 0 : i32
      %parallel_loop3A_597 = arith.index_cast %parallel_loop3A_596 : i32 to index
      %parallel_loop3A_598 = arith.index_cast %parallel_loop3A_595 : i32 to index
      %parallel_loop3A_599 = tpu.vector_load %arg12[%parallel_loop3A_597, %parallel_loop3A_598] {strides = array<i32>} : memref<1x16384xf32, #tpu.memory_space<vmem>>, vector<16xf32>,
      tpu.vector_store %arg12[%parallel_loop3A_597, %parallel_loop3A_598], %parallel_loop3A_593 {strides = array<i32>} : memref<1x16384xf32, #tpu.memory_space<vmem>>, vector<16xf32>,
    } {sc.loop_unroll_factor = 4 : i64, sc.parallel_access}
    %dma_start3A_518 = arith.constant 0 : i32
    %dma_start3A_519 = arith.constant 0 : i32
    %dma_start3A_520 = tpu.memref_slice %arg12[%dma_start3A_518, %dma_start3A_519] : memref<1x16384xf32, #tpu.memory_space<vmem>> -> memref<1x8192xf32, #tpu.memory_space<vmem>>
    %dma_start3A_521 = arith.constant 0 : i32
    %dma_start3A_522 = tpu.memref_slice %arg8[%add3A_473, %dma_start3A_521] : memref<192x16384xf32, #tpu.memory_space<hbm>> -> memref<1x8192xf32, #tpu.memory_space<hbm>>
    %dma_start3A_523 = arith.constant 0 : i32
    %dma_start3A_524 = tpu.memref_slice %arg8[%add3A_473, %dma_start3A_523] : memref<192x16384xf32, #tpu.memory_space<hbm>> -> memref<1x8192xf32, #tpu.memory_space<hbm>>
    %dma_start3A_525 = arith.constant 0 : i32
    %dma_start3A_526 = arith.constant 0 : i32
    %dma_start3A_527 = tpu.memref_slice %arg12[%dma_start3A_525, %dma_start3A_526] : memref<1x16384xf32, #tpu.memory_space<vmem>> -> memref<1x8192xf32, #tpu.memory_space<vmem>>
    tpu.enqueue_dma source(%dma_start3A_527 : memref<1x8192xf32, #tpu.memory_space<vmem>>) target(%dma_start3A_524 : memref<1x8192xf32, #tpu.memory_space<hbm>>) target_semaphore(%arg14 : memref<!tpu.dma_semaphore, #tpu.memory_space<semaphore_mem>>)
    %dma_start3A_528 = arith.constant 12288 : i32
    %dma_start3A_529 = tpu.memref_slice %arg4[%dma_start3A_528] : memref<16384xi32, #tpu.memory_space<hbm>> -> memref<4096xi32, #tpu.memory_space<hbm>>
    %dma_start3A_530 = arith.constant 12288 : i32
    %dma_start3A_531 = tpu.memref_slice %arg4[%dma_start3A_530] : memref<16384xi32, #tpu.memory_space<hbm>> -> memref<4096xi32, #tpu.memory_space<hbm>>
    tpu.enqueue_dma source(%dma_start3A_531 : memref<4096xi32, #tpu.memory_space<hbm>>) target(%arg10 : memref<4096xi32, #tpu.memory_space<vmem>>) target_semaphore(%arg17 : memref<!tpu.dma_semaphore, #tpu.memory_space<semaphore_mem>>)
    %dma_wait3A_532 = arith.constant 8192 : i32
    %dma_wait3A_533 = tpu.memref_slice %arg4[%dma_wait3A_532] : memref<16384xi32, #tpu.memory_space<hbm>> -> memref<4096xi32, #tpu.memory_space<hbm>>
    %dma_wait3A_534 = arith.constant 8192 : i32
    %dma_wait3A_535 = tpu.memref_slice %arg4[%dma_wait3A_534] : memref<16384xi32, #tpu.memory_space<hbm>> -> memref<4096xi32, #tpu.memory_space<hbm>>
    tpu.wait_dma2 semaphore(%arg16 : memref<!tpu.dma_semaphore, #tpu.memory_space<semaphore_mem>>) src(%dma_wait3A_535 : memref<4096xi32, #tpu.memory_space<hbm>>) dst(%arg9 : memref<4096xi32, #tpu.memory_space<vmem>>)
    %dma_wait3A_536 = arith.constant 0 : i32
    %dma_wait3A_537 = arith.constant 8192 : i32
    %dma_wait3A_538 = tpu.memref_slice %arg12[%dma_wait3A_536, %dma_wait3A_537] : memref<1x16384xf32, #tpu.memory_space<vmem>> -> memref<1x8192xf32, #tpu.memory_space<vmem>>
    %dma_wait3A_539 = arith.constant 8192 : i32
    %dma_wait3A_540 = tpu.memref_slice %arg8[%add3A_375, %dma_wait3A_539] : memref<192x16384xf32, #tpu.memory_space<hbm>> -> memref<1x8192xf32, #tpu.memory_space<hbm>>
    %dma_wait3A_541 = arith.constant 8192 : i32
    %dma_wait3A_542 = tpu.memref_slice %arg8[%add3A_375, %dma_wait3A_541] : memref<192x16384xf32, #tpu.memory_space<hbm>> -> memref<1x8192xf32, #tpu.memory_space<hbm>>
    %dma_wait3A_543 = arith.constant 0 : i32
    %dma_wait3A_544 = arith.constant 8192 : i32
    %dma_wait3A_545 = tpu.memref_slice %arg12[%dma_wait3A_543, %dma_wait3A_544] : memref<1x16384xf32, #tpu.memory_space<vmem>> -> memref<1x8192xf32, #tpu.memory_space<vmem>>
    tpu.wait_dma2 semaphore(%arg15 : memref<!tpu.dma_semaphore, #tpu.memory_space<semaphore_mem>>) src(%dma_wait3A_545 : memref<1x8192xf32, #tpu.memory_space<vmem>>) dst(%dma_wait3A_542 : memref<1x8192xf32, #tpu.memory_space<hbm>>)
    %parallel_loop3A_546 = arith.constant 0 : i32
    %parallel_loop3A_547 = arith.constant 4096 : i32
    %parallel_loop3A_548 = arith.constant 16 : i32
    scf.for %parallel_loop3A_586 = %parallel_loop3A_546 to %parallel_loop3A_547 step %parallel_loop3A_548  : i32 {
      %parallel_loop3A_587 = arith.index_cast %parallel_loop3A_586 : i32 to index
      %parallel_loop3A_588 = tpu.vector_load %arg9[%parallel_loop3A_587] {strides = array<i32>} : memref<4096xi32, #tpu.memory_space<vmem>>, vector<16xi32>,
      %parallel_loop3A_589 = arith.constant 0 : i32
      %parallel_loop3A_590 = arith.constant 0 : i32
      %parallel_loop3A_591 = tpu.memref_slice %arg11[%parallel_loop3A_589, %parallel_loop3A_590] : memref<1x100000xf32, #tpu.memory_space<vmem>> -> memref<1x100000xf32, #tpu.memory_space<vmem>>
      %parallel_loop3A_592 = tpu.memref_squeeze %parallel_loop3A_591 : memref<1x100000xf32, #tpu.memory_space<vmem>> -> memref<100000xf32, #tpu.memory_space<vmem>>
      %parallel_loop3A_593 = tpu.vector_load_idx %parallel_loop3A_592[%parallel_loop3A_588] : memref<100000xf32, #tpu.memory_space<vmem>>[vector<16xi32>], vector<16xf32>,
      %parallel_loop3A_594 = arith.constant 8192 : i32
      %parallel_loop3A_595 = arith.addi %parallel_loop3A_594, %parallel_loop3A_586 : i32
      %parallel_loop3A_596 = arith.constant 0 : i32
      %parallel_loop3A_597 = arith.index_cast %parallel_loop3A_596 : i32 to index
      %parallel_loop3A_598 = arith.index_cast %parallel_loop3A_595 : i32 to index
      %parallel_loop3A_599 = tpu.vector_load %arg12[%parallel_loop3A_597, %parallel_loop3A_598] {strides = array<i32>} : memref<1x16384xf32, #tpu.memory_space<vmem>>, vector<16xf32>,
      tpu.vector_store %arg12[%parallel_loop3A_597, %parallel_loop3A_598], %parallel_loop3A_593 {strides = array<i32>} : memref<1x16384xf32, #tpu.memory_space<vmem>>, vector<16xf32>,
    } {sc.loop_unroll_factor = 4 : i64, sc.parallel_access}
    %dma_wait3A_549 = arith.constant 12288 : i32
    %dma_wait3A_550 = tpu.memref_slice %arg4[%dma_wait3A_549] : memref<16384xi32, #tpu.memory_space<hbm>> -> memref<4096xi32, #tpu.memory_space<hbm>>
    %dma_wait3A_551 = arith.constant 12288 : i32
    %dma_wait3A_552 = tpu.memref_slice %arg4[%dma_wait3A_551] : memref<16384xi32, #tpu.memory_space<hbm>> -> memref<4096xi32, #tpu.memory_space<hbm>>
    tpu.wait_dma2 semaphore(%arg17 : memref<!tpu.dma_semaphore, #tpu.memory_space<semaphore_mem>>) src(%dma_wait3A_552 : memref<4096xi32, #tpu.memory_space<hbm>>) dst(%arg10 : memref<4096xi32, #tpu.memory_space<vmem>>)
    %parallel_loop3A_553 = arith.constant 0 : i32
    %parallel_loop3A_554 = arith.constant 4096 : i32
    %parallel_loop3A_555 = arith.constant 16 : i32
    scf.for %parallel_loop3A_586 = %parallel_loop3A_553 to %parallel_loop3A_554 step %parallel_loop3A_555  : i32 {
      %parallel_loop3A_587 = arith.index_cast %parallel_loop3A_586 : i32 to index
      %parallel_loop3A_588 = tpu.vector_load %arg10[%parallel_loop3A_587] {strides = array<i32>} : memref<4096xi32, #tpu.memory_space<vmem>>, vector<16xi32>,
      %parallel_loop3A_589 = arith.constant 0 : i32
      %parallel_loop3A_590 = arith.constant 0 : i32
      %parallel_loop3A_591 = tpu.memref_slice %arg11[%parallel_loop3A_589, %parallel_loop3A_590] : memref<1x100000xf32, #tpu.memory_space<vmem>> -> memref<1x100000xf32, #tpu.memory_space<vmem>>
      %parallel_loop3A_592 = tpu.memref_squeeze %parallel_loop3A_591 : memref<1x100000xf32, #tpu.memory_space<vmem>> -> memref<100000xf32, #tpu.memory_space<vmem>>
      %parallel_loop3A_593 = tpu.vector_load_idx %parallel_loop3A_592[%parallel_loop3A_588] : memref<100000xf32, #tpu.memory_space<vmem>>[vector<16xi32>], vector<16xf32>,
      %parallel_loop3A_594 = arith.constant 12288 : i32
      %parallel_loop3A_595 = arith.addi %parallel_loop3A_594, %parallel_loop3A_586 : i32
      %parallel_loop3A_596 = arith.constant 0 : i32
      %parallel_loop3A_597 = arith.index_cast %parallel_loop3A_596 : i32 to index
      %parallel_loop3A_598 = arith.index_cast %parallel_loop3A_595 : i32 to index
      %parallel_loop3A_599 = tpu.vector_load %arg12[%parallel_loop3A_597, %parallel_loop3A_598] {strides = array<i32>} : memref<1x16384xf32, #tpu.memory_space<vmem>>, vector<16xf32>,
      tpu.vector_store %arg12[%parallel_loop3A_597, %parallel_loop3A_598], %parallel_loop3A_593 {strides = array<i32>} : memref<1x16384xf32, #tpu.memory_space<vmem>>, vector<16xf32>,
    } {sc.loop_unroll_factor = 4 : i64, sc.parallel_access}
    %dma_start3A_556 = arith.constant 0 : i32
    %dma_start3A_557 = arith.constant 8192 : i32
    %dma_start3A_558 = tpu.memref_slice %arg12[%dma_start3A_556, %dma_start3A_557] : memref<1x16384xf32, #tpu.memory_space<vmem>> -> memref<1x8192xf32, #tpu.memory_space<vmem>>
    %dma_start3A_559 = arith.constant 8192 : i32
    %dma_start3A_560 = tpu.memref_slice %arg8[%add3A_473, %dma_start3A_559] : memref<192x16384xf32, #tpu.memory_space<hbm>> -> memref<1x8192xf32, #tpu.memory_space<hbm>>
    %dma_start3A_561 = arith.constant 8192 : i32
    %dma_start3A_562 = tpu.memref_slice %arg8[%add3A_473, %dma_start3A_561] : memref<192x16384xf32, #tpu.memory_space<hbm>> -> memref<1x8192xf32, #tpu.memory_space<hbm>>
    %dma_start3A_563 = arith.constant 0 : i32
    %dma_start3A_564 = arith.constant 8192 : i32
    %dma_start3A_565 = tpu.memref_slice %arg12[%dma_start3A_563, %dma_start3A_564] : memref<1x16384xf32, #tpu.memory_space<vmem>> -> memref<1x8192xf32, #tpu.memory_space<vmem>>
    tpu.enqueue_dma source(%dma_start3A_565 : memref<1x8192xf32, #tpu.memory_space<vmem>>) target(%dma_start3A_562 : memref<1x8192xf32, #tpu.memory_space<hbm>>) target_semaphore(%arg15 : memref<!tpu.dma_semaphore, #tpu.memory_space<semaphore_mem>>)
    %dma_wait3A_566 = arith.constant 0 : i32
    %dma_wait3A_567 = arith.constant 0 : i32
    %dma_wait3A_568 = tpu.memref_slice %arg12[%dma_wait3A_566, %dma_wait3A_567] : memref<1x16384xf32, #tpu.memory_space<vmem>> -> memref<1x8192xf32, #tpu.memory_space<vmem>>
    %dma_wait3A_569 = arith.constant 0 : i32
    %dma_wait3A_570 = tpu.memref_slice %arg8[%add3A_473, %dma_wait3A_569] : memref<192x16384xf32, #tpu.memory_space<hbm>> -> memref<1x8192xf32, #tpu.memory_space<hbm>>
    %dma_wait3A_571 = arith.constant 0 : i32
    %dma_wait3A_572 = tpu.memref_slice %arg8[%add3A_473, %dma_wait3A_571] : memref<192x16384xf32, #tpu.memory_space<hbm>> -> memref<1x8192xf32, #tpu.memory_space<hbm>>
    %dma_wait3A_573 = arith.constant 0 : i32
    %dma_wait3A_574 = arith.constant 0 : i32
    %dma_wait3A_575 = tpu.memref_slice %arg12[%dma_wait3A_573, %dma_wait3A_574] : memref<1x16384xf32, #tpu.memory_space<vmem>> -> memref<1x8192xf32, #tpu.memory_space<vmem>>
    tpu.wait_dma2 semaphore(%arg14 : memref<!tpu.dma_semaphore, #tpu.memory_space<semaphore_mem>>) src(%dma_wait3A_575 : memref<1x8192xf32, #tpu.memory_space<vmem>>) dst(%dma_wait3A_572 : memref<1x8192xf32, #tpu.memory_space<hbm>>)
    %dma_wait3A_576 = arith.constant 0 : i32
    %dma_wait3A_577 = arith.constant 8192 : i32
    %dma_wait3A_578 = tpu.memref_slice %arg12[%dma_wait3A_576, %dma_wait3A_577] : memref<1x16384xf32, #tpu.memory_space<vmem>> -> memref<1x8192xf32, #tpu.memory_space<vmem>>
    %dma_wait3A_579 = arith.constant 8192 : i32
    %dma_wait3A_580 = tpu.memref_slice %arg8[%add3A_473, %dma_wait3A_579] : memref<192x16384xf32, #tpu.memory_space<hbm>> -> memref<1x8192xf32, #tpu.memory_space<hbm>>
    %dma_wait3A_581 = arith.constant 8192 : i32
    %dma_wait3A_582 = tpu.memref_slice %arg8[%add3A_473, %dma_wait3A_581] : memref<192x16384xf32, #tpu.memory_space<hbm>> -> memref<1x8192xf32, #tpu.memory_space<hbm>>
    %dma_wait3A_583 = arith.constant 0 : i32
    %dma_wait3A_584 = arith.constant 8192 : i32
    %dma_wait3A_585 = tpu.memref_slice %arg12[%dma_wait3A_583, %dma_wait3A_584] : memref<1x16384xf32, #tpu.memory_space<vmem>> -> memref<1x8192xf32, #tpu.memory_space<vmem>>
    tpu.wait_dma2 semaphore(%arg15 : memref<!tpu.dma_semaphore, #tpu.memory_space<semaphore_mem>>) src(%dma_wait3A_585 : memref<1x8192xf32, #tpu.memory_space<vmem>>) dst(%dma_wait3A_582 : memref<1x8192xf32, #tpu.memory_space<hbm>>)
    return
  }
}

</mosaic_0001>

<sc_bundles>
// kernel: kernel.3.cloned.1.call-start
scs
__scs_entry_jumppad:
0x0: {  	(pc) =	sbr.rel $0x88, $3  }
0x1: {  	(tag) =	ssettag $0x0;
	lr =	simm.s32 $0x1  }
0x2: {  	[smem:$0x3F9B] =	sst lr;
	_ =	strace $0xD0000000  }
0x3: {  	_ = 	snop  }
0x4: {  	_ = 	snop  }
0x5: {  	_ = 	snop  }
0x6: {  	_ = 	snop  }
0x7: {  	_ = 	snop  }
__scs_overlays_trampoline_lowered:
0x8: {  	[smem:$0x3FAA] =	sst s0  }
0x9: {  	[smem:$0x3FAB] =	sst s1  }
0xa: {  	[smem:$0x3FAC] =	sst s2  }
0xb: {  	[smem:$0x3FAD] =	sst s3  }
0xc: {  	[smem:$0x3FAE] =	sst s4  }
0xd: {  	[smem:$0x3FAF] =	sst s5  }
0xe: {  	[smem:$0x3FB0] =	sst s6  }
0xf: {  	[smem:$0x3FB1] =	sst s7  }
0x10: {  	[smem:$0x3FB2] =	sst s8  }
0x11: {  	[smem:$0x3FB3] =	sst s9;
	s0 =	simm.s32 @!p0 $0x0  }
0x12: {  	s1 =	sld [smem:$0x3F99];
	s0 =	simm.s32 @p0 $0x1  }
0x13: {  	[smem:$0x3FB4] =	sst s0;
	s0 =	simm.s32 @!p1 $0x0  }
0x14: {  	s2 =	sld [smem:$0x3F98];
	s0 =	simm.s32 @p1 $0x1  }
0x15: {  	[smem:$0x3FB5] =	sst s0;
	s0 =	simm.s32 @!p2 $0x0  }
0x16: {  	s3 =	sld [smem:$0x3FDB];
	s0 =	simm.s32 @p2 $0x1  }
0x17: {  	s4 =	simm.s32 $0x1BF5;
	[smem:$0x3FB7] =	sst s0  }
0x18: {  	s0 =	sld [smem:$0x3F9A];
	_ =	swait.ge [sflag:s4], $0x0  }
0x19: {  	s7 =	sld [smem:$0x3F9B]  }
0x1a: {  	s8 =	sadd.s32 $0xFFFFE003, lr  }
0x1b: {  	s9 =	sadd.s32 $0xFFFFFEF7, lr;
	s5 =	simm.s32 $0xFFFFFFFF;
	p2 =	slt.u32 s8, $0xFFFFF086  }
0x1c: {  	p1 =	slt.u32 s9, $0xF7A;
	s5 =	simm.s32 @!p2 $0x0  }
0x1d: {  	s5 =	simm.s32 @p1 $0x1;
	p0 =	seq.s32 s7, s2  }
0x1e: {  	s7 =	smul.u32 @!p0 $0xF7A, s2;
	p2 =	seq.s32 @!p0 s5, $0x0  }
0x1f: {  	s9 =	smul.u32 $0xF7A, s1;
	s8 =	simm.s32 @!p0 $0x1BF5;
	p2 =	por !p2, p0  }
0x20: {  	[sflag:s8] =	ssyncset.s32 @!p0 $0xFFFFF086;
	s6 =	sadd.s32 @!p0 s3, s7;
	s7 =	simm.s32 @!p0 $0x108  }
0x21: {  	s3 =	sadd.s32 s3, s9;
	s6 =	sadd.s32 @!p0 $0x88, s6;
	s7 =	simm.s32 @p2 $0x1082  }
0x22: {  	[simem:s7], [sflag:s8] =	dma.local @!p0 [hbm:s6], $0xF7A  }
0x23: {  	s9 =	sor.u32 $0xD0000000, s2;
	s6 =	simm.s32 $0x108;
	_ =	swait.ge @!p0 [sflag:s8], $0x0  }
0x24: {  	s3 =	sadd.s32 $0x88, s3;
	s6 =	simm.s32 @!p1 $0x1082;
	[sflag:s4] =	ssyncset.s32 $0xFFFFF086  }
0x25: {  	[simem:s6], [sflag:s4] =	dma.local [hbm:s3], $0xF7A  }
0x26: {  	[smem:$0x3F9B] =	sst s1;
	(tag) =	ssettag s2;
	_ =	strace s9  }
0x27: {  	s1 =	sld [smem:$0x3FAB]  }
0x28: {  	s2 =	sld [smem:$0x3FAC]  }
0x29: {  	s4 =	sld [smem:$0x3FAE]  }
0x2a: {  	p0 =	seq.s32 s5, $0x0;
	s5 =	sld [smem:$0x3FAF]  }
0x2b: {  	s6 =	sld [smem:$0x3FB0]  }
0x2c: {  	s7 =	sld [smem:$0x3FB1]  }
0x2d: {  	s3 =	simm.s32 $0x108;
	s8 =	sld [smem:$0x3FB2]  }
0x2e: {  	s3 =	simm.s32 @!p0 $0x1082;
	s9 =	sld [smem:$0x3FB3]  }
0x2f: {  	lr =	sadd.s32 s0, s3;
	s0 =	sld [smem:$0x3FAA]  }
0x30: {  	s3 =	sld [smem:$0x3FAD]  }
0x31: {  	[smem:$0x3FB6] =	sst s10  }
0x32: {  	s10 =	sld [smem:$0x3FB4];
	_ =	sdelay $0x3  }
0x33: {  	p0 =	seq.s32 s10, $0x1;
	s10 =	sld [smem:$0x3FB6];
	_ =	sdelay $0x3  }
0x34: {  	[smem:$0x3FB6] =	sst s10  }
0x35: {  	s10 =	sld [smem:$0x3FB5];
	_ =	sdelay $0x3  }
0x36: {  	p1 =	seq.s32 s10, $0x1;
	s10 =	sld [smem:$0x3FB6];
	_ =	sdelay $0x3  }
0x37: {  	[smem:$0x3FB6] =	sst s10  }
0x38: {  	s10 =	sld [smem:$0x3FB7]  }
0x39: {  	_ = 	snop;
	(pc) =	sbr.ind lr, $3  }
0x3a: {  	_ = 	snop  }
0x3b: {  	_ = 	snop  }
0x3c: {  	p2 =	seq.s32 s10, $0x1;
	s10 =	sld [smem:$0x3FB6]  }
0x3d: {  	_ =	shalt  }
0x3e: {  	_ =	shalt  }
0x3f: {  	_ =	shalt  }
0x40: {  	_ =	shalt  }
0x41: {  	_ =	shalt  }
0x42: {  	_ =	shalt  }
0x43: {  	_ =	shalt  }
0x44: {  	_ =	shalt  }
0x45: {  	_ =	shalt  }
0x46: {  	_ =	shalt  }
0x47: {  	_ =	shalt  }
0x48: {  	_ =	shalt  }
0x49: {  	_ =	shalt  }
0x4a: {  	_ =	shalt  }
0x4b: {  	_ =	shalt  }
0x4c: {  	_ =	shalt  }
0x4d: {  	_ =	shalt  }
0x4e: {  	_ =	shalt  }
0x4f: {  	_ =	shalt  }
0x50: {  	_ =	shalt  }
0x51: {  	_ =	shalt  }
0x52: {  	_ =	shalt  }
0x53: {  	_ =	shalt  }
0x54: {  	_ =	shalt  }
0x55: {  	_ =	shalt  }
0x56: {  	_ =	shalt  }
0x57: {  	_ =	shalt  }
0x58: {  	_ =	shalt  }
0x59: {  	_ =	shalt  }
0x5a: {  	_ =	shalt  }
0x5b: {  	_ =	shalt  }
0x5c: {  	_ =	shalt  }
0x5d: {  	_ =	shalt  }
0x5e: {  	_ =	shalt  }
0x5f: {  	_ =	shalt  }
0x60: {  	_ =	shalt  }
0x61: {  	_ =	shalt  }
0x62: {  	_ =	shalt  }
0x63: {  	_ =	shalt  }
0x64: {  	_ =	shalt  }
0x65: {  	_ =	shalt  }
0x66: {  	_ =	shalt  }
0x67: {  	_ =	shalt  }
0x68: {  	_ =	shalt  }
0x69: {  	_ =	shalt  }
0x6a: {  	_ =	shalt  }
0x6b: {  	_ =	shalt  }
0x6c: {  	_ =	shalt  }
0x6d: {  	_ =	shalt  }
0x6e: {  	_ =	shalt  }
0x6f: {  	_ =	shalt  }
0x70: {  	_ =	shalt  }
0x71: {  	_ =	shalt  }
0x72: {  	_ =	shalt  }
0x73: {  	_ =	shalt  }
0x74: {  	_ =	shalt  }
0x75: {  	_ =	shalt  }
0x76: {  	_ =	shalt  }
0x77: {  	_ =	shalt  }
0x78: {  	_ =	shalt  }
0x79: {  	_ =	shalt  }
0x7a: {  	_ =	shalt  }
0x7b: {  	_ =	shalt  }
0x7c: {  	_ =	shalt  }
0x7d: {  	_ =	shalt  }
0x7e: {  	_ =	shalt  }
0x7f: {  	_ =	shalt  }
0x80: {  	_ =	shalt  }
0x81: {  	_ =	shalt  }
0x82: {  	_ =	shalt  }
0x83: {  	_ =	shalt  }
0x84: {  	_ =	shalt  }
0x85: {  	_ =	shalt  }
0x86: {  	_ =	shalt  }
0x87: {  	_ =	shalt  }
.Lfunc_end0:
.L_simem_size_0:
called_computation_lowered:
.L_overlay_start_0:
0x88: {  	s2 =	sld [smem:$0x3FD9]  }
0x89: {  	s3 =	sld [smem:$0x3FFE];
	_ =	sdelay $0x1  }
0x8a: {  	s1 =	srdreg.scid  }
0x8b: {  	s0 =	sand.u32 $0x1, s1  }
0x8c: {  	s18 =	sshll.u32 s0, $0xA;
	s2 =	sadd.s32 s3, s2  }
0x8d: {  	s2 =	sadd.s32 s2, s18  }
0x8e: {  	[smem:$0x3FC2] =	sst s2  }
0x8f: {  	_ = 	snop  }
0x90: {  	s2 =	sld [smem:$0x3FC9]  }
0x91: {  	s19 =	sld [smem:$0x3FC8]  }
0x92: {  	s4 =	sld [smem:$0x3FC7]  }
0x93: {  	s5 =	sld [smem:$0x3FC6]  }
0x94: {  	s6 =	sld [smem:$0x3FC5]  }
0x95: {  	s7 =	sld [smem:$0x3FC4]  }
0x96: {  	s8 =	sld [smem:$0x3FD0];
	(tm) =	ssettm $0x1  }
0x97: {  	s9 =	sld [smem:$0x3FFB];
	_ =	sdelay $0x3  }
0x98: {  	_ =	strace s9  }
0x99: {  	s9 =	sld [smem:$0x3FFC];
	_ =	sdelay $0x3  }
0x9a: {  	_ =	strace s9  }
0x9b: {  	s9 =	sld [smem:$0x3FFD];
	_ =	sdelay $0x3  }
0x9c: {  	_ =	strace s9  }
0x9d: {  	_ =	strace $0x8FFFFFFF  }
0x9e: {  	s20 =	sld [smem:$0x3FDB];
	_ =	sdelay $0x1  }
0x9f: {  	s10 =	simm.s32 $_scs_section_size  }
0xa0: {  	s11 =	simm.s32 $_size__tile_overlayer_lowered;
	s12 =	simm.s32 $_tile_overlayer_lowered  }
0xa1: {  	s23 =	simm.s32 $0x1BFF;
	s22 =	sshll.u32 s12, $0x1;
	s9 =	sadd.s32 s10, s20  }
0xa2: {  	s13 =	simm.s32 $0x0;
	s21 =	sshll.u32 s11, $0x1;
	s11 =	sadd.s32 s22, s9  }
0xa3: {  	[timem:s13], [sflag:s23] =	dma.local [hbm:s11], s21  }
0xa4: {  	_ =	swait.ge [sflag:s23], s21  }
0xa5: {  	s10 =	ssub.s32 $0x0, s21;
	[sflag:s23] =	ssyncset.done $0x0  }
0xa6: {  	[sflag:s23] =	ssyncadd.s32 s10;
	_ =	sdelay $0x1  }
0xa7: {  	s24 =	simm.s32 $0x1B8B  }
0xa8: {  	_ =	swait.ge [sflag:s24], $0x1  }
0xa9: {  	[sflag:s24] =	ssyncset.done $0x0  }
0xaa: {  	s25 =	simm.s32 $0x1B8E;
	[sflag:s24] =	ssyncadd.s32 $0xFFFFFFFF  }
0xab: {  	s26 =	simm.s32 $execute0_lowered;
	[smem:$0x3FD2] =	sst s25  }
0xac: {  	s10 =	sshll.u32 s26, $0x1;
	_ =	strace $0x80000046;
	[dreg:$0x1] =	wrdreg $0xFFFFFFFF  }
0xad: {  	s28 =	simm.s32 $_size_execute0_lowered;
	s9 =	sadd.s32 s9, s10;
	[dreg:$0x0] =	wrdreg $0x0  }
0xae: {  	s10 =	sshll.u32 s28, $0x1;
	[dreg:$0x2] =	wrdreg s9  }
0xaf: {  	[dreg:$0x3] =	wrdreg s10  }
0xb0: {  	[dreg:$0x4] =	wrdreg $0xC0  }
0xb1: {  	_ =	task [dreg:s13], $0x5FFFF  }
0xb2: {  	[dreg:$0x1] =	wrdreg $0xFFFFFFFF  }
0xb3: {  	[dreg:$0x0] =	wrdreg $0x60  }
0xb4: {  	[dreg:$0x2] =	wrdreg s2  }
0xb5: {  	[dreg:$0x3] =	wrdreg s19  }
0xb6: {  	[dreg:$0x4] =	wrdreg s4  }
0xb7: {  	[dreg:$0x5] =	wrdreg s5  }
0xb8: {  	[dreg:$0x6] =	wrdreg s6  }
0xb9: {  	[dreg:$0x7] =	wrdreg s7  }
0xba: {  	[dreg:$0x8] =	wrdreg s8  }
0xbb: {  	[dreg:$0x9] =	wrdreg $0x9  }
0xbc: {  	_ =	task.clear_ibuf [dreg:s13], $0xAFFFF;
	_ =	strace $0x90000046  }
0xbd: {  	s29 =	simm.s32 $0x9;
	_ =	strace $0x80000048  }
0xbe: {  	_ =	swait.ge [sflag:s29], $0x1  }
0xbf: {  	[sflag:s29] =	ssyncadd.s32 $0xFFFFFFFF  }
0xc0: {  	_ =	strace $0x90000048  }
0xc1: {  	_ =	sfence  }
0xc2: {  	s30 =	sld [smem:$0x0];
	_ =	sdelay $0x2  }
0xc3: {  	s31 =	sshll.u32 s1, $0xD;
	s1 =	sshrl.u32 s1, $0x2  }
0xc4: {  	s3 =	sand.u32 $0x4000, s31;
	s1 =	sadd.s32 s1, s30  }
0xc5: {  	s0 =	sor.u32 s3, s0;
	s1 =	sshll.u32 s1, $0x11  }
0xc6: {  	s0 =	sor.u32 s1, s0  }
0xc7: {  	s0 =	sadd.s32 $0x8F2B, s0  }
0xc8: {  	[sflag:s0] =	ssyncadd.remote.s32 $0x1  }
0xc9: {  	_ =	sfence.sel $0xFFFF  }
0xca: {  	[dreg:$0x0] =	wrdreg $0xFFFFFFFF;
	(pc) =	sbr.abs _section_cstart, $3  }
0xcb: {  	[dreg:$0x1] =	wrdreg $0xFFFFFFFF  }
0xcc: {  	_ =	task.clear_ibuf [dreg:s13], $0x2FFFF;
	_ =	strace $0x9FFFFFFF  }
0xcd: {  	(tm) =	ssettm $0x7FFFFFFF  }
tec
execute0_lowered:
.L_overlay_start_1:
0x0: {  	(tag) =	ssettag $0x1  }
0x1: {  	s16 =	rddreg [dreg:$0x0]  }
0x2: {  	s17 =	rddreg [dreg:$0x1]  }
0x3: {  	s18 =	rddreg [dreg:$0x2]  }
0x4: {  	s0 =	rddreg [dreg:$0x3]  }
0x5: {  	s1 =	rddreg [dreg:$0x4]  }
0x6: {  	s2 =	rddreg [dreg:$0x5]  }
0x7: {  	s3 =	srdreg.scid;
	s4 =	rddreg [dreg:$0x6]  }
0x8: {  	s12 =	stileid.u32;
	s5 =	simm.s32 $0x0;
	s3 =	sand.u32 $0x1, s3  }
0x9: {  	s6 =	sshll.u32 s12, $0x2;
	s14 =	sshrl.u32 s12, $0x1;
	[smem:$0x7FF] =	sst s5  }
0xa: {  	s12 =	sshll.u32 s12, $0x10;
	s28 =	sadd.s32 $0x600, s16;
	s29 =	sadd.s32 $0x200, s17  }
0xb: {  	s30 =	sadd.s32 $0x400, s17;
	s31 =	sadd.s32 $0x600, s17;
	s7 =	sshll.u32 s3, $0x1  }
0xc: {  	s3 =	ssub.s32 $0x2, s3;
	s9 =	smul.u32 $0xC3800, s14;
	_ =	strace $0x80000047  }
0xd: {  	s13 =	sshll.u32 s14, $0x11;
	s6 =	sor.u32 s7, s6;
	s10 =	sshrl.u32 s3, $0x1  }
0xe: {  	s7 =	sadd.s32 $0x200, s16;
	s8 =	sshll.u32 s6, $0x7;
	s3 =	ssub.s32 s3, s10  }
0xf: {  	s25 =	sor.u32 $0x41, s6;
	s11 =	sand.u32 $0x300, s8;
	s8 =	sor.u32 s12, s8  }
0x10: {  	s26 =	sshll.u32 s25, $0xB;
	s15 =	sor.u32 s9, s11;
	s14 =	sor.u32 s13, s11  }
0x11: {  	s23 =	sand.u32 $0xE0300, s8;
	s24 =	sor.u32 s12, s11;
	s12 =	simm.s32 $0x4  }
0x12: {  	s10 =	sshrl.u32 s15, $0x3;
	s14 =	sshrl.u32 s14, $0x3;
	s15 =	sor.u32 $0x80, s11  }
0x13: {  	s8 =	sshrl.u32 s24, $0x3;
	s11 =	sshll.u32 s25, $0x4;
	s19 =	sadd.s32 s0, s10  }
0x14: {  	s9 =	sor.u32 s9, s15;
	s13 =	sor.u32 s13, s15;
	s15 =	sadd.s32 $0x2000, s4  }
0x15: {  	s22 =	sadd.s32 s1, s10;
	s11 =	sor.u32 s11, s26;
	s24 =	sor.u32 $0x42000, s8  }
0x16: {  	[dreg:$0x8] =	wrdreg s19;
	s19 =	sadd.s32 s4, s14;
	s9 =	sshrl.u32 s9, $0x3  }
0x17: {  	s13 =	sshrl.u32 s13, $0x3;
	s14 =	sadd.s32 s14, s15;
	[dreg:$0xe] =	wrdreg s22  }
0x18: {  	s22 =	sand.u32 $0x3C070, s11;
	s11 =	simm.s32 $0x1000;
	[dreg:$0x9] =	wrdreg s19  }
0x19: {  	[dreg:$0xa] =	wrdreg s14;
	s0 =	sadd.s32 s0, s9;
	s20 =	sadd.s32 s4, s13  }
0x1a: {  	s21 =	sadd.s32 s13, s15;
	s13 =	sor.u32 $0x22000, s8;
	[dreg:$0xb] =	wrdreg s0  }
0x1b: {  	s1 =	sadd.s32 s1, s9;
	s14 =	sadd.s32 s2, s10;
	[dreg:$0xc] =	wrdreg s20  }
0x1c: {  	s19 =	sor.u32 $0x81, s6;
	s2 =	sadd.s32 s2, s9;
	[dreg:$0xd] =	wrdreg s21  }
0x1d: {  	s6 =	sadd.s32 s22, s15;
	s8 =	simm.s32 $0x80;
	[dreg:$0xf] =	wrdreg s1  }
0x1e: {  	s9 =	simm.s32 $0x400;
	s10 =	simm.s32 $0x2000;
	[dreg:$0x10] =	wrdreg s14  }
0x1f: {  	s0 =	sshrl.u32 s23, $0x3;
	[dreg:$0x11] =	wrdreg s2;
	s20 =	sshll.u32 s19, $0xB  }
0x20: {  	s1 =	sshll.u32 s19, $0x4;
	s21 =	sadd.s32 s4, s13;
	s23 =	sadd.s32 s4, s22  }
0x21: {  	[dreg:$0x14] =	wrdreg s6;
	s2 =	sadd.s32 s4, s24;
	s6 =	sadd.s32 $0x600, s18  }
0x22: {  	s13 =	simm.s32 $0x1;
	s14 =	simm.s32 $0x5;
	[dreg:$0x12] =	wrdreg s21  }
0x23: {  	s0 =	sadd.s32 s0, s4;
	s1 =	sor.u32 s1, s20;
	[dreg:$0x13] =	wrdreg s23  }
0x24: {  	[dreg:$0x15] =	wrdreg s2;
	s2 =	simm.s32 $0x0;
	s1 =	sand.u32 $0x5C070, s1  }
0x25: {  	s26 =	sadd.s32 $0x20000, s0;
	s24 =	sadd.s32 $0x40000, s0;
	s0 =	simm.s32 $0x1C700  }
0x26: {  	s25 =	sadd.s32 s4, s1;
	s1 =	sadd.s32 s1, s15;
	[dreg:$0x18] =	wrdreg s26  }
0x27: {  	s26 =	sadd.s32 $0x400, s16;
	s4 =	sadd.s32 $0x400, s18;
	[dreg:$0x16] =	wrdreg s25  }
0x28: {  	s15 =	simm.s32 $0x1A700;
	s16 =	simm.s32 $0x3;
	[dreg:$0x17] =	wrdreg s1  }
0x29: {  	s25 =	smax.u32 s3, $0x1;
	s3 =	sadd.s32 $0x200, s18;
	s1 =	simm.s32 $0x2  }
.LBB2_1:
0x2a: {  	s17 =	rddreg [dreg:$0x8]  }
0x2b: {  	[tilespmem:s10], [sflag:$0x1] =	stream.strided.gather [hbm4b:s17+s8], $0x18700, s9, s8, $0x38;
	[tilespmem:$0x1E700] =	vst v63  }
0x2c: {  	s21 =	rddreg [dreg:$0x0]  }
0x2d: {  	[tilespmem:s5], [sflag:$0x4] =	stream.linear.gather [hbm4b:s21+s5], $0x1000, $0x38;
	[tilespmem:$0x1E700] =	vst v63  }
0x2e: {  	_ = 	snop  }
0x2f: {  	[tilespmem:s11], [sflag:$0x5] =	stream.linear.gather [hbm4b:s7+s5], $0x1000, $0x38;
	[tilespmem:$0x1E700] =	vst v63  }
0x30: {  	_ =	swait.ge [sflag:s12], $0x1000  }
0x31: {  	[sflag:s12] =	ssyncset.done $0x0  }
0x32: {  	[sflag:s12] =	ssyncadd.s32 $0xFFFFF000  }
0x33: {  	_ =	swait.ge [sflag:s13], $0x18700  }
0x34: {  	[sflag:s13] =	ssyncset.done $0x0  }
0x35: {  	s22 =	simm.s32 $0x20;
	[sflag:s13] =	ssyncadd.s32 $0xFFFE7900  }
0x36: {  	v0 =	vld [tilespmem:s22+$0x10];
	_ =	sdelay $0x1  }
0x37: {  	v2 =	vld [tilespmem:s22+$0xFFFFFFE0]  }
0x38: {  	v3 =	vld [tilespmem:s22+$0xFFFFFFF0]  }
0x39: {  	s23 =	simm.s32 $0x60;
	v4 =	vld [tilespmem:s22+$0x0]  }
0x3a: {  	v7 =	vld [tilespmem:s23+$0x10]  }
0x3b: {  	v1 =	vld [tilespmem:s23+$0xFFFFFFF0]  }
0x3c: {  	v6 =	vld [tilespmem:s23+$0xFFFFFFE0]  }
0x3d: {  	v8 =	vld.idx.msk [tilespmem:v0+s10+$0x0], $0xffff  }
0x3e: {  	v0 =	vld [tilespmem:s23+$0x0]  }
0x3f: {  	v5 =	vld.idx.msk [tilespmem:v2+s10+$0x0], $0xffff  }
0x40: {  	v2 =	vld.idx.msk [tilespmem:v3+s10+$0x0], $0xffff  }
0x41: {  	s17 =	simm.s32 $0x1A720;
	v3 =	vld.idx.msk [tilespmem:v4+s10+$0x0], $0xffff  }
0x42: {  	s18 =	simm.s32 $0x40;
	s19 =	simm.s32 $0xA0;
	v4 =	vld.idx.msk [tilespmem:v7+s10+$0x0], $0xffff;
	[tilespmem:s17+$0x10] =	vst v8  }
.LBB2_2:
0x43: {  	v7 =	vld [tilespmem:s19+$0x10];
	s18 =	sadd.s32 $0x40, s18  }
0x44: {  	v8 =	vld [tilespmem:s19+$0xFFFFFFF0];
	p0 =	slt.u32 s18, $0xFC0;
	[tilespmem:s17+$0xFFFFFFE0] =	vst v5  }
0x45: {  	v9 =	vld [tilespmem:s19+$0x0];
	[tilespmem:s17+$0xFFFFFFF0] =	vst v2  }
0x46: {  	v10 =	vld [tilespmem:s19+$0xFFFFFFE0];
	[tilespmem:s17+$0x0] =	vst v3  }
.Ltmp0:
0x47: {  	s17 =	sadd.s32 $0x40, s17;
	v5 =	vld.idx.msk [tilespmem:v6+s10+$0x0], $0xffff;
	(pc) =	sbr.rel @p0 .LBB2_2-.Ltmp0, $4  }
0x48: {  	v2 =	vld.idx.msk [tilespmem:v1+s10+$0x0], $0xffff;
	[tilespmem:s17+$0x10] =	vst v4  }
0x49: {  	v3 =	vld.idx.msk [tilespmem:v0+s10+$0x0], $0xffff;
	v1 =	vmov v8  }
0x4a: {  	v0 =	vmov v9  }
0x4b: {  	s19 =	sadd.s32 $0x40, s19;
	v4 =	vld.idx.msk [tilespmem:v7+s10+$0x0], $0xffff;
	v6 =	vmov v10  }
0x4c: {  	_ =	sdelay $0x3  }
0x4d: {  	v6 =	vld.idx.msk [tilespmem:v6+s10+$0x0], $0xffff  }
0x4e: {  	[tilespmem:s17+$0xFFFFFFE0] =	vst v5;
	v1 =	vld.idx.msk [tilespmem:v1+s10+$0x0], $0xffff  }
0x4f: {  	v0 =	vld.idx.msk [tilespmem:v0+s10+$0x0], $0xffff;
	[tilespmem:s17+$0xFFFFFFF0] =	vst v2  }
0x50: {  	s21 =	sadd.s32 $0x40, s17;
	[tilespmem:s17+$0x0] =	vst v3  }
0x51: {  	[tilespmem:s21+$0x10] =	vst v4  }
0x52: {  	[tilespmem:s21+$0xFFFFFFE0] =	vst v6  }
0x53: {  	[tilespmem:s21+$0xFFFFFFF0] =	vst v1  }
0x54: {  	[tilespmem:s21+$0x0] =	vst v0  }
0x55: {  	[tilespmem:s5], [sflag:$0x4] =	stream.linear.gather [hbm4b:s26+s5], $0x1000, $0x38;
	[tilespmem:$0x1E700] =	vst v63  }
0x56: {  	_ =	swait.ge [sflag:s14], $0x1000  }
0x57: {  	[sflag:s14] =	ssyncset.done $0x0  }
0x58: {  	s22 =	simm.s32 $0x1020;
	[sflag:s14] =	ssyncadd.s32 $0xFFFFF000  }
0x59: {  	v0 =	vld [tilespmem:s22+$0x10]  }
0x5a: {  	v3 =	vld [tilespmem:s22+$0x0];
	_ =	sdelay $0x2  }
0x5b: {  	v4 =	vld [tilespmem:s22+$0xFFFFFFF0]  }
0x5c: {  	s23 =	simm.s32 $0x1060;
	v7 =	vld [tilespmem:s22+$0xFFFFFFE0]  }
0x5d: {  	v1 =	vld [tilespmem:s23+$0x10]  }
0x5e: {  	v2 =	vld [tilespmem:s23+$0xFFFFFFF0]  }
0x5f: {  	v8 =	vld.idx.msk [tilespmem:v0+s10+$0x0], $0xffff  }
0x60: {  	v6 =	vld.idx.msk [tilespmem:v3+s10+$0x0], $0xffff  }
0x61: {  	v3 =	vld [tilespmem:s23+$0x0]  }
0x62: {  	v0 =	vld [tilespmem:s23+$0xFFFFFFE0]  }
0x63: {  	s18 =	simm.s32 $0x0;
	s20 =	simm.s32 $0x1B730;
	s17 =	simm.s32 $0x1B730;
	v5 =	vld.idx.msk [tilespmem:v4+s10+$0x0], $0xffff  }
0x64: {  	s19 =	simm.s32 $0x40;
	s21 =	simm.s32 $0x40;
	s22 =	simm.s32 $0x10A0;
	v4 =	vld.idx.msk [tilespmem:v7+s10+$0x0], $0xffff;
	[tilespmem:s17+$0x0] =	vst v8  }
.LBB2_4:
0x65: {  	s21 =	sadd.s32 $0x40, s21;
	v7 =	vld.idx.msk [tilespmem:v1+s10+$0x0], $0xffff;
	s17 =	sadd.s32 $0x40, s17  }
0x66: {  	v1 =	vld [tilespmem:s22+$0x10];
	p0 =	slt.u32 s21, $0xFC0;
	[tilespmem:s20+$0xFFFFFFF0] =	vst v6  }
0x67: {  	s23 =	sand.u32 $0xFC0, s18;
	s18 =	smov.u32 s19;
	s19 =	smov.u32 s21;
	v8 =	vld [tilespmem:s22+$0xFFFFFFE0]  }
0x68: {  	v9 =	vld [tilespmem:s22+$0xFFFFFFF0];
	[tilespmem:s20+$0xFFFFFFE0] =	vst v5;
	s20 =	smov.u32 s17  }
.Ltmp1:
0x69: {  	v6 =	vld.idx.msk [tilespmem:v3+s10+$0x0], $0xffff;
	[tilespmem:s23+$0x1B700] =	vst v4;
	(pc) =	sbr.rel @p0 .LBB2_4-.Ltmp1, $4  }
0x6a: {  	v3 =	vld [tilespmem:s22+$0x0]  }
0x6b: {  	v5 =	vld.idx.msk [tilespmem:v2+s10+$0x0], $0xffff;
	[tilespmem:s17+$0x0] =	vst v7  }
0x6c: {  	v4 =	vld.idx.msk [tilespmem:v0+s10+$0x0], $0xffff;
	v0 =	vmov v8  }
0x6d: {  	s22 =	sadd.s32 $0x40, s22;
	v2 =	vmov v9  }
0x6e: {  	_ =	sdelay $0x3  }
0x6f: {  	v1 =	vld.idx.msk [tilespmem:v1+s10+$0x0], $0xffff  }
0x70: {  	v2 =	vld.idx.msk [tilespmem:v2+s10+$0x0], $0xffff  }
0x71: {  	[tilespmem:s20+$0xFFFFFFF0] =	vst v6;
	v0 =	vld.idx.msk [tilespmem:v0+s10+$0x0], $0xffff  }
0x72: {  	s18 =	sand.u32 $0xFC0, s18;
	v3 =	vld.idx.msk [tilespmem:v3+s10+$0x0], $0xffff;
	[tilespmem:s20+$0xFFFFFFE0] =	vst v5  }
0x73: {  	s17 =	sadd.s32 $0x40, s17;
	[tilespmem:s18+$0x1B700] =	vst v4  }
0x74: {  	[tilespmem:s17+$0x0] =	vst v1  }
0x75: {  	s21 =	sand.u32 $0xFC0, s19;
	[tilespmem:s17+$0xFFFFFFE0] =	vst v2  }
0x76: {  	[tilespmem:s21+$0x1B700] =	vst v0  }
0x77: {  	[tilespmem:s17+$0xFFFFFFF0] =	vst v3  }
0x78: {  	s17 =	rddreg [dreg:$0x9]  }
0x79: {  	[hbm4b:s17+s8] =	stream.strided.scatter [tilespmem:s15], [sflag:$0x2], $0x2000, s9, s8, $0x38;
	[tilespmem:$0x1E700] =	vst v63  }
0x7a: {  	_ = 	snop  }
0x7b: {  	[tilespmem:s11], [sflag:$0x5] =	stream.linear.gather [hbm4b:s28+s5], $0x1000, $0x38;
	[tilespmem:$0x1E700] =	vst v63  }
0x7c: {  	_ =	swait.ge [sflag:s12], $0x1000  }
0x7d: {  	[sflag:s12] =	ssyncset.done $0x0  }
0x7e: {  	s22 =	simm.s32 $0x20;
	[sflag:s12] =	ssyncadd.s32 $0xFFFFF000  }
0x7f: {  	v0 =	vld [tilespmem:s22+$0x10]  }
0x80: {  	v3 =	vld [tilespmem:s22+$0x0];
	_ =	sdelay $0x2  }
0x81: {  	v4 =	vld [tilespmem:s22+$0xFFFFFFF0]  }
0x82: {  	s23 =	simm.s32 $0x60;
	v7 =	vld [tilespmem:s22+$0xFFFFFFE0]  }
0x83: {  	v1 =	vld [tilespmem:s23+$0x10]  }
0x84: {  	v2 =	vld [tilespmem:s23+$0xFFFFFFF0]  }
0x85: {  	v8 =	vld.idx.msk [tilespmem:v0+s10+$0x0], $0xffff  }
0x86: {  	v6 =	vld.idx.msk [tilespmem:v3+s10+$0x0], $0xffff  }
0x87: {  	v3 =	vld [tilespmem:s23+$0x0]  }
0x88: {  	v0 =	vld [tilespmem:s23+$0xFFFFFFE0]  }
0x89: {  	s19 =	simm.s32 $0x40;
	s20 =	simm.s32 $0x1C730;
	s17 =	simm.s32 $0x1C730;
	v5 =	vld.idx.msk [tilespmem:v4+s10+$0x0], $0xffff  }
0x8a: {  	s18 =	simm.s32 $0x0;
	s21 =	simm.s32 $0x40;
	s22 =	simm.s32 $0xA0;
	v4 =	vld.idx.msk [tilespmem:v7+s10+$0x0], $0xffff;
	[tilespmem:s17+$0x0] =	vst v8  }
.LBB2_6:
0x8b: {  	s21 =	sadd.s32 $0x40, s21;
	v7 =	vld.idx.msk [tilespmem:v1+s10+$0x0], $0xffff;
	s17 =	sadd.s32 $0x40, s17  }
0x8c: {  	v1 =	vld [tilespmem:s22+$0x10];
	p0 =	slt.u32 s21, $0xFC0;
	[tilespmem:s20+$0xFFFFFFF0] =	vst v6  }
0x8d: {  	s23 =	sand.u32 $0xFC0, s18;
	s18 =	smov.u32 s19;
	s19 =	smov.u32 s21;
	v8 =	vld [tilespmem:s22+$0xFFFFFFE0]  }
0x8e: {  	v9 =	vld [tilespmem:s22+$0xFFFFFFF0];
	[tilespmem:s20+$0xFFFFFFE0] =	vst v5;
	s20 =	smov.u32 s17  }
.Ltmp2:
0x8f: {  	v6 =	vld.idx.msk [tilespmem:v3+s10+$0x0], $0xffff;
	[tilespmem:s23+$0x1C700] =	vst v4;
	(pc) =	sbr.rel @p0 .LBB2_6-.Ltmp2, $4  }
0x90: {  	v3 =	vld [tilespmem:s22+$0x0]  }
0x91: {  	v5 =	vld.idx.msk [tilespmem:v2+s10+$0x0], $0xffff;
	[tilespmem:s17+$0x0] =	vst v7  }
0x92: {  	v4 =	vld.idx.msk [tilespmem:v0+s10+$0x0], $0xffff;
	v0 =	vmov v8  }
0x93: {  	s22 =	sadd.s32 $0x40, s22;
	v2 =	vmov v9  }
0x94: {  	_ =	sdelay $0x3  }
0x95: {  	v1 =	vld.idx.msk [tilespmem:v1+s10+$0x0], $0xffff  }
0x96: {  	v2 =	vld.idx.msk [tilespmem:v2+s10+$0x0], $0xffff  }
0x97: {  	[tilespmem:s20+$0xFFFFFFF0] =	vst v6;
	v0 =	vld.idx.msk [tilespmem:v0+s10+$0x0], $0xffff  }
0x98: {  	s18 =	sand.u32 $0xFC0, s18;
	v3 =	vld.idx.msk [tilespmem:v3+s10+$0x0], $0xffff;
	[tilespmem:s20+$0xFFFFFFE0] =	vst v5  }
0x99: {  	s17 =	sadd.s32 $0x40, s17;
	[tilespmem:s18+$0x1C700] =	vst v4  }
0x9a: {  	[tilespmem:s17+$0x0] =	vst v1  }
0x9b: {  	s21 =	sand.u32 $0xFC0, s19;
	[tilespmem:s17+$0xFFFFFFE0] =	vst v2  }
0x9c: {  	[tilespmem:s21+$0x1C700] =	vst v0  }
0x9d: {  	[tilespmem:s17+$0xFFFFFFF0] =	vst v3  }
0x9e: {  	_ =	swait.ge [sflag:s14], $0x1000  }
0x9f: {  	[sflag:s14] =	ssyncset.done $0x0  }
0xa0: {  	s22 =	simm.s32 $0x1020;
	[sflag:s14] =	ssyncadd.s32 $0xFFFFF000  }
0xa1: {  	v0 =	vld [tilespmem:s22+$0x10]  }
0xa2: {  	v3 =	vld [tilespmem:s22+$0x0];
	_ =	sdelay $0x2  }
0xa3: {  	v4 =	vld [tilespmem:s22+$0xFFFFFFF0]  }
0xa4: {  	s23 =	simm.s32 $0x1060;
	v7 =	vld [tilespmem:s22+$0xFFFFFFE0]  }
0xa5: {  	v1 =	vld [tilespmem:s23+$0x10]  }
0xa6: {  	v2 =	vld [tilespmem:s23+$0xFFFFFFF0]  }
0xa7: {  	v8 =	vld.idx.msk [tilespmem:v0+s10+$0x0], $0xffff  }
0xa8: {  	v6 =	vld.idx.msk [tilespmem:v3+s10+$0x0], $0xffff  }
0xa9: {  	v3 =	vld [tilespmem:s23+$0x0]  }
0xaa: {  	v0 =	vld [tilespmem:s23+$0xFFFFFFE0]  }
0xab: {  	s19 =	simm.s32 $0x40;
	s20 =	simm.s32 $0x1D730;
	s17 =	simm.s32 $0x1D730;
	v5 =	vld.idx.msk [tilespmem:v4+s10+$0x0], $0xffff  }
0xac: {  	s18 =	simm.s32 $0x0;
	s21 =	simm.s32 $0x40;
	s22 =	simm.s32 $0x10A0;
	v4 =	vld.idx.msk [tilespmem:v7+s10+$0x0], $0xffff;
	[tilespmem:s17+$0x0] =	vst v8  }
.LBB2_8:
0xad: {  	s21 =	sadd.s32 $0x40, s21;
	v7 =	vld.idx.msk [tilespmem:v1+s10+$0x0], $0xffff;
	s17 =	sadd.s32 $0x40, s17  }
0xae: {  	v1 =	vld [tilespmem:s22+$0x10];
	p0 =	slt.u32 s21, $0xFC0;
	[tilespmem:s20+$0xFFFFFFF0] =	vst v6  }
0xaf: {  	s23 =	sand.u32 $0xFC0, s18;
	s18 =	smov.u32 s19;
	s19 =	smov.u32 s21;
	v8 =	vld [tilespmem:s22+$0xFFFFFFE0]  }
0xb0: {  	v9 =	vld [tilespmem:s22+$0xFFFFFFF0];
	[tilespmem:s20+$0xFFFFFFE0] =	vst v5;
	s20 =	smov.u32 s17  }
.Ltmp3:
0xb1: {  	v6 =	vld.idx.msk [tilespmem:v3+s10+$0x0], $0xffff;
	[tilespmem:s23+$0x1D700] =	vst v4;
	(pc) =	sbr.rel @p0 .LBB2_8-.Ltmp3, $4  }
0xb2: {  	v3 =	vld [tilespmem:s22+$0x0]  }
0xb3: {  	v5 =	vld.idx.msk [tilespmem:v2+s10+$0x0], $0xffff;
	[tilespmem:s17+$0x0] =	vst v7  }
0xb4: {  	v4 =	vld.idx.msk [tilespmem:v0+s10+$0x0], $0xffff;
	v0 =	vmov v8  }
0xb5: {  	s22 =	sadd.s32 $0x40, s22;
	v2 =	vmov v9  }
0xb6: {  	_ =	sdelay $0x3  }
0xb7: {  	v1 =	vld.idx.msk [tilespmem:v1+s10+$0x0], $0xffff  }
0xb8: {  	v2 =	vld.idx.msk [tilespmem:v2+s10+$0x0], $0xffff  }
0xb9: {  	[tilespmem:s20+$0xFFFFFFF0] =	vst v6;
	v0 =	vld.idx.msk [tilespmem:v0+s10+$0x0], $0xffff  }
0xba: {  	s18 =	sand.u32 $0xFC0, s18;
	v3 =	vld.idx.msk [tilespmem:v3+s10+$0x0], $0xffff;
	[tilespmem:s20+$0xFFFFFFE0] =	vst v5  }
0xbb: {  	s17 =	sadd.s32 $0x40, s17;
	[tilespmem:s18+$0x1D700] =	vst v4  }
0xbc: {  	[tilespmem:s17+$0x0] =	vst v1  }
0xbd: {  	s19 =	sand.u32 $0xFC0, s19;
	[tilespmem:s17+$0xFFFFFFE0] =	vst v2  }
0xbe: {  	[tilespmem:s19+$0x1D700] =	vst v0  }
0xbf: {  	[tilespmem:s17+$0xFFFFFFF0] =	vst v3  }
0xc0: {  	s17 =	rddreg [dreg:$0xa]  }
0xc1: {  	[hbm4b:s17+s8] =	stream.strided.scatter [tilespmem:s0], [sflag:$0x3], $0x2000, s9, s8, $0x38;
	[tilespmem:$0x1E700] =	vst v63  }
0xc2: {  	s20 =	rddreg [dreg:$0xb]  }
0xc3: {  	[tilespmem:s10], [sflag:$0x1] =	stream.strided.gather [hbm4b:s20+s8], $0x18700, s9, s8, $0x38;
	[tilespmem:$0x1E700] =	vst v63  }
0xc4: {  	s21 =	rddreg [dreg:$0x0]  }
0xc5: {  	[tilespmem:s5], [sflag:$0x4] =	stream.linear.gather [hbm4b:s21+s5], $0x1000, $0x38;
	[tilespmem:$0x1E700] =	vst v63  }
0xc6: {  	_ = 	snop  }
0xc7: {  	[tilespmem:s11], [sflag:$0x5] =	stream.linear.gather [hbm4b:s7+s5], $0x1000, $0x38;
	[tilespmem:$0x1E700] =	vst v63  }
0xc8: {  	_ =	swait.ge [sflag:s12], $0x1000  }
0xc9: {  	[sflag:s12] =	ssyncset.done $0x0  }
0xca: {  	[sflag:s12] =	ssyncadd.s32 $0xFFFFF000  }
0xcb: {  	_ =	swait.ge [sflag:s13], $0x18700  }
0xcc: {  	[sflag:s13] =	ssyncset.done $0x0  }
0xcd: {  	[sflag:s13] =	ssyncadd.s32 $0xFFFE7900  }
0xce: {  	_ =	swait.ge [sflag:s1], $0x2000  }
0xcf: {  	[sflag:s1] =	ssyncset.done $0x0  }
0xd0: {  	s22 =	simm.s32 $0x20;
	[sflag:s1] =	ssyncadd.s32 $0xFFFFE000  }
0xd1: {  	v0 =	vld [tilespmem:s22+$0x10];
	_ =	sdelay $0x1  }
0xd2: {  	v2 =	vld [tilespmem:s22+$0xFFFFFFE0]  }
0xd3: {  	v3 =	vld [tilespmem:s22+$0xFFFFFFF0]  }
0xd4: {  	s23 =	simm.s32 $0x60;
	v4 =	vld [tilespmem:s22+$0x0]  }
0xd5: {  	v7 =	vld [tilespmem:s23+$0x10]  }
0xd6: {  	v1 =	vld [tilespmem:s23+$0xFFFFFFF0]  }
0xd7: {  	v6 =	vld [tilespmem:s23+$0xFFFFFFE0]  }
0xd8: {  	v8 =	vld.idx.msk [tilespmem:v0+s10+$0x0], $0xffff  }
0xd9: {  	v0 =	vld [tilespmem:s23+$0x0]  }
0xda: {  	v5 =	vld.idx.msk [tilespmem:v2+s10+$0x0], $0xffff  }
0xdb: {  	v2 =	vld.idx.msk [tilespmem:v3+s10+$0x0], $0xffff  }
0xdc: {  	s17 =	simm.s32 $0x1A720;
	v3 =	vld.idx.msk [tilespmem:v4+s10+$0x0], $0xffff  }
0xdd: {  	s18 =	simm.s32 $0x40;
	s19 =	simm.s32 $0xA0;
	v4 =	vld.idx.msk [tilespmem:v7+s10+$0x0], $0xffff;
	[tilespmem:s17+$0x10] =	vst v8  }
.LBB2_10:
0xde: {  	v7 =	vld [tilespmem:s19+$0x10];
	s18 =	sadd.s32 $0x40, s18  }
0xdf: {  	v8 =	vld [tilespmem:s19+$0xFFFFFFF0];
	p0 =	slt.u32 s18, $0xFC0;
	[tilespmem:s17+$0xFFFFFFE0] =	vst v5  }
0xe0: {  	v9 =	vld [tilespmem:s19+$0x0];
	[tilespmem:s17+$0xFFFFFFF0] =	vst v2  }
0xe1: {  	v10 =	vld [tilespmem:s19+$0xFFFFFFE0];
	[tilespmem:s17+$0x0] =	vst v3  }
.Ltmp4:
0xe2: {  	s17 =	sadd.s32 $0x40, s17;
	v5 =	vld.idx.msk [tilespmem:v6+s10+$0x0], $0xffff;
	(pc) =	sbr.rel @p0 .LBB2_10-.Ltmp4, $4  }
0xe3: {  	v2 =	vld.idx.msk [tilespmem:v1+s10+$0x0], $0xffff;
	[tilespmem:s17+$0x10] =	vst v4  }
0xe4: {  	v3 =	vld.idx.msk [tilespmem:v0+s10+$0x0], $0xffff;
	v1 =	vmov v8  }
0xe5: {  	v0 =	vmov v9  }
0xe6: {  	s19 =	sadd.s32 $0x40, s19;
	v4 =	vld.idx.msk [tilespmem:v7+s10+$0x0], $0xffff;
	v6 =	vmov v10  }
0xe7: {  	_ =	sdelay $0x3  }
0xe8: {  	v6 =	vld.idx.msk [tilespmem:v6+s10+$0x0], $0xffff  }
0xe9: {  	[tilespmem:s17+$0xFFFFFFE0] =	vst v5;
	v1 =	vld.idx.msk [tilespmem:v1+s10+$0x0], $0xffff  }
0xea: {  	v0 =	vld.idx.msk [tilespmem:v0+s10+$0x0], $0xffff;
	[tilespmem:s17+$0xFFFFFFF0] =	vst v2  }
0xeb: {  	s21 =	sadd.s32 $0x40, s17;
	[tilespmem:s17+$0x0] =	vst v3  }
0xec: {  	[tilespmem:s21+$0x10] =	vst v4  }
0xed: {  	[tilespmem:s21+$0xFFFFFFE0] =	vst v6  }
0xee: {  	[tilespmem:s21+$0xFFFFFFF0] =	vst v1  }
0xef: {  	[tilespmem:s21+$0x0] =	vst v0  }
0xf0: {  	[tilespmem:s5], [sflag:$0x4] =	stream.linear.gather [hbm4b:s26+s5], $0x1000, $0x38;
	[tilespmem:$0x1E700] =	vst v63  }
0xf1: {  	_ =	swait.ge [sflag:s14], $0x1000  }
0xf2: {  	[sflag:s14] =	ssyncset.done $0x0  }
0xf3: {  	s22 =	simm.s32 $0x1020;
	[sflag:s14] =	ssyncadd.s32 $0xFFFFF000  }
0xf4: {  	v0 =	vld [tilespmem:s22+$0x10]  }
0xf5: {  	v3 =	vld [tilespmem:s22+$0x0];
	_ =	sdelay $0x2  }
0xf6: {  	v4 =	vld [tilespmem:s22+$0xFFFFFFF0]  }
0xf7: {  	s23 =	simm.s32 $0x1060;
	v7 =	vld [tilespmem:s22+$0xFFFFFFE0]  }
0xf8: {  	v1 =	vld [tilespmem:s23+$0x10]  }
0xf9: {  	v2 =	vld [tilespmem:s23+$0xFFFFFFF0]  }
0xfa: {  	v8 =	vld.idx.msk [tilespmem:v0+s10+$0x0], $0xffff  }
0xfb: {  	v6 =	vld.idx.msk [tilespmem:v3+s10+$0x0], $0xffff  }
0xfc: {  	v3 =	vld [tilespmem:s23+$0x0]  }
0xfd: {  	v0 =	vld [tilespmem:s23+$0xFFFFFFE0]  }
0xfe: {  	s18 =	simm.s32 $0x0;
	s20 =	simm.s32 $0x1B730;
	s17 =	simm.s32 $0x1B730;
	v5 =	vld.idx.msk [tilespmem:v4+s10+$0x0], $0xffff  }
0xff: {  	s19 =	simm.s32 $0x40;
	s21 =	simm.s32 $0x40;
	s22 =	simm.s32 $0x10A0;
	v4 =	vld.idx.msk [tilespmem:v7+s10+$0x0], $0xffff;
	[tilespmem:s17+$0x0] =	vst v8  }
.LBB2_12:
0x100: {  	s21 =	sadd.s32 $0x40, s21;
	v7 =	vld.idx.msk [tilespmem:v1+s10+$0x0], $0xffff;
	s17 =	sadd.s32 $0x40, s17  }
0x101: {  	v1 =	vld [tilespmem:s22+$0x10];
	p0 =	slt.u32 s21, $0xFC0;
	[tilespmem:s20+$0xFFFFFFF0] =	vst v6  }
0x102: {  	s23 =	sand.u32 $0xFC0, s18;
	s18 =	smov.u32 s19;
	s19 =	smov.u32 s21;
	v8 =	vld [tilespmem:s22+$0xFFFFFFE0]  }
0x103: {  	v9 =	vld [tilespmem:s22+$0xFFFFFFF0];
	[tilespmem:s20+$0xFFFFFFE0] =	vst v5;
	s20 =	smov.u32 s17  }
.Ltmp5:
0x104: {  	v6 =	vld.idx.msk [tilespmem:v3+s10+$0x0], $0xffff;
	[tilespmem:s23+$0x1B700] =	vst v4;
	(pc) =	sbr.rel @p0 .LBB2_12-.Ltmp5, $4  }
0x105: {  	v3 =	vld [tilespmem:s22+$0x0]  }
0x106: {  	v5 =	vld.idx.msk [tilespmem:v2+s10+$0x0], $0xffff;
	[tilespmem:s17+$0x0] =	vst v7  }
0x107: {  	v4 =	vld.idx.msk [tilespmem:v0+s10+$0x0], $0xffff;
	v0 =	vmov v8  }
0x108: {  	s22 =	sadd.s32 $0x40, s22;
	v2 =	vmov v9  }
0x109: {  	_ =	sdelay $0x3  }
0x10a: {  	v1 =	vld.idx.msk [tilespmem:v1+s10+$0x0], $0xffff  }
0x10b: {  	v2 =	vld.idx.msk [tilespmem:v2+s10+$0x0], $0xffff  }
0x10c: {  	[tilespmem:s20+$0xFFFFFFF0] =	vst v6;
	v0 =	vld.idx.msk [tilespmem:v0+s10+$0x0], $0xffff  }
0x10d: {  	s18 =	sand.u32 $0xFC0, s18;
	v3 =	vld.idx.msk [tilespmem:v3+s10+$0x0], $0xffff;
	[tilespmem:s20+$0xFFFFFFE0] =	vst v5  }
0x10e: {  	s17 =	sadd.s32 $0x40, s17;
	[tilespmem:s18+$0x1B700] =	vst v4  }
0x10f: {  	[tilespmem:s17+$0x0] =	vst v1  }
0x110: {  	s21 =	sand.u32 $0xFC0, s19;
	[tilespmem:s17+$0xFFFFFFE0] =	vst v2  }
0x111: {  	[tilespmem:s21+$0x1B700] =	vst v0  }
0x112: {  	[tilespmem:s17+$0xFFFFFFF0] =	vst v3  }
0x113: {  	s17 =	rddreg [dreg:$0xc]  }
0x114: {  	[hbm4b:s17+s8] =	stream.strided.scatter [tilespmem:s15], [sflag:$0x2], $0x2000, s9, s8, $0x38;
	[tilespmem:$0x1E700] =	vst v63  }
0x115: {  	_ = 	snop  }
0x116: {  	[tilespmem:s11], [sflag:$0x5] =	stream.linear.gather [hbm4b:s28+s5], $0x1000, $0x38;
	[tilespmem:$0x1E700] =	vst v63  }
0x117: {  	_ =	swait.ge [sflag:s12], $0x1000  }
0x118: {  	[sflag:s12] =	ssyncset.done $0x0  }
0x119: {  	[sflag:s12] =	ssyncadd.s32 $0xFFFFF000  }
0x11a: {  	_ =	swait.ge [sflag:s16], $0x2000  }
0x11b: {  	[sflag:s16] =	ssyncset.done $0x0  }
0x11c: {  	s22 =	simm.s32 $0x20;
	[sflag:s16] =	ssyncadd.s32 $0xFFFFE000  }
0x11d: {  	v0 =	vld [tilespmem:s22+$0x10]  }
0x11e: {  	v3 =	vld [tilespmem:s22+$0x0];
	_ =	sdelay $0x2  }
0x11f: {  	v4 =	vld [tilespmem:s22+$0xFFFFFFF0]  }
0x120: {  	s23 =	simm.s32 $0x60;
	v7 =	vld [tilespmem:s22+$0xFFFFFFE0]  }
0x121: {  	v1 =	vld [tilespmem:s23+$0x10]  }
0x122: {  	v2 =	vld [tilespmem:s23+$0xFFFFFFF0]  }
0x123: {  	v8 =	vld.idx.msk [tilespmem:v0+s10+$0x0], $0xffff  }
0x124: {  	v6 =	vld.idx.msk [tilespmem:v3+s10+$0x0], $0xffff  }
0x125: {  	v3 =	vld [tilespmem:s23+$0x0]  }
0x126: {  	v0 =	vld [tilespmem:s23+$0xFFFFFFE0]  }
0x127: {  	s19 =	simm.s32 $0x40;
	s20 =	simm.s32 $0x1C730;
	s17 =	simm.s32 $0x1C730;
	v5 =	vld.idx.msk [tilespmem:v4+s10+$0x0], $0xffff  }
0x128: {  	s18 =	simm.s32 $0x0;
	s21 =	simm.s32 $0x40;
	s22 =	simm.s32 $0xA0;
	v4 =	vld.idx.msk [tilespmem:v7+s10+$0x0], $0xffff;
	[tilespmem:s17+$0x0] =	vst v8  }
.LBB2_14:
0x129: {  	s21 =	sadd.s32 $0x40, s21;
	v7 =	vld.idx.msk [tilespmem:v1+s10+$0x0], $0xffff;
	s17 =	sadd.s32 $0x40, s17  }
0x12a: {  	v1 =	vld [tilespmem:s22+$0x10];
	p0 =	slt.u32 s21, $0xFC0;
	[tilespmem:s20+$0xFFFFFFF0] =	vst v6  }
0x12b: {  	s23 =	sand.u32 $0xFC0, s18;
	s18 =	smov.u32 s19;
	s19 =	smov.u32 s21;
	v8 =	vld [tilespmem:s22+$0xFFFFFFE0]  }
0x12c: {  	v9 =	vld [tilespmem:s22+$0xFFFFFFF0];
	[tilespmem:s20+$0xFFFFFFE0] =	vst v5;
	s20 =	smov.u32 s17  }
.Ltmp6:
0x12d: {  	v6 =	vld.idx.msk [tilespmem:v3+s10+$0x0], $0xffff;
	[tilespmem:s23+$0x1C700] =	vst v4;
	(pc) =	sbr.rel @p0 .LBB2_14-.Ltmp6, $4  }
0x12e: {  	v3 =	vld [tilespmem:s22+$0x0]  }
0x12f: {  	v5 =	vld.idx.msk [tilespmem:v2+s10+$0x0], $0xffff;
	[tilespmem:s17+$0x0] =	vst v7  }
0x130: {  	v4 =	vld.idx.msk [tilespmem:v0+s10+$0x0], $0xffff;
	v0 =	vmov v8  }
0x131: {  	s22 =	sadd.s32 $0x40, s22;
	v2 =	vmov v9  }
0x132: {  	_ =	sdelay $0x3  }
0x133: {  	v1 =	vld.idx.msk [tilespmem:v1+s10+$0x0], $0xffff  }
0x134: {  	v2 =	vld.idx.msk [tilespmem:v2+s10+$0x0], $0xffff  }
0x135: {  	[tilespmem:s20+$0xFFFFFFF0] =	vst v6;
	v0 =	vld.idx.msk [tilespmem:v0+s10+$0x0], $0xffff  }
0x136: {  	s18 =	sand.u32 $0xFC0, s18;
	v3 =	vld.idx.msk [tilespmem:v3+s10+$0x0], $0xffff;
	[tilespmem:s20+$0xFFFFFFE0] =	vst v5  }
0x137: {  	s17 =	sadd.s32 $0x40, s17;
	[tilespmem:s18+$0x1C700] =	vst v4  }
0x138: {  	[tilespmem:s17+$0x0] =	vst v1  }
0x139: {  	s21 =	sand.u32 $0xFC0, s19;
	[tilespmem:s17+$0xFFFFFFE0] =	vst v2  }
0x13a: {  	[tilespmem:s21+$0x1C700] =	vst v0  }
0x13b: {  	[tilespmem:s17+$0xFFFFFFF0] =	vst v3  }
0x13c: {  	_ =	swait.ge [sflag:s14], $0x1000  }
0x13d: {  	[sflag:s14] =	ssyncset.done $0x0  }
0x13e: {  	s22 =	simm.s32 $0x1020;
	[sflag:s14] =	ssyncadd.s32 $0xFFFFF000  }
0x13f: {  	v0 =	vld [tilespmem:s22+$0x10]  }
0x140: {  	v3 =	vld [tilespmem:s22+$0x0];
	_ =	sdelay $0x2  }
0x141: {  	v4 =	vld [tilespmem:s22+$0xFFFFFFF0]  }
0x142: {  	s23 =	simm.s32 $0x1060;
	v7 =	vld [tilespmem:s22+$0xFFFFFFE0]  }
0x143: {  	v1 =	vld [tilespmem:s23+$0x10]  }
0x144: {  	v2 =	vld [tilespmem:s23+$0xFFFFFFF0]  }
0x145: {  	v8 =	vld.idx.msk [tilespmem:v0+s10+$0x0], $0xffff  }
0x146: {  	v6 =	vld.idx.msk [tilespmem:v3+s10+$0x0], $0xffff  }
0x147: {  	v3 =	vld [tilespmem:s23+$0x0]  }
0x148: {  	v0 =	vld [tilespmem:s23+$0xFFFFFFE0]  }
0x149: {  	s19 =	simm.s32 $0x40;
	s20 =	simm.s32 $0x1D730;
	s17 =	simm.s32 $0x1D730;
	v5 =	vld.idx.msk [tilespmem:v4+s10+$0x0], $0xffff  }
0x14a: {  	s18 =	simm.s32 $0x0;
	s21 =	simm.s32 $0x40;
	s22 =	simm.s32 $0x10A0;
	v4 =	vld.idx.msk [tilespmem:v7+s10+$0x0], $0xffff;
	[tilespmem:s17+$0x0] =	vst v8  }
.LBB2_16:
0x14b: {  	s21 =	sadd.s32 $0x40, s21;
	v7 =	vld.idx.msk [tilespmem:v1+s10+$0x0], $0xffff;
	s17 =	sadd.s32 $0x40, s17  }
0x14c: {  	v1 =	vld [tilespmem:s22+$0x10];
	p0 =	slt.u32 s21, $0xFC0;
	[tilespmem:s20+$0xFFFFFFF0] =	vst v6  }
0x14d: {  	s23 =	sand.u32 $0xFC0, s18;
	s18 =	smov.u32 s19;
	s19 =	smov.u32 s21;
	v8 =	vld [tilespmem:s22+$0xFFFFFFE0]  }
0x14e: {  	v9 =	vld [tilespmem:s22+$0xFFFFFFF0];
	[tilespmem:s20+$0xFFFFFFE0] =	vst v5;
	s20 =	smov.u32 s17  }
.Ltmp7:
0x14f: {  	v6 =	vld.idx.msk [tilespmem:v3+s10+$0x0], $0xffff;
	[tilespmem:s23+$0x1D700] =	vst v4;
	(pc) =	sbr.rel @p0 .LBB2_16-.Ltmp7, $4  }
0x150: {  	v3 =	vld [tilespmem:s22+$0x0]  }
0x151: {  	v5 =	vld.idx.msk [tilespmem:v2+s10+$0x0], $0xffff;
	[tilespmem:s17+$0x0] =	vst v7  }
0x152: {  	v4 =	vld.idx.msk [tilespmem:v0+s10+$0x0], $0xffff;
	v0 =	vmov v8  }
0x153: {  	s22 =	sadd.s32 $0x40, s22;
	v2 =	vmov v9  }
0x154: {  	_ =	sdelay $0x3  }
0x155: {  	v1 =	vld.idx.msk [tilespmem:v1+s10+$0x0], $0xffff  }
0x156: {  	v2 =	vld.idx.msk [tilespmem:v2+s10+$0x0], $0xffff  }
0x157: {  	[tilespmem:s20+$0xFFFFFFF0] =	vst v6;
	v0 =	vld.idx.msk [tilespmem:v0+s10+$0x0], $0xffff  }
0x158: {  	s18 =	sand.u32 $0xFC0, s18;
	v3 =	vld.idx.msk [tilespmem:v3+s10+$0x0], $0xffff;
	[tilespmem:s20+$0xFFFFFFE0] =	vst v5  }
0x159: {  	s17 =	sadd.s32 $0x40, s17;
	[tilespmem:s18+$0x1D700] =	vst v4  }
0x15a: {  	[tilespmem:s17+$0x0] =	vst v1  }
0x15b: {  	s19 =	sand.u32 $0xFC0, s19;
	[tilespmem:s17+$0xFFFFFFE0] =	vst v2  }
0x15c: {  	[tilespmem:s19+$0x1D700] =	vst v0  }
0x15d: {  	[tilespmem:s17+$0xFFFFFFF0] =	vst v3  }
0x15e: {  	s17 =	rddreg [dreg:$0xd]  }
0x15f: {  	[hbm4b:s17+s8] =	stream.strided.scatter [tilespmem:s0], [sflag:$0x3], $0x2000, s9, s8, $0x38;
	[tilespmem:$0x1E700] =	vst v63  }
0x160: {  	s20 =	rddreg [dreg:$0xe]  }
0x161: {  	[tilespmem:s10], [sflag:$0x1] =	stream.strided.gather [hbm4b:s20+s8], $0x18700, s9, s8, $0x38;
	[tilespmem:$0x1E700] =	vst v63  }
0x162: {  	s21 =	rddreg [dreg:$0x1]  }
0x163: {  	[tilespmem:s5], [sflag:$0x4] =	stream.linear.gather [hbm4b:s21+s5], $0x1000, $0x38;
	[tilespmem:$0x1E700] =	vst v63  }
0x164: {  	_ = 	snop  }
0x165: {  	[tilespmem:s11], [sflag:$0x5] =	stream.linear.gather [hbm4b:s29+s5], $0x1000, $0x38;
	[tilespmem:$0x1E700] =	vst v63  }
0x166: {  	_ =	swait.ge [sflag:s12], $0x1000  }
0x167: {  	[sflag:s12] =	ssyncset.done $0x0  }
0x168: {  	[sflag:s12] =	ssyncadd.s32 $0xFFFFF000  }
0x169: {  	_ =	swait.ge [sflag:s13], $0x18700  }
0x16a: {  	[sflag:s13] =	ssyncset.done $0x0  }
0x16b: {  	[sflag:s13] =	ssyncadd.s32 $0xFFFE7900  }
0x16c: {  	_ =	swait.ge [sflag:s1], $0x2000  }
0x16d: {  	[sflag:s1] =	ssyncset.done $0x0  }
0x16e: {  	s22 =	simm.s32 $0x20;
	[sflag:s1] =	ssyncadd.s32 $0xFFFFE000  }
0x16f: {  	v0 =	vld [tilespmem:s22+$0x10];
	_ =	sdelay $0x1  }
0x170: {  	v2 =	vld [tilespmem:s22+$0xFFFFFFE0]  }
0x171: {  	v3 =	vld [tilespmem:s22+$0xFFFFFFF0]  }
0x172: {  	s23 =	simm.s32 $0x60;
	v4 =	vld [tilespmem:s22+$0x0]  }
0x173: {  	v7 =	vld [tilespmem:s23+$0x10]  }
0x174: {  	v1 =	vld [tilespmem:s23+$0xFFFFFFF0]  }
0x175: {  	v6 =	vld [tilespmem:s23+$0xFFFFFFE0]  }
0x176: {  	v8 =	vld.idx.msk [tilespmem:v0+s10+$0x0], $0xffff  }
0x177: {  	v0 =	vld [tilespmem:s23+$0x0]  }
0x178: {  	v5 =	vld.idx.msk [tilespmem:v2+s10+$0x0], $0xffff  }
0x179: {  	v2 =	vld.idx.msk [tilespmem:v3+s10+$0x0], $0xffff  }
0x17a: {  	s17 =	simm.s32 $0x1A720;
	v3 =	vld.idx.msk [tilespmem:v4+s10+$0x0], $0xffff  }
0x17b: {  	s18 =	simm.s32 $0x40;
	s19 =	simm.s32 $0xA0;
	v4 =	vld.idx.msk [tilespmem:v7+s10+$0x0], $0xffff;
	[tilespmem:s17+$0x10] =	vst v8  }
.LBB2_18:
0x17c: {  	v7 =	vld [tilespmem:s19+$0x10];
	s18 =	sadd.s32 $0x40, s18  }
0x17d: {  	v8 =	vld [tilespmem:s19+$0xFFFFFFF0];
	p0 =	slt.u32 s18, $0xFC0;
	[tilespmem:s17+$0xFFFFFFE0] =	vst v5  }
0x17e: {  	v9 =	vld [tilespmem:s19+$0x0];
	[tilespmem:s17+$0xFFFFFFF0] =	vst v2  }
0x17f: {  	v10 =	vld [tilespmem:s19+$0xFFFFFFE0];
	[tilespmem:s17+$0x0] =	vst v3  }
.Ltmp8:
0x180: {  	s17 =	sadd.s32 $0x40, s17;
	v5 =	vld.idx.msk [tilespmem:v6+s10+$0x0], $0xffff;
	(pc) =	sbr.rel @p0 .LBB2_18-.Ltmp8, $4  }
0x181: {  	v2 =	vld.idx.msk [tilespmem:v1+s10+$0x0], $0xffff;
	[tilespmem:s17+$0x10] =	vst v4  }
0x182: {  	v3 =	vld.idx.msk [tilespmem:v0+s10+$0x0], $0xffff;
	v1 =	vmov v8  }
0x183: {  	v0 =	vmov v9  }
0x184: {  	s19 =	sadd.s32 $0x40, s19;
	v4 =	vld.idx.msk [tilespmem:v7+s10+$0x0], $0xffff;
	v6 =	vmov v10  }
0x185: {  	_ =	sdelay $0x3  }
0x186: {  	v6 =	vld.idx.msk [tilespmem:v6+s10+$0x0], $0xffff  }
0x187: {  	[tilespmem:s17+$0xFFFFFFE0] =	vst v5;
	v1 =	vld.idx.msk [tilespmem:v1+s10+$0x0], $0xffff  }
0x188: {  	v0 =	vld.idx.msk [tilespmem:v0+s10+$0x0], $0xffff;
	[tilespmem:s17+$0xFFFFFFF0] =	vst v2  }
0x189: {  	s21 =	sadd.s32 $0x40, s17;
	[tilespmem:s17+$0x0] =	vst v3  }
0x18a: {  	[tilespmem:s21+$0x10] =	vst v4  }
0x18b: {  	[tilespmem:s21+$0xFFFFFFE0] =	vst v6  }
0x18c: {  	[tilespmem:s21+$0xFFFFFFF0] =	vst v1  }
0x18d: {  	[tilespmem:s21+$0x0] =	vst v0  }
0x18e: {  	[tilespmem:s5], [sflag:$0x4] =	stream.linear.gather [hbm4b:s30+s5], $0x1000, $0x38;
	[tilespmem:$0x1E700] =	vst v63  }
0x18f: {  	_ =	swait.ge [sflag:s14], $0x1000  }
0x190: {  	[sflag:s14] =	ssyncset.done $0x0  }
0x191: {  	s22 =	simm.s32 $0x1020;
	[sflag:s14] =	ssyncadd.s32 $0xFFFFF000  }
0x192: {  	v0 =	vld [tilespmem:s22+$0x10]  }
0x193: {  	v3 =	vld [tilespmem:s22+$0x0];
	_ =	sdelay $0x2  }
0x194: {  	v4 =	vld [tilespmem:s22+$0xFFFFFFF0]  }
0x195: {  	s23 =	simm.s32 $0x1060;
	v7 =	vld [tilespmem:s22+$0xFFFFFFE0]  }
0x196: {  	v1 =	vld [tilespmem:s23+$0x10]  }
0x197: {  	v2 =	vld [tilespmem:s23+$0xFFFFFFF0]  }
0x198: {  	v8 =	vld.idx.msk [tilespmem:v0+s10+$0x0], $0xffff  }
0x199: {  	v6 =	vld.idx.msk [tilespmem:v3+s10+$0x0], $0xffff  }
0x19a: {  	v3 =	vld [tilespmem:s23+$0x0]  }
0x19b: {  	v0 =	vld [tilespmem:s23+$0xFFFFFFE0]  }
0x19c: {  	s18 =	simm.s32 $0x0;
	s20 =	simm.s32 $0x1B730;
	s17 =	simm.s32 $0x1B730;
	v5 =	vld.idx.msk [tilespmem:v4+s10+$0x0], $0xffff  }
0x19d: {  	s19 =	simm.s32 $0x40;
	s21 =	simm.s32 $0x40;
	s22 =	simm.s32 $0x10A0;
	v4 =	vld.idx.msk [tilespmem:v7+s10+$0x0], $0xffff;
	[tilespmem:s17+$0x0] =	vst v8  }
.LBB2_20:
0x19e: {  	s21 =	sadd.s32 $0x40, s21;
	v7 =	vld.idx.msk [tilespmem:v1+s10+$0x0], $0xffff;
	s17 =	sadd.s32 $0x40, s17  }
0x19f: {  	v1 =	vld [tilespmem:s22+$0x10];
	p0 =	slt.u32 s21, $0xFC0;
	[tilespmem:s20+$0xFFFFFFF0] =	vst v6  }
0x1a0: {  	s23 =	sand.u32 $0xFC0, s18;
	s18 =	smov.u32 s19;
	s19 =	smov.u32 s21;
	v8 =	vld [tilespmem:s22+$0xFFFFFFE0]  }
0x1a1: {  	v9 =	vld [tilespmem:s22+$0xFFFFFFF0];
	[tilespmem:s20+$0xFFFFFFE0] =	vst v5;
	s20 =	smov.u32 s17  }
.Ltmp9:
0x1a2: {  	v6 =	vld.idx.msk [tilespmem:v3+s10+$0x0], $0xffff;
	[tilespmem:s23+$0x1B700] =	vst v4;
	(pc) =	sbr.rel @p0 .LBB2_20-.Ltmp9, $4  }
0x1a3: {  	v3 =	vld [tilespmem:s22+$0x0]  }
0x1a4: {  	v5 =	vld.idx.msk [tilespmem:v2+s10+$0x0], $0xffff;
	[tilespmem:s17+$0x0] =	vst v7  }
0x1a5: {  	v4 =	vld.idx.msk [tilespmem:v0+s10+$0x0], $0xffff;
	v0 =	vmov v8  }
0x1a6: {  	s22 =	sadd.s32 $0x40, s22;
	v2 =	vmov v9  }
0x1a7: {  	_ =	sdelay $0x3  }
0x1a8: {  	v1 =	vld.idx.msk [tilespmem:v1+s10+$0x0], $0xffff  }
0x1a9: {  	v2 =	vld.idx.msk [tilespmem:v2+s10+$0x0], $0xffff  }
0x1aa: {  	[tilespmem:s20+$0xFFFFFFF0] =	vst v6;
	v0 =	vld.idx.msk [tilespmem:v0+s10+$0x0], $0xffff  }
0x1ab: {  	s18 =	sand.u32 $0xFC0, s18;
	v3 =	vld.idx.msk [tilespmem:v3+s10+$0x0], $0xffff;
	[tilespmem:s20+$0xFFFFFFE0] =	vst v5  }
0x1ac: {  	s17 =	sadd.s32 $0x40, s17;
	[tilespmem:s18+$0x1B700] =	vst v4  }
0x1ad: {  	[tilespmem:s17+$0x0] =	vst v1  }
0x1ae: {  	s21 =	sand.u32 $0xFC0, s19;
	[tilespmem:s17+$0xFFFFFFE0] =	vst v2  }
0x1af: {  	[tilespmem:s21+$0x1B700] =	vst v0  }
0x1b0: {  	[tilespmem:s17+$0xFFFFFFF0] =	vst v3  }
0x1b1: {  	s17 =	rddreg [dreg:$0x18]  }
0x1b2: {  	[hbm4b:s17+s8] =	stream.strided.scatter [tilespmem:s15], [sflag:$0x2], $0x2000, s9, s8, $0x38;
	[tilespmem:$0x1E700] =	vst v63  }
0x1b3: {  	_ = 	snop  }
0x1b4: {  	[tilespmem:s11], [sflag:$0x5] =	stream.linear.gather [hbm4b:s31+s5], $0x1000, $0x38;
	[tilespmem:$0x1E700] =	vst v63  }
0x1b5: {  	_ =	swait.ge [sflag:s12], $0x1000  }
0x1b6: {  	[sflag:s12] =	ssyncset.done $0x0  }
0x1b7: {  	[sflag:s12] =	ssyncadd.s32 $0xFFFFF000  }
0x1b8: {  	_ =	swait.ge [sflag:s16], $0x2000  }
0x1b9: {  	[sflag:s16] =	ssyncset.done $0x0  }
0x1ba: {  	s22 =	simm.s32 $0x20;
	[sflag:s16] =	ssyncadd.s32 $0xFFFFE000  }
0x1bb: {  	v0 =	vld [tilespmem:s22+$0x10]  }
0x1bc: {  	v3 =	vld [tilespmem:s22+$0x0];
	_ =	sdelay $0x2  }
0x1bd: {  	v4 =	vld [tilespmem:s22+$0xFFFFFFF0]  }
0x1be: {  	s23 =	simm.s32 $0x60;
	v7 =	vld [tilespmem:s22+$0xFFFFFFE0]  }
0x1bf: {  	v1 =	vld [tilespmem:s23+$0x10]  }
0x1c0: {  	v2 =	vld [tilespmem:s23+$0xFFFFFFF0]  }
0x1c1: {  	v8 =	vld.idx.msk [tilespmem:v0+s10+$0x0], $0xffff  }
0x1c2: {  	v6 =	vld.idx.msk [tilespmem:v3+s10+$0x0], $0xffff  }
0x1c3: {  	v3 =	vld [tilespmem:s23+$0x0]  }
0x1c4: {  	v0 =	vld [tilespmem:s23+$0xFFFFFFE0]  }
0x1c5: {  	s19 =	simm.s32 $0x40;
	s20 =	simm.s32 $0x1C730;
	s17 =	simm.s32 $0x1C730;
	v5 =	vld.idx.msk [tilespmem:v4+s10+$0x0], $0xffff  }
0x1c6: {  	s18 =	simm.s32 $0x0;
	s21 =	simm.s32 $0x40;
	s22 =	simm.s32 $0xA0;
	v4 =	vld.idx.msk [tilespmem:v7+s10+$0x0], $0xffff;
	[tilespmem:s17+$0x0] =	vst v8  }
.LBB2_22:
0x1c7: {  	s21 =	sadd.s32 $0x40, s21;
	v7 =	vld.idx.msk [tilespmem:v1+s10+$0x0], $0xffff;
	s17 =	sadd.s32 $0x40, s17  }
0x1c8: {  	v1 =	vld [tilespmem:s22+$0x10];
	p0 =	slt.u32 s21, $0xFC0;
	[tilespmem:s20+$0xFFFFFFF0] =	vst v6  }
0x1c9: {  	s23 =	sand.u32 $0xFC0, s18;
	s18 =	smov.u32 s19;
	s19 =	smov.u32 s21;
	v8 =	vld [tilespmem:s22+$0xFFFFFFE0]  }
0x1ca: {  	v9 =	vld [tilespmem:s22+$0xFFFFFFF0];
	[tilespmem:s20+$0xFFFFFFE0] =	vst v5;
	s20 =	smov.u32 s17  }
.Ltmp10:
0x1cb: {  	v6 =	vld.idx.msk [tilespmem:v3+s10+$0x0], $0xffff;
	[tilespmem:s23+$0x1C700] =	vst v4;
	(pc) =	sbr.rel @p0 .LBB2_22-.Ltmp10, $4  }
0x1cc: {  	v3 =	vld [tilespmem:s22+$0x0]  }
0x1cd: {  	v5 =	vld.idx.msk [tilespmem:v2+s10+$0x0], $0xffff;
	[tilespmem:s17+$0x0] =	vst v7  }
0x1ce: {  	v4 =	vld.idx.msk [tilespmem:v0+s10+$0x0], $0xffff;
	v0 =	vmov v8  }
0x1cf: {  	s22 =	sadd.s32 $0x40, s22;
	v2 =	vmov v9  }
0x1d0: {  	_ =	sdelay $0x3  }
0x1d1: {  	v1 =	vld.idx.msk [tilespmem:v1+s10+$0x0], $0xffff  }
0x1d2: {  	v2 =	vld.idx.msk [tilespmem:v2+s10+$0x0], $0xffff  }
0x1d3: {  	[tilespmem:s20+$0xFFFFFFF0] =	vst v6;
	v0 =	vld.idx.msk [tilespmem:v0+s10+$0x0], $0xffff  }
0x1d4: {  	s18 =	sand.u32 $0xFC0, s18;
	v3 =	vld.idx.msk [tilespmem:v3+s10+$0x0], $0xffff;
	[tilespmem:s20+$0xFFFFFFE0] =	vst v5  }
0x1d5: {  	s17 =	sadd.s32 $0x40, s17;
	[tilespmem:s18+$0x1C700] =	vst v4  }
0x1d6: {  	[tilespmem:s17+$0x0] =	vst v1  }
0x1d7: {  	s21 =	sand.u32 $0xFC0, s19;
	[tilespmem:s17+$0xFFFFFFE0] =	vst v2  }
0x1d8: {  	[tilespmem:s21+$0x1C700] =	vst v0  }
0x1d9: {  	[tilespmem:s17+$0xFFFFFFF0] =	vst v3  }
0x1da: {  	_ =	swait.ge [sflag:s14], $0x1000  }
0x1db: {  	[sflag:s14] =	ssyncset.done $0x0  }
0x1dc: {  	s22 =	simm.s32 $0x1020;
	[sflag:s14] =	ssyncadd.s32 $0xFFFFF000  }
0x1dd: {  	v0 =	vld [tilespmem:s22+$0x10]  }
0x1de: {  	v3 =	vld [tilespmem:s22+$0x0];
	_ =	sdelay $0x2  }
0x1df: {  	v4 =	vld [tilespmem:s22+$0xFFFFFFF0]  }
0x1e0: {  	s23 =	simm.s32 $0x1060;
	v7 =	vld [tilespmem:s22+$0xFFFFFFE0]  }
0x1e1: {  	v1 =	vld [tilespmem:s23+$0x10]  }
0x1e2: {  	v2 =	vld [tilespmem:s23+$0xFFFFFFF0]  }
0x1e3: {  	v8 =	vld.idx.msk [tilespmem:v0+s10+$0x0], $0xffff  }
0x1e4: {  	v6 =	vld.idx.msk [tilespmem:v3+s10+$0x0], $0xffff  }
0x1e5: {  	v3 =	vld [tilespmem:s23+$0x0]  }
0x1e6: {  	v0 =	vld [tilespmem:s23+$0xFFFFFFE0]  }
0x1e7: {  	s19 =	simm.s32 $0x40;
	s20 =	simm.s32 $0x1D730;
	s17 =	simm.s32 $0x1D730;
	v5 =	vld.idx.msk [tilespmem:v4+s10+$0x0], $0xffff  }
0x1e8: {  	s18 =	simm.s32 $0x0;
	s21 =	simm.s32 $0x40;
	s22 =	simm.s32 $0x10A0;
	v4 =	vld.idx.msk [tilespmem:v7+s10+$0x0], $0xffff;
	[tilespmem:s17+$0x0] =	vst v8  }
.LBB2_24:
0x1e9: {  	s21 =	sadd.s32 $0x40, s21;
	v7 =	vld.idx.msk [tilespmem:v1+s10+$0x0], $0xffff;
	s17 =	sadd.s32 $0x40, s17  }
0x1ea: {  	v1 =	vld [tilespmem:s22+$0x10];
	p0 =	slt.u32 s21, $0xFC0;
	[tilespmem:s20+$0xFFFFFFF0] =	vst v6  }
0x1eb: {  	s23 =	sand.u32 $0xFC0, s18;
	s18 =	smov.u32 s19;
	s19 =	smov.u32 s21;
	v8 =	vld [tilespmem:s22+$0xFFFFFFE0]  }
0x1ec: {  	v9 =	vld [tilespmem:s22+$0xFFFFFFF0];
	[tilespmem:s20+$0xFFFFFFE0] =	vst v5;
	s20 =	smov.u32 s17  }
.Ltmp11:
0x1ed: {  	v6 =	vld.idx.msk [tilespmem:v3+s10+$0x0], $0xffff;
	[tilespmem:s23+$0x1D700] =	vst v4;
	(pc) =	sbr.rel @p0 .LBB2_24-.Ltmp11, $4  }
0x1ee: {  	v3 =	vld [tilespmem:s22+$0x0]  }
0x1ef: {  	v5 =	vld.idx.msk [tilespmem:v2+s10+$0x0], $0xffff;
	[tilespmem:s17+$0x0] =	vst v7  }
0x1f0: {  	v4 =	vld.idx.msk [tilespmem:v0+s10+$0x0], $0xffff;
	v0 =	vmov v8  }
0x1f1: {  	s22 =	sadd.s32 $0x40, s22;
	v2 =	vmov v9  }
0x1f2: {  	_ =	sdelay $0x3  }
0x1f3: {  	v1 =	vld.idx.msk [tilespmem:v1+s10+$0x0], $0xffff  }
0x1f4: {  	v2 =	vld.idx.msk [tilespmem:v2+s10+$0x0], $0xffff  }
0x1f5: {  	[tilespmem:s20+$0xFFFFFFF0] =	vst v6;
	v0 =	vld.idx.msk [tilespmem:v0+s10+$0x0], $0xffff  }
0x1f6: {  	s18 =	sand.u32 $0xFC0, s18;
	v3 =	vld.idx.msk [tilespmem:v3+s10+$0x0], $0xffff;
	[tilespmem:s20+$0xFFFFFFE0] =	vst v5  }
0x1f7: {  	s17 =	sadd.s32 $0x40, s17;
	[tilespmem:s18+$0x1D700] =	vst v4  }
0x1f8: {  	[tilespmem:s17+$0x0] =	vst v1  }
0x1f9: {  	s19 =	sand.u32 $0xFC0, s19;
	[tilespmem:s17+$0xFFFFFFE0] =	vst v2  }
0x1fa: {  	[tilespmem:s19+$0x1D700] =	vst v0  }
0x1fb: {  	[tilespmem:s17+$0xFFFFFFF0] =	vst v3  }
0x1fc: {  	s17 =	rddreg [dreg:$0x12]  }
0x1fd: {  	[hbm4b:s17+s8] =	stream.strided.scatter [tilespmem:s0], [sflag:$0x3], $0x2000, s9, s8, $0x38;
	[tilespmem:$0x1E700] =	vst v63  }
0x1fe: {  	s20 =	rddreg [dreg:$0xf]  }
0x1ff: {  	[tilespmem:s10], [sflag:$0x1] =	stream.strided.gather [hbm4b:s20+s8], $0x18700, s9, s8, $0x38;
	[tilespmem:$0x1E700] =	vst v63  }
0x200: {  	s21 =	rddreg [dreg:$0x1]  }
0x201: {  	[tilespmem:s5], [sflag:$0x4] =	stream.linear.gather [hbm4b:s21+s5], $0x1000, $0x38;
	[tilespmem:$0x1E700] =	vst v63  }
0x202: {  	_ = 	snop  }
0x203: {  	[tilespmem:s11], [sflag:$0x5] =	stream.linear.gather [hbm4b:s29+s5], $0x1000, $0x38;
	[tilespmem:$0x1E700] =	vst v63  }
0x204: {  	_ =	swait.ge [sflag:s12], $0x1000  }
0x205: {  	[sflag:s12] =	ssyncset.done $0x0  }
0x206: {  	[sflag:s12] =	ssyncadd.s32 $0xFFFFF000  }
0x207: {  	_ =	swait.ge [sflag:s13], $0x18700  }
0x208: {  	[sflag:s13] =	ssyncset.done $0x0  }
0x209: {  	[sflag:s13] =	ssyncadd.s32 $0xFFFE7900  }
0x20a: {  	_ =	swait.ge [sflag:s1], $0x2000  }
0x20b: {  	[sflag:s1] =	ssyncset.done $0x0  }
0x20c: {  	s22 =	simm.s32 $0x20;
	[sflag:s1] =	ssyncadd.s32 $0xFFFFE000  }
0x20d: {  	v0 =	vld [tilespmem:s22+$0x10];
	_ =	sdelay $0x1  }
0x20e: {  	v2 =	vld [tilespmem:s22+$0xFFFFFFE0]  }
0x20f: {  	v3 =	vld [tilespmem:s22+$0xFFFFFFF0]  }
0x210: {  	s23 =	simm.s32 $0x60;
	v4 =	vld [tilespmem:s22+$0x0]  }
0x211: {  	v7 =	vld [tilespmem:s23+$0x10]  }
0x212: {  	v1 =	vld [tilespmem:s23+$0xFFFFFFF0]  }
0x213: {  	v6 =	vld [tilespmem:s23+$0xFFFFFFE0]  }
0x214: {  	v8 =	vld.idx.msk [tilespmem:v0+s10+$0x0], $0xffff  }
0x215: {  	v0 =	vld [tilespmem:s23+$0x0]  }
0x216: {  	v5 =	vld.idx.msk [tilespmem:v2+s10+$0x0], $0xffff  }
0x217: {  	v2 =	vld.idx.msk [tilespmem:v3+s10+$0x0], $0xffff  }
0x218: {  	s17 =	simm.s32 $0x1A720;
	v3 =	vld.idx.msk [tilespmem:v4+s10+$0x0], $0xffff  }
0x219: {  	s18 =	simm.s32 $0x40;
	s19 =	simm.s32 $0xA0;
	v4 =	vld.idx.msk [tilespmem:v7+s10+$0x0], $0xffff;
	[tilespmem:s17+$0x10] =	vst v8  }
.LBB2_26:
0x21a: {  	v7 =	vld [tilespmem:s19+$0x10];
	s18 =	sadd.s32 $0x40, s18  }
0x21b: {  	v8 =	vld [tilespmem:s19+$0xFFFFFFF0];
	p0 =	slt.u32 s18, $0xFC0;
	[tilespmem:s17+$0xFFFFFFE0] =	vst v5  }
0x21c: {  	v9 =	vld [tilespmem:s19+$0x0];
	[tilespmem:s17+$0xFFFFFFF0] =	vst v2  }
0x21d: {  	v10 =	vld [tilespmem:s19+$0xFFFFFFE0];
	[tilespmem:s17+$0x0] =	vst v3  }
.Ltmp12:
0x21e: {  	s17 =	sadd.s32 $0x40, s17;
	v5 =	vld.idx.msk [tilespmem:v6+s10+$0x0], $0xffff;
	(pc) =	sbr.rel @p0 .LBB2_26-.Ltmp12, $4  }
0x21f: {  	v2 =	vld.idx.msk [tilespmem:v1+s10+$0x0], $0xffff;
	[tilespmem:s17+$0x10] =	vst v4  }
0x220: {  	v3 =	vld.idx.msk [tilespmem:v0+s10+$0x0], $0xffff;
	v1 =	vmov v8  }
0x221: {  	v0 =	vmov v9  }
0x222: {  	s19 =	sadd.s32 $0x40, s19;
	v4 =	vld.idx.msk [tilespmem:v7+s10+$0x0], $0xffff;
	v6 =	vmov v10  }
0x223: {  	_ =	sdelay $0x3  }
0x224: {  	v6 =	vld.idx.msk [tilespmem:v6+s10+$0x0], $0xffff  }
0x225: {  	[tilespmem:s17+$0xFFFFFFE0] =	vst v5;
	v1 =	vld.idx.msk [tilespmem:v1+s10+$0x0], $0xffff  }
0x226: {  	v0 =	vld.idx.msk [tilespmem:v0+s10+$0x0], $0xffff;
	[tilespmem:s17+$0xFFFFFFF0] =	vst v2  }
0x227: {  	s21 =	sadd.s32 $0x40, s17;
	[tilespmem:s17+$0x0] =	vst v3  }
0x228: {  	[tilespmem:s21+$0x10] =	vst v4  }
0x229: {  	[tilespmem:s21+$0xFFFFFFE0] =	vst v6  }
0x22a: {  	[tilespmem:s21+$0xFFFFFFF0] =	vst v1  }
0x22b: {  	[tilespmem:s21+$0x0] =	vst v0  }
0x22c: {  	[tilespmem:s5], [sflag:$0x4] =	stream.linear.gather [hbm4b:s30+s5], $0x1000, $0x38;
	[tilespmem:$0x1E700] =	vst v63  }
0x22d: {  	_ =	swait.ge [sflag:s14], $0x1000  }
0x22e: {  	[sflag:s14] =	ssyncset.done $0x0  }
0x22f: {  	s22 =	simm.s32 $0x1020;
	[sflag:s14] =	ssyncadd.s32 $0xFFFFF000  }
0x230: {  	v0 =	vld [tilespmem:s22+$0x10]  }
0x231: {  	v3 =	vld [tilespmem:s22+$0x0];
	_ =	sdelay $0x2  }
0x232: {  	v4 =	vld [tilespmem:s22+$0xFFFFFFF0]  }
0x233: {  	s23 =	simm.s32 $0x1060;
	v7 =	vld [tilespmem:s22+$0xFFFFFFE0]  }
0x234: {  	v1 =	vld [tilespmem:s23+$0x10]  }
0x235: {  	v2 =	vld [tilespmem:s23+$0xFFFFFFF0]  }
0x236: {  	v8 =	vld.idx.msk [tilespmem:v0+s10+$0x0], $0xffff  }
0x237: {  	v6 =	vld.idx.msk [tilespmem:v3+s10+$0x0], $0xffff  }
0x238: {  	v3 =	vld [tilespmem:s23+$0x0]  }
0x239: {  	v0 =	vld [tilespmem:s23+$0xFFFFFFE0]  }
0x23a: {  	s18 =	simm.s32 $0x0;
	s20 =	simm.s32 $0x1B730;
	s17 =	simm.s32 $0x1B730;
	v5 =	vld.idx.msk [tilespmem:v4+s10+$0x0], $0xffff  }
0x23b: {  	s19 =	simm.s32 $0x40;
	s21 =	simm.s32 $0x40;
	s22 =	simm.s32 $0x10A0;
	v4 =	vld.idx.msk [tilespmem:v7+s10+$0x0], $0xffff;
	[tilespmem:s17+$0x0] =	vst v8  }
.LBB2_28:
0x23c: {  	s21 =	sadd.s32 $0x40, s21;
	v7 =	vld.idx.msk [tilespmem:v1+s10+$0x0], $0xffff;
	s17 =	sadd.s32 $0x40, s17  }
0x23d: {  	v1 =	vld [tilespmem:s22+$0x10];
	p0 =	slt.u32 s21, $0xFC0;
	[tilespmem:s20+$0xFFFFFFF0] =	vst v6  }
0x23e: {  	s23 =	sand.u32 $0xFC0, s18;
	s18 =	smov.u32 s19;
	s19 =	smov.u32 s21;
	v8 =	vld [tilespmem:s22+$0xFFFFFFE0]  }
0x23f: {  	v9 =	vld [tilespmem:s22+$0xFFFFFFF0];
	[tilespmem:s20+$0xFFFFFFE0] =	vst v5;
	s20 =	smov.u32 s17  }
.Ltmp13:
0x240: {  	v6 =	vld.idx.msk [tilespmem:v3+s10+$0x0], $0xffff;
	[tilespmem:s23+$0x1B700] =	vst v4;
	(pc) =	sbr.rel @p0 .LBB2_28-.Ltmp13, $4  }
0x241: {  	v3 =	vld [tilespmem:s22+$0x0]  }
0x242: {  	v5 =	vld.idx.msk [tilespmem:v2+s10+$0x0], $0xffff;
	[tilespmem:s17+$0x0] =	vst v7  }
0x243: {  	v4 =	vld.idx.msk [tilespmem:v0+s10+$0x0], $0xffff;
	v0 =	vmov v8  }
0x244: {  	s22 =	sadd.s32 $0x40, s22;
	v2 =	vmov v9  }
0x245: {  	_ =	sdelay $0x3  }
0x246: {  	v1 =	vld.idx.msk [tilespmem:v1+s10+$0x0], $0xffff  }
0x247: {  	v2 =	vld.idx.msk [tilespmem:v2+s10+$0x0], $0xffff  }
0x248: {  	[tilespmem:s20+$0xFFFFFFF0] =	vst v6;
	v0 =	vld.idx.msk [tilespmem:v0+s10+$0x0], $0xffff  }
0x249: {  	s18 =	sand.u32 $0xFC0, s18;
	v3 =	vld.idx.msk [tilespmem:v3+s10+$0x0], $0xffff;
	[tilespmem:s20+$0xFFFFFFE0] =	vst v5  }
0x24a: {  	s17 =	sadd.s32 $0x40, s17;
	[tilespmem:s18+$0x1B700] =	vst v4  }
0x24b: {  	[tilespmem:s17+$0x0] =	vst v1  }
0x24c: {  	s21 =	sand.u32 $0xFC0, s19;
	[tilespmem:s17+$0xFFFFFFE0] =	vst v2  }
0x24d: {  	[tilespmem:s21+$0x1B700] =	vst v0  }
0x24e: {  	[tilespmem:s17+$0xFFFFFFF0] =	vst v3  }
0x24f: {  	s17 =	rddreg [dreg:$0x13]  }
0x250: {  	[hbm4b:s17+s8] =	stream.strided.scatter [tilespmem:s15], [sflag:$0x2], $0x2000, s9, s8, $0x38;
	[tilespmem:$0x1E700] =	vst v63  }
0x251: {  	_ = 	snop  }
0x252: {  	[tilespmem:s11], [sflag:$0x5] =	stream.linear.gather [hbm4b:s31+s5], $0x1000, $0x38;
	[tilespmem:$0x1E700] =	vst v63  }
0x253: {  	_ =	swait.ge [sflag:s12], $0x1000  }
0x254: {  	[sflag:s12] =	ssyncset.done $0x0  }
0x255: {  	[sflag:s12] =	ssyncadd.s32 $0xFFFFF000  }
0x256: {  	_ =	swait.ge [sflag:s16], $0x2000  }
0x257: {  	[sflag:s16] =	ssyncset.done $0x0  }
0x258: {  	s22 =	simm.s32 $0x20;
	[sflag:s16] =	ssyncadd.s32 $0xFFFFE000  }
0x259: {  	v0 =	vld [tilespmem:s22+$0x10]  }
0x25a: {  	v3 =	vld [tilespmem:s22+$0x0];
	_ =	sdelay $0x2  }
0x25b: {  	v4 =	vld [tilespmem:s22+$0xFFFFFFF0]  }
0x25c: {  	s23 =	simm.s32 $0x60;
	v7 =	vld [tilespmem:s22+$0xFFFFFFE0]  }
0x25d: {  	v1 =	vld [tilespmem:s23+$0x10]  }
0x25e: {  	v2 =	vld [tilespmem:s23+$0xFFFFFFF0]  }
0x25f: {  	v8 =	vld.idx.msk [tilespmem:v0+s10+$0x0], $0xffff  }
0x260: {  	v6 =	vld.idx.msk [tilespmem:v3+s10+$0x0], $0xffff  }
0x261: {  	v3 =	vld [tilespmem:s23+$0x0]  }
0x262: {  	v0 =	vld [tilespmem:s23+$0xFFFFFFE0]  }
0x263: {  	s19 =	simm.s32 $0x40;
	s20 =	simm.s32 $0x1C730;
	s17 =	simm.s32 $0x1C730;
	v5 =	vld.idx.msk [tilespmem:v4+s10+$0x0], $0xffff  }
0x264: {  	s18 =	simm.s32 $0x0;
	s21 =	simm.s32 $0x40;
	s22 =	simm.s32 $0xA0;
	v4 =	vld.idx.msk [tilespmem:v7+s10+$0x0], $0xffff;
	[tilespmem:s17+$0x0] =	vst v8  }
.LBB2_30:
0x265: {  	s21 =	sadd.s32 $0x40, s21;
	v7 =	vld.idx.msk [tilespmem:v1+s10+$0x0], $0xffff;
	s17 =	sadd.s32 $0x40, s17  }
0x266: {  	v1 =	vld [tilespmem:s22+$0x10];
	p0 =	slt.u32 s21, $0xFC0;
	[tilespmem:s20+$0xFFFFFFF0] =	vst v6  }
0x267: {  	s23 =	sand.u32 $0xFC0, s18;
	s18 =	smov.u32 s19;
	s19 =	smov.u32 s21;
	v8 =	vld [tilespmem:s22+$0xFFFFFFE0]  }
0x268: {  	v9 =	vld [tilespmem:s22+$0xFFFFFFF0];
	[tilespmem:s20+$0xFFFFFFE0] =	vst v5;
	s20 =	smov.u32 s17  }
.Ltmp14:
0x269: {  	v6 =	vld.idx.msk [tilespmem:v3+s10+$0x0], $0xffff;
	[tilespmem:s23+$0x1C700] =	vst v4;
	(pc) =	sbr.rel @p0 .LBB2_30-.Ltmp14, $4  }
0x26a: {  	v3 =	vld [tilespmem:s22+$0x0]  }
0x26b: {  	v5 =	vld.idx.msk [tilespmem:v2+s10+$0x0], $0xffff;
	[tilespmem:s17+$0x0] =	vst v7  }
0x26c: {  	v4 =	vld.idx.msk [tilespmem:v0+s10+$0x0], $0xffff;
	v0 =	vmov v8  }
0x26d: {  	s22 =	sadd.s32 $0x40, s22;
	v2 =	vmov v9  }
0x26e: {  	_ =	sdelay $0x3  }
0x26f: {  	v1 =	vld.idx.msk [tilespmem:v1+s10+$0x0], $0xffff  }
0x270: {  	v2 =	vld.idx.msk [tilespmem:v2+s10+$0x0], $0xffff  }
0x271: {  	[tilespmem:s20+$0xFFFFFFF0] =	vst v6;
	v0 =	vld.idx.msk [tilespmem:v0+s10+$0x0], $0xffff  }
0x272: {  	s18 =	sand.u32 $0xFC0, s18;
	v3 =	vld.idx.msk [tilespmem:v3+s10+$0x0], $0xffff;
	[tilespmem:s20+$0xFFFFFFE0] =	vst v5  }
0x273: {  	s17 =	sadd.s32 $0x40, s17;
	[tilespmem:s18+$0x1C700] =	vst v4  }
0x274: {  	[tilespmem:s17+$0x0] =	vst v1  }
0x275: {  	s21 =	sand.u32 $0xFC0, s19;
	[tilespmem:s17+$0xFFFFFFE0] =	vst v2  }
0x276: {  	[tilespmem:s21+$0x1C700] =	vst v0  }
0x277: {  	[tilespmem:s17+$0xFFFFFFF0] =	vst v3  }
0x278: {  	_ =	swait.ge [sflag:s14], $0x1000  }
0x279: {  	[sflag:s14] =	ssyncset.done $0x0  }
0x27a: {  	s22 =	simm.s32 $0x1020;
	[sflag:s14] =	ssyncadd.s32 $0xFFFFF000  }
0x27b: {  	v0 =	vld [tilespmem:s22+$0x10]  }
0x27c: {  	v3 =	vld [tilespmem:s22+$0x0];
	_ =	sdelay $0x2  }
0x27d: {  	v4 =	vld [tilespmem:s22+$0xFFFFFFF0]  }
0x27e: {  	s23 =	simm.s32 $0x1060;
	v7 =	vld [tilespmem:s22+$0xFFFFFFE0]  }
0x27f: {  	v1 =	vld [tilespmem:s23+$0x10]  }
0x280: {  	v2 =	vld [tilespmem:s23+$0xFFFFFFF0]  }
0x281: {  	v8 =	vld.idx.msk [tilespmem:v0+s10+$0x0], $0xffff  }
0x282: {  	v6 =	vld.idx.msk [tilespmem:v3+s10+$0x0], $0xffff  }
0x283: {  	v3 =	vld [tilespmem:s23+$0x0]  }
0x284: {  	v0 =	vld [tilespmem:s23+$0xFFFFFFE0]  }
0x285: {  	s19 =	simm.s32 $0x40;
	s20 =	simm.s32 $0x1D730;
	s17 =	simm.s32 $0x1D730;
	v5 =	vld.idx.msk [tilespmem:v4+s10+$0x0], $0xffff  }
0x286: {  	s18 =	simm.s32 $0x0;
	s21 =	simm.s32 $0x40;
	s22 =	simm.s32 $0x10A0;
	v4 =	vld.idx.msk [tilespmem:v7+s10+$0x0], $0xffff;
	[tilespmem:s17+$0x0] =	vst v8  }
.LBB2_32:
0x287: {  	s21 =	sadd.s32 $0x40, s21;
	v7 =	vld.idx.msk [tilespmem:v1+s10+$0x0], $0xffff;
	s17 =	sadd.s32 $0x40, s17  }
0x288: {  	v1 =	vld [tilespmem:s22+$0x10];
	p0 =	slt.u32 s21, $0xFC0;
	[tilespmem:s20+$0xFFFFFFF0] =	vst v6  }
0x289: {  	s23 =	sand.u32 $0xFC0, s18;
	s18 =	smov.u32 s19;
	s19 =	smov.u32 s21;
	v8 =	vld [tilespmem:s22+$0xFFFFFFE0]  }
0x28a: {  	v9 =	vld [tilespmem:s22+$0xFFFFFFF0];
	[tilespmem:s20+$0xFFFFFFE0] =	vst v5;
	s20 =	smov.u32 s17  }
.Ltmp15:
0x28b: {  	v6 =	vld.idx.msk [tilespmem:v3+s10+$0x0], $0xffff;
	[tilespmem:s23+$0x1D700] =	vst v4;
	(pc) =	sbr.rel @p0 .LBB2_32-.Ltmp15, $4  }
0x28c: {  	v3 =	vld [tilespmem:s22+$0x0]  }
0x28d: {  	v5 =	vld.idx.msk [tilespmem:v2+s10+$0x0], $0xffff;
	[tilespmem:s17+$0x0] =	vst v7  }
0x28e: {  	v4 =	vld.idx.msk [tilespmem:v0+s10+$0x0], $0xffff;
	v0 =	vmov v8  }
0x28f: {  	s22 =	sadd.s32 $0x40, s22;
	v2 =	vmov v9  }
0x290: {  	_ =	sdelay $0x3  }
0x291: {  	v1 =	vld.idx.msk [tilespmem:v1+s10+$0x0], $0xffff  }
0x292: {  	v2 =	vld.idx.msk [tilespmem:v2+s10+$0x0], $0xffff  }
0x293: {  	[tilespmem:s20+$0xFFFFFFF0] =	vst v6;
	v0 =	vld.idx.msk [tilespmem:v0+s10+$0x0], $0xffff  }
0x294: {  	s18 =	sand.u32 $0xFC0, s18;
	v3 =	vld.idx.msk [tilespmem:v3+s10+$0x0], $0xffff;
	[tilespmem:s20+$0xFFFFFFE0] =	vst v5  }
0x295: {  	s17 =	sadd.s32 $0x40, s17;
	[tilespmem:s18+$0x1D700] =	vst v4  }
0x296: {  	[tilespmem:s17+$0x0] =	vst v1  }
0x297: {  	s19 =	sand.u32 $0xFC0, s19;
	[tilespmem:s17+$0xFFFFFFE0] =	vst v2  }
0x298: {  	[tilespmem:s19+$0x1D700] =	vst v0  }
0x299: {  	[tilespmem:s17+$0xFFFFFFF0] =	vst v3  }
0x29a: {  	s17 =	rddreg [dreg:$0x14]  }
0x29b: {  	[hbm4b:s17+s8] =	stream.strided.scatter [tilespmem:s0], [sflag:$0x3], $0x2000, s9, s8, $0x38;
	[tilespmem:$0x1E700] =	vst v63  }
0x29c: {  	s20 =	rddreg [dreg:$0x10]  }
0x29d: {  	[tilespmem:s10], [sflag:$0x1] =	stream.strided.gather [hbm4b:s20+s8], $0x18700, s9, s8, $0x38;
	[tilespmem:$0x1E700] =	vst v63  }
0x29e: {  	s21 =	rddreg [dreg:$0x2]  }
0x29f: {  	[tilespmem:s5], [sflag:$0x4] =	stream.linear.gather [hbm4b:s21+s5], $0x1000, $0x38;
	[tilespmem:$0x1E700] =	vst v63  }
0x2a0: {  	_ = 	snop  }
0x2a1: {  	[tilespmem:s11], [sflag:$0x5] =	stream.linear.gather [hbm4b:s3+s5], $0x1000, $0x38;
	[tilespmem:$0x1E700] =	vst v63  }
0x2a2: {  	_ =	swait.ge [sflag:s12], $0x1000  }
0x2a3: {  	[sflag:s12] =	ssyncset.done $0x0  }
0x2a4: {  	[sflag:s12] =	ssyncadd.s32 $0xFFFFF000  }
0x2a5: {  	_ =	swait.ge [sflag:s13], $0x18700  }
0x2a6: {  	[sflag:s13] =	ssyncset.done $0x0  }
0x2a7: {  	[sflag:s13] =	ssyncadd.s32 $0xFFFE7900  }
0x2a8: {  	_ =	swait.ge [sflag:s1], $0x2000  }
0x2a9: {  	[sflag:s1] =	ssyncset.done $0x0  }
0x2aa: {  	s22 =	simm.s32 $0x20;
	[sflag:s1] =	ssyncadd.s32 $0xFFFFE000  }
0x2ab: {  	v0 =	vld [tilespmem:s22+$0x10];
	_ =	sdelay $0x1  }
0x2ac: {  	v2 =	vld [tilespmem:s22+$0xFFFFFFE0]  }
0x2ad: {  	v3 =	vld [tilespmem:s22+$0xFFFFFFF0]  }
0x2ae: {  	s23 =	simm.s32 $0x60;
	v4 =	vld [tilespmem:s22+$0x0]  }
0x2af: {  	v7 =	vld [tilespmem:s23+$0x10]  }
0x2b0: {  	v1 =	vld [tilespmem:s23+$0xFFFFFFF0]  }
0x2b1: {  	v6 =	vld [tilespmem:s23+$0xFFFFFFE0]  }
0x2b2: {  	v8 =	vld.idx.msk [tilespmem:v0+s10+$0x0], $0xffff  }
0x2b3: {  	v0 =	vld [tilespmem:s23+$0x0]  }
0x2b4: {  	v5 =	vld.idx.msk [tilespmem:v2+s10+$0x0], $0xffff  }
0x2b5: {  	v2 =	vld.idx.msk [tilespmem:v3+s10+$0x0], $0xffff  }
0x2b6: {  	s17 =	simm.s32 $0x1A720;
	v3 =	vld.idx.msk [tilespmem:v4+s10+$0x0], $0xffff  }
0x2b7: {  	s18 =	simm.s32 $0x40;
	s19 =	simm.s32 $0xA0;
	v4 =	vld.idx.msk [tilespmem:v7+s10+$0x0], $0xffff;
	[tilespmem:s17+$0x10] =	vst v8  }
.LBB2_34:
0x2b8: {  	v7 =	vld [tilespmem:s19+$0x10];
	s18 =	sadd.s32 $0x40, s18  }
0x2b9: {  	v8 =	vld [tilespmem:s19+$0xFFFFFFF0];
	p0 =	slt.u32 s18, $0xFC0;
	[tilespmem:s17+$0xFFFFFFE0] =	vst v5  }
0x2ba: {  	v9 =	vld [tilespmem:s19+$0x0];
	[tilespmem:s17+$0xFFFFFFF0] =	vst v2  }
0x2bb: {  	v10 =	vld [tilespmem:s19+$0xFFFFFFE0];
	[tilespmem:s17+$0x0] =	vst v3  }
.Ltmp16:
0x2bc: {  	s17 =	sadd.s32 $0x40, s17;
	v5 =	vld.idx.msk [tilespmem:v6+s10+$0x0], $0xffff;
	(pc) =	sbr.rel @p0 .LBB2_34-.Ltmp16, $4  }
0x2bd: {  	v2 =	vld.idx.msk [tilespmem:v1+s10+$0x0], $0xffff;
	[tilespmem:s17+$0x10] =	vst v4  }
0x2be: {  	v3 =	vld.idx.msk [tilespmem:v0+s10+$0x0], $0xffff;
	v1 =	vmov v8  }
0x2bf: {  	v0 =	vmov v9  }
0x2c0: {  	s19 =	sadd.s32 $0x40, s19;
	v4 =	vld.idx.msk [tilespmem:v7+s10+$0x0], $0xffff;
	v6 =	vmov v10  }
0x2c1: {  	_ =	sdelay $0x3  }
0x2c2: {  	v6 =	vld.idx.msk [tilespmem:v6+s10+$0x0], $0xffff  }
0x2c3: {  	[tilespmem:s17+$0xFFFFFFE0] =	vst v5;
	v1 =	vld.idx.msk [tilespmem:v1+s10+$0x0], $0xffff  }
0x2c4: {  	v0 =	vld.idx.msk [tilespmem:v0+s10+$0x0], $0xffff;
	[tilespmem:s17+$0xFFFFFFF0] =	vst v2  }
0x2c5: {  	s21 =	sadd.s32 $0x40, s17;
	[tilespmem:s17+$0x0] =	vst v3  }
0x2c6: {  	[tilespmem:s21+$0x10] =	vst v4  }
0x2c7: {  	[tilespmem:s21+$0xFFFFFFE0] =	vst v6  }
0x2c8: {  	[tilespmem:s21+$0xFFFFFFF0] =	vst v1  }
0x2c9: {  	[tilespmem:s21+$0x0] =	vst v0  }
0x2ca: {  	[tilespmem:s5], [sflag:$0x4] =	stream.linear.gather [hbm4b:s4+s5], $0x1000, $0x38;
	[tilespmem:$0x1E700] =	vst v63  }
0x2cb: {  	_ =	swait.ge [sflag:s14], $0x1000  }
0x2cc: {  	[sflag:s14] =	ssyncset.done $0x0  }
0x2cd: {  	s22 =	simm.s32 $0x1020;
	[sflag:s14] =	ssyncadd.s32 $0xFFFFF000  }
0x2ce: {  	v0 =	vld [tilespmem:s22+$0x10]  }
0x2cf: {  	v3 =	vld [tilespmem:s22+$0x0];
	_ =	sdelay $0x2  }
0x2d0: {  	v4 =	vld [tilespmem:s22+$0xFFFFFFF0]  }
0x2d1: {  	s23 =	simm.s32 $0x1060;
	v7 =	vld [tilespmem:s22+$0xFFFFFFE0]  }
0x2d2: {  	v1 =	vld [tilespmem:s23+$0x10]  }
0x2d3: {  	v2 =	vld [tilespmem:s23+$0xFFFFFFF0]  }
0x2d4: {  	v8 =	vld.idx.msk [tilespmem:v0+s10+$0x0], $0xffff  }
0x2d5: {  	v6 =	vld.idx.msk [tilespmem:v3+s10+$0x0], $0xffff  }
0x2d6: {  	v3 =	vld [tilespmem:s23+$0x0]  }
0x2d7: {  	v0 =	vld [tilespmem:s23+$0xFFFFFFE0]  }
0x2d8: {  	s18 =	simm.s32 $0x0;
	s20 =	simm.s32 $0x1B730;
	s17 =	simm.s32 $0x1B730;
	v5 =	vld.idx.msk [tilespmem:v4+s10+$0x0], $0xffff  }
0x2d9: {  	s19 =	simm.s32 $0x40;
	s21 =	simm.s32 $0x40;
	s22 =	simm.s32 $0x10A0;
	v4 =	vld.idx.msk [tilespmem:v7+s10+$0x0], $0xffff;
	[tilespmem:s17+$0x0] =	vst v8  }
.LBB2_36:
0x2da: {  	s21 =	sadd.s32 $0x40, s21;
	v7 =	vld.idx.msk [tilespmem:v1+s10+$0x0], $0xffff;
	s17 =	sadd.s32 $0x40, s17  }
0x2db: {  	v1 =	vld [tilespmem:s22+$0x10];
	p0 =	slt.u32 s21, $0xFC0;
	[tilespmem:s20+$0xFFFFFFF0] =	vst v6  }
0x2dc: {  	s23 =	sand.u32 $0xFC0, s18;
	s18 =	smov.u32 s19;
	s19 =	smov.u32 s21;
	v8 =	vld [tilespmem:s22+$0xFFFFFFE0]  }
0x2dd: {  	v9 =	vld [tilespmem:s22+$0xFFFFFFF0];
	[tilespmem:s20+$0xFFFFFFE0] =	vst v5;
	s20 =	smov.u32 s17  }
.Ltmp17:
0x2de: {  	v6 =	vld.idx.msk [tilespmem:v3+s10+$0x0], $0xffff;
	[tilespmem:s23+$0x1B700] =	vst v4;
	(pc) =	sbr.rel @p0 .LBB2_36-.Ltmp17, $4  }
0x2df: {  	v3 =	vld [tilespmem:s22+$0x0]  }
0x2e0: {  	v5 =	vld.idx.msk [tilespmem:v2+s10+$0x0], $0xffff;
	[tilespmem:s17+$0x0] =	vst v7  }
0x2e1: {  	v4 =	vld.idx.msk [tilespmem:v0+s10+$0x0], $0xffff;
	v0 =	vmov v8  }
0x2e2: {  	s22 =	sadd.s32 $0x40, s22;
	v2 =	vmov v9  }
0x2e3: {  	_ =	sdelay $0x3  }
0x2e4: {  	v1 =	vld.idx.msk [tilespmem:v1+s10+$0x0], $0xffff  }
0x2e5: {  	v2 =	vld.idx.msk [tilespmem:v2+s10+$0x0], $0xffff  }
0x2e6: {  	[tilespmem:s20+$0xFFFFFFF0] =	vst v6;
	v0 =	vld.idx.msk [tilespmem:v0+s10+$0x0], $0xffff  }
0x2e7: {  	s18 =	sand.u32 $0xFC0, s18;
	v3 =	vld.idx.msk [tilespmem:v3+s10+$0x0], $0xffff;
	[tilespmem:s20+$0xFFFFFFE0] =	vst v5  }
0x2e8: {  	s17 =	sadd.s32 $0x40, s17;
	[tilespmem:s18+$0x1B700] =	vst v4  }
0x2e9: {  	[tilespmem:s17+$0x0] =	vst v1  }
0x2ea: {  	s21 =	sand.u32 $0xFC0, s19;
	[tilespmem:s17+$0xFFFFFFE0] =	vst v2  }
0x2eb: {  	[tilespmem:s21+$0x1B700] =	vst v0  }
0x2ec: {  	[tilespmem:s17+$0xFFFFFFF0] =	vst v3  }
0x2ed: {  	[hbm4b:s24+s8] =	stream.strided.scatter [tilespmem:s15], [sflag:$0x2], $0x2000, s9, s8, $0x38;
	[tilespmem:$0x1E700] =	vst v63  }
0x2ee: {  	_ = 	snop  }
0x2ef: {  	[tilespmem:s11], [sflag:$0x5] =	stream.linear.gather [hbm4b:s6+s5], $0x1000, $0x38;
	[tilespmem:$0x1E700] =	vst v63  }
0x2f0: {  	_ =	swait.ge [sflag:s12], $0x1000  }
0x2f1: {  	[sflag:s12] =	ssyncset.done $0x0  }
0x2f2: {  	[sflag:s12] =	ssyncadd.s32 $0xFFFFF000  }
0x2f3: {  	_ =	swait.ge [sflag:s16], $0x2000  }
0x2f4: {  	[sflag:s16] =	ssyncset.done $0x0  }
0x2f5: {  	s22 =	simm.s32 $0x20;
	[sflag:s16] =	ssyncadd.s32 $0xFFFFE000  }
0x2f6: {  	v0 =	vld [tilespmem:s22+$0x10]  }
0x2f7: {  	v3 =	vld [tilespmem:s22+$0x0];
	_ =	sdelay $0x2  }
0x2f8: {  	v4 =	vld [tilespmem:s22+$0xFFFFFFF0]  }
0x2f9: {  	s23 =	simm.s32 $0x60;
	v7 =	vld [tilespmem:s22+$0xFFFFFFE0]  }
0x2fa: {  	v1 =	vld [tilespmem:s23+$0x10]  }
0x2fb: {  	v2 =	vld [tilespmem:s23+$0xFFFFFFF0]  }
0x2fc: {  	v8 =	vld.idx.msk [tilespmem:v0+s10+$0x0], $0xffff  }
0x2fd: {  	v6 =	vld.idx.msk [tilespmem:v3+s10+$0x0], $0xffff  }
0x2fe: {  	v3 =	vld [tilespmem:s23+$0x0]  }
0x2ff: {  	v0 =	vld [tilespmem:s23+$0xFFFFFFE0]  }
0x300: {  	s19 =	simm.s32 $0x40;
	s20 =	simm.s32 $0x1C730;
	s17 =	simm.s32 $0x1C730;
	v5 =	vld.idx.msk [tilespmem:v4+s10+$0x0], $0xffff  }
0x301: {  	s18 =	simm.s32 $0x0;
	s21 =	simm.s32 $0x40;
	s22 =	simm.s32 $0xA0;
	v4 =	vld.idx.msk [tilespmem:v7+s10+$0x0], $0xffff;
	[tilespmem:s17+$0x0] =	vst v8  }
.LBB2_38:
0x302: {  	s21 =	sadd.s32 $0x40, s21;
	v7 =	vld.idx.msk [tilespmem:v1+s10+$0x0], $0xffff;
	s17 =	sadd.s32 $0x40, s17  }
0x303: {  	v1 =	vld [tilespmem:s22+$0x10];
	p0 =	slt.u32 s21, $0xFC0;
	[tilespmem:s20+$0xFFFFFFF0] =	vst v6  }
0x304: {  	s23 =	sand.u32 $0xFC0, s18;
	s18 =	smov.u32 s19;
	s19 =	smov.u32 s21;
	v8 =	vld [tilespmem:s22+$0xFFFFFFE0]  }
0x305: {  	v9 =	vld [tilespmem:s22+$0xFFFFFFF0];
	[tilespmem:s20+$0xFFFFFFE0] =	vst v5;
	s20 =	smov.u32 s17  }
.Ltmp18:
0x306: {  	v6 =	vld.idx.msk [tilespmem:v3+s10+$0x0], $0xffff;
	[tilespmem:s23+$0x1C700] =	vst v4;
	(pc) =	sbr.rel @p0 .LBB2_38-.Ltmp18, $4  }
0x307: {  	v3 =	vld [tilespmem:s22+$0x0]  }
0x308: {  	v5 =	vld.idx.msk [tilespmem:v2+s10+$0x0], $0xffff;
	[tilespmem:s17+$0x0] =	vst v7  }
0x309: {  	v4 =	vld.idx.msk [tilespmem:v0+s10+$0x0], $0xffff;
	v0 =	vmov v8  }
0x30a: {  	s22 =	sadd.s32 $0x40, s22;
	v2 =	vmov v9  }
0x30b: {  	_ =	sdelay $0x3  }
0x30c: {  	v1 =	vld.idx.msk [tilespmem:v1+s10+$0x0], $0xffff  }
0x30d: {  	v2 =	vld.idx.msk [tilespmem:v2+s10+$0x0], $0xffff  }
0x30e: {  	[tilespmem:s20+$0xFFFFFFF0] =	vst v6;
	v0 =	vld.idx.msk [tilespmem:v0+s10+$0x0], $0xffff  }
0x30f: {  	s18 =	sand.u32 $0xFC0, s18;
	v3 =	vld.idx.msk [tilespmem:v3+s10+$0x0], $0xffff;
	[tilespmem:s20+$0xFFFFFFE0] =	vst v5  }
0x310: {  	s17 =	sadd.s32 $0x40, s17;
	[tilespmem:s18+$0x1C700] =	vst v4  }
0x311: {  	[tilespmem:s17+$0x0] =	vst v1  }
0x312: {  	s21 =	sand.u32 $0xFC0, s19;
	[tilespmem:s17+$0xFFFFFFE0] =	vst v2  }
0x313: {  	[tilespmem:s21+$0x1C700] =	vst v0  }
0x314: {  	[tilespmem:s17+$0xFFFFFFF0] =	vst v3  }
0x315: {  	_ =	swait.ge [sflag:s14], $0x1000  }
0x316: {  	[sflag:s14] =	ssyncset.done $0x0  }
0x317: {  	s22 =	simm.s32 $0x1020;
	[sflag:s14] =	ssyncadd.s32 $0xFFFFF000  }
0x318: {  	v0 =	vld [tilespmem:s22+$0x10]  }
0x319: {  	v3 =	vld [tilespmem:s22+$0x0];
	_ =	sdelay $0x2  }
0x31a: {  	v4 =	vld [tilespmem:s22+$0xFFFFFFF0]  }
0x31b: {  	s23 =	simm.s32 $0x1060;
	v7 =	vld [tilespmem:s22+$0xFFFFFFE0]  }
0x31c: {  	v1 =	vld [tilespmem:s23+$0x10]  }
0x31d: {  	v2 =	vld [tilespmem:s23+$0xFFFFFFF0]  }
0x31e: {  	v8 =	vld.idx.msk [tilespmem:v0+s10+$0x0], $0xffff  }
0x31f: {  	v6 =	vld.idx.msk [tilespmem:v3+s10+$0x0], $0xffff  }
0x320: {  	v3 =	vld [tilespmem:s23+$0x0]  }
0x321: {  	v0 =	vld [tilespmem:s23+$0xFFFFFFE0]  }
0x322: {  	s19 =	simm.s32 $0x40;
	s20 =	simm.s32 $0x1D730;
	s17 =	simm.s32 $0x1D730;
	v5 =	vld.idx.msk [tilespmem:v4+s10+$0x0], $0xffff  }
0x323: {  	s18 =	simm.s32 $0x0;
	s21 =	simm.s32 $0x40;
	s22 =	simm.s32 $0x10A0;
	v4 =	vld.idx.msk [tilespmem:v7+s10+$0x0], $0xffff;
	[tilespmem:s17+$0x0] =	vst v8  }
.LBB2_40:
0x324: {  	s21 =	sadd.s32 $0x40, s21;
	v7 =	vld.idx.msk [tilespmem:v1+s10+$0x0], $0xffff;
	s17 =	sadd.s32 $0x40, s17  }
0x325: {  	v1 =	vld [tilespmem:s22+$0x10];
	p0 =	slt.u32 s21, $0xFC0;
	[tilespmem:s20+$0xFFFFFFF0] =	vst v6  }
0x326: {  	s23 =	sand.u32 $0xFC0, s18;
	s18 =	smov.u32 s19;
	s19 =	smov.u32 s21;
	v8 =	vld [tilespmem:s22+$0xFFFFFFE0]  }
0x327: {  	v9 =	vld [tilespmem:s22+$0xFFFFFFF0];
	[tilespmem:s20+$0xFFFFFFE0] =	vst v5;
	s20 =	smov.u32 s17  }
.Ltmp19:
0x328: {  	v6 =	vld.idx.msk [tilespmem:v3+s10+$0x0], $0xffff;
	[tilespmem:s23+$0x1D700] =	vst v4;
	(pc) =	sbr.rel @p0 .LBB2_40-.Ltmp19, $4  }
0x329: {  	v3 =	vld [tilespmem:s22+$0x0]  }
0x32a: {  	v5 =	vld.idx.msk [tilespmem:v2+s10+$0x0], $0xffff;
	[tilespmem:s17+$0x0] =	vst v7  }
0x32b: {  	v4 =	vld.idx.msk [tilespmem:v0+s10+$0x0], $0xffff;
	v0 =	vmov v8  }
0x32c: {  	s22 =	sadd.s32 $0x40, s22;
	v2 =	vmov v9  }
0x32d: {  	_ =	sdelay $0x3  }
0x32e: {  	v1 =	vld.idx.msk [tilespmem:v1+s10+$0x0], $0xffff  }
0x32f: {  	v2 =	vld.idx.msk [tilespmem:v2+s10+$0x0], $0xffff  }
0x330: {  	[tilespmem:s20+$0xFFFFFFF0] =	vst v6;
	v0 =	vld.idx.msk [tilespmem:v0+s10+$0x0], $0xffff  }
0x331: {  	s18 =	sand.u32 $0xFC0, s18;
	v3 =	vld.idx.msk [tilespmem:v3+s10+$0x0], $0xffff;
	[tilespmem:s20+$0xFFFFFFE0] =	vst v5  }
0x332: {  	s17 =	sadd.s32 $0x40, s17;
	[tilespmem:s18+$0x1D700] =	vst v4  }
0x333: {  	[tilespmem:s17+$0x0] =	vst v1  }
0x334: {  	s19 =	sand.u32 $0xFC0, s19;
	[tilespmem:s17+$0xFFFFFFE0] =	vst v2  }
0x335: {  	[tilespmem:s19+$0x1D700] =	vst v0  }
0x336: {  	[tilespmem:s17+$0xFFFFFFF0] =	vst v3  }
0x337: {  	s17 =	rddreg [dreg:$0x15]  }
0x338: {  	[hbm4b:s17+s8] =	stream.strided.scatter [tilespmem:s0], [sflag:$0x3], $0x2000, s9, s8, $0x38;
	[tilespmem:$0x1E700] =	vst v63  }
0x339: {  	s20 =	rddreg [dreg:$0x11]  }
0x33a: {  	[tilespmem:s10], [sflag:$0x1] =	stream.strided.gather [hbm4b:s20+s8], $0x18700, s9, s8, $0x38;
	[tilespmem:$0x1E700] =	vst v63  }
0x33b: {  	s21 =	rddreg [dreg:$0x2]  }
0x33c: {  	[tilespmem:s5], [sflag:$0x4] =	stream.linear.gather [hbm4b:s21+s5], $0x1000, $0x38;
	[tilespmem:$0x1E700] =	vst v63  }
0x33d: {  	_ = 	snop  }
0x33e: {  	[tilespmem:s11], [sflag:$0x5] =	stream.linear.gather [hbm4b:s3+s5], $0x1000, $0x38;
	[tilespmem:$0x1E700] =	vst v63  }
0x33f: {  	_ =	swait.ge [sflag:s12], $0x1000  }
0x340: {  	[sflag:s12] =	ssyncset.done $0x0  }
0x341: {  	[sflag:s12] =	ssyncadd.s32 $0xFFFFF000  }
0x342: {  	_ =	swait.ge [sflag:s13], $0x18700  }
0x343: {  	[sflag:s13] =	ssyncset.done $0x0  }
0x344: {  	[sflag:s13] =	ssyncadd.s32 $0xFFFE7900  }
0x345: {  	_ =	swait.ge [sflag:s1], $0x2000  }
0x346: {  	[sflag:s1] =	ssyncset.done $0x0  }
0x347: {  	s22 =	simm.s32 $0x20;
	[sflag:s1] =	ssyncadd.s32 $0xFFFFE000  }
0x348: {  	v0 =	vld [tilespmem:s22+$0x10];
	_ =	sdelay $0x1  }
0x349: {  	v2 =	vld [tilespmem:s22+$0xFFFFFFE0]  }
0x34a: {  	v3 =	vld [tilespmem:s22+$0xFFFFFFF0]  }
0x34b: {  	s23 =	simm.s32 $0x60;
	v4 =	vld [tilespmem:s22+$0x0]  }
0x34c: {  	v7 =	vld [tilespmem:s23+$0x10]  }
0x34d: {  	v1 =	vld [tilespmem:s23+$0xFFFFFFF0]  }
0x34e: {  	v6 =	vld [tilespmem:s23+$0xFFFFFFE0]  }
0x34f: {  	v8 =	vld.idx.msk [tilespmem:v0+s10+$0x0], $0xffff  }
0x350: {  	v0 =	vld [tilespmem:s23+$0x0]  }
0x351: {  	v5 =	vld.idx.msk [tilespmem:v2+s10+$0x0], $0xffff  }
0x352: {  	v2 =	vld.idx.msk [tilespmem:v3+s10+$0x0], $0xffff  }
0x353: {  	s17 =	simm.s32 $0x1A720;
	v3 =	vld.idx.msk [tilespmem:v4+s10+$0x0], $0xffff  }
0x354: {  	s18 =	simm.s32 $0x40;
	s19 =	simm.s32 $0xA0;
	v4 =	vld.idx.msk [tilespmem:v7+s10+$0x0], $0xffff;
	[tilespmem:s17+$0x10] =	vst v8  }
.LBB2_42:
0x355: {  	v7 =	vld [tilespmem:s19+$0x10];
	s18 =	sadd.s32 $0x40, s18  }
0x356: {  	v8 =	vld [tilespmem:s19+$0xFFFFFFF0];
	p0 =	slt.u32 s18, $0xFC0;
	[tilespmem:s17+$0xFFFFFFE0] =	vst v5  }
0x357: {  	v9 =	vld [tilespmem:s19+$0x0];
	[tilespmem:s17+$0xFFFFFFF0] =	vst v2  }
0x358: {  	v10 =	vld [tilespmem:s19+$0xFFFFFFE0];
	[tilespmem:s17+$0x0] =	vst v3  }
.Ltmp20:
0x359: {  	s17 =	sadd.s32 $0x40, s17;
	v5 =	vld.idx.msk [tilespmem:v6+s10+$0x0], $0xffff;
	(pc) =	sbr.rel @p0 .LBB2_42-.Ltmp20, $4  }
0x35a: {  	v2 =	vld.idx.msk [tilespmem:v1+s10+$0x0], $0xffff;
	[tilespmem:s17+$0x10] =	vst v4  }
0x35b: {  	v3 =	vld.idx.msk [tilespmem:v0+s10+$0x0], $0xffff;
	v1 =	vmov v8  }
0x35c: {  	v0 =	vmov v9  }
0x35d: {  	s19 =	sadd.s32 $0x40, s19;
	v4 =	vld.idx.msk [tilespmem:v7+s10+$0x0], $0xffff;
	v6 =	vmov v10  }
0x35e: {  	_ =	sdelay $0x3  }
0x35f: {  	v6 =	vld.idx.msk [tilespmem:v6+s10+$0x0], $0xffff  }
0x360: {  	[tilespmem:s17+$0xFFFFFFE0] =	vst v5;
	v1 =	vld.idx.msk [tilespmem:v1+s10+$0x0], $0xffff  }
0x361: {  	v0 =	vld.idx.msk [tilespmem:v0+s10+$0x0], $0xffff;
	[tilespmem:s17+$0xFFFFFFF0] =	vst v2  }
0x362: {  	s21 =	sadd.s32 $0x40, s17;
	[tilespmem:s17+$0x0] =	vst v3  }
0x363: {  	[tilespmem:s21+$0x10] =	vst v4  }
0x364: {  	[tilespmem:s21+$0xFFFFFFE0] =	vst v6  }
0x365: {  	[tilespmem:s21+$0xFFFFFFF0] =	vst v1  }
0x366: {  	[tilespmem:s21+$0x0] =	vst v0  }
0x367: {  	[tilespmem:s5], [sflag:$0x4] =	stream.linear.gather [hbm4b:s4+s5], $0x1000, $0x38;
	[tilespmem:$0x1E700] =	vst v63  }
0x368: {  	_ =	swait.ge [sflag:s14], $0x1000  }
0x369: {  	[sflag:s14] =	ssyncset.done $0x0  }
0x36a: {  	s22 =	simm.s32 $0x1020;
	[sflag:s14] =	ssyncadd.s32 $0xFFFFF000  }
0x36b: {  	v0 =	vld [tilespmem:s22+$0x10]  }
0x36c: {  	v3 =	vld [tilespmem:s22+$0x0];
	_ =	sdelay $0x2  }
0x36d: {  	v4 =	vld [tilespmem:s22+$0xFFFFFFF0]  }
0x36e: {  	s23 =	simm.s32 $0x1060;
	v7 =	vld [tilespmem:s22+$0xFFFFFFE0]  }
0x36f: {  	v1 =	vld [tilespmem:s23+$0x10]  }
0x370: {  	v2 =	vld [tilespmem:s23+$0xFFFFFFF0]  }
0x371: {  	v8 =	vld.idx.msk [tilespmem:v0+s10+$0x0], $0xffff  }
0x372: {  	v6 =	vld.idx.msk [tilespmem:v3+s10+$0x0], $0xffff  }
0x373: {  	v3 =	vld [tilespmem:s23+$0x0]  }
0x374: {  	v0 =	vld [tilespmem:s23+$0xFFFFFFE0]  }
0x375: {  	s18 =	simm.s32 $0x0;
	s20 =	simm.s32 $0x1B730;
	s17 =	simm.s32 $0x1B730;
	v5 =	vld.idx.msk [tilespmem:v4+s10+$0x0], $0xffff  }
0x376: {  	s19 =	simm.s32 $0x40;
	s21 =	simm.s32 $0x40;
	s22 =	simm.s32 $0x10A0;
	v4 =	vld.idx.msk [tilespmem:v7+s10+$0x0], $0xffff;
	[tilespmem:s17+$0x0] =	vst v8  }
.LBB2_44:
0x377: {  	s21 =	sadd.s32 $0x40, s21;
	v7 =	vld.idx.msk [tilespmem:v1+s10+$0x0], $0xffff;
	s17 =	sadd.s32 $0x40, s17  }
0x378: {  	v1 =	vld [tilespmem:s22+$0x10];
	p0 =	slt.u32 s21, $0xFC0;
	[tilespmem:s20+$0xFFFFFFF0] =	vst v6  }
0x379: {  	s23 =	sand.u32 $0xFC0, s18;
	s18 =	smov.u32 s19;
	s19 =	smov.u32 s21;
	v8 =	vld [tilespmem:s22+$0xFFFFFFE0]  }
0x37a: {  	v9 =	vld [tilespmem:s22+$0xFFFFFFF0];
	[tilespmem:s20+$0xFFFFFFE0] =	vst v5;
	s20 =	smov.u32 s17  }
.Ltmp21:
0x37b: {  	v6 =	vld.idx.msk [tilespmem:v3+s10+$0x0], $0xffff;
	[tilespmem:s23+$0x1B700] =	vst v4;
	(pc) =	sbr.rel @p0 .LBB2_44-.Ltmp21, $4  }
0x37c: {  	v3 =	vld [tilespmem:s22+$0x0]  }
0x37d: {  	v5 =	vld.idx.msk [tilespmem:v2+s10+$0x0], $0xffff;
	[tilespmem:s17+$0x0] =	vst v7  }
0x37e: {  	v4 =	vld.idx.msk [tilespmem:v0+s10+$0x0], $0xffff;
	v0 =	vmov v8  }
0x37f: {  	s22 =	sadd.s32 $0x40, s22;
	v2 =	vmov v9  }
0x380: {  	_ =	sdelay $0x3  }
0x381: {  	v1 =	vld.idx.msk [tilespmem:v1+s10+$0x0], $0xffff  }
0x382: {  	v2 =	vld.idx.msk [tilespmem:v2+s10+$0x0], $0xffff  }
0x383: {  	[tilespmem:s20+$0xFFFFFFF0] =	vst v6;
	v0 =	vld.idx.msk [tilespmem:v0+s10+$0x0], $0xffff  }
0x384: {  	s18 =	sand.u32 $0xFC0, s18;
	v3 =	vld.idx.msk [tilespmem:v3+s10+$0x0], $0xffff;
	[tilespmem:s20+$0xFFFFFFE0] =	vst v5  }
0x385: {  	s17 =	sadd.s32 $0x40, s17;
	[tilespmem:s18+$0x1B700] =	vst v4  }
0x386: {  	[tilespmem:s17+$0x0] =	vst v1  }
0x387: {  	s21 =	sand.u32 $0xFC0, s19;
	[tilespmem:s17+$0xFFFFFFE0] =	vst v2  }
0x388: {  	[tilespmem:s21+$0x1B700] =	vst v0  }
0x389: {  	[tilespmem:s17+$0xFFFFFFF0] =	vst v3  }
0x38a: {  	s17 =	rddreg [dreg:$0x16]  }
0x38b: {  	[hbm4b:s17+s8] =	stream.strided.scatter [tilespmem:s15], [sflag:$0x2], $0x2000, s9, s8, $0x38;
	[tilespmem:$0x1E700] =	vst v63  }
0x38c: {  	_ = 	snop  }
0x38d: {  	[tilespmem:s11], [sflag:$0x5] =	stream.linear.gather [hbm4b:s6+s5], $0x1000, $0x38;
	[tilespmem:$0x1E700] =	vst v63  }
0x38e: {  	_ =	swait.ge [sflag:s12], $0x1000  }
0x38f: {  	[sflag:s12] =	ssyncset.done $0x0  }
0x390: {  	[sflag:s12] =	ssyncadd.s32 $0xFFFFF000  }
0x391: {  	_ =	swait.ge [sflag:s16], $0x2000  }
0x392: {  	[sflag:s16] =	ssyncset.done $0x0  }
0x393: {  	s22 =	simm.s32 $0x20;
	[sflag:s16] =	ssyncadd.s32 $0xFFFFE000  }
0x394: {  	v0 =	vld [tilespmem:s22+$0x10]  }
0x395: {  	v3 =	vld [tilespmem:s22+$0x0];
	_ =	sdelay $0x2  }
0x396: {  	v4 =	vld [tilespmem:s22+$0xFFFFFFF0]  }
0x397: {  	s23 =	simm.s32 $0x60;
	v7 =	vld [tilespmem:s22+$0xFFFFFFE0]  }
0x398: {  	v1 =	vld [tilespmem:s23+$0x10]  }
0x399: {  	v2 =	vld [tilespmem:s23+$0xFFFFFFF0]  }
0x39a: {  	v8 =	vld.idx.msk [tilespmem:v0+s10+$0x0], $0xffff  }
0x39b: {  	v6 =	vld.idx.msk [tilespmem:v3+s10+$0x0], $0xffff  }
0x39c: {  	v3 =	vld [tilespmem:s23+$0x0]  }
0x39d: {  	v0 =	vld [tilespmem:s23+$0xFFFFFFE0]  }
0x39e: {  	s19 =	simm.s32 $0x40;
	s20 =	simm.s32 $0x1C730;
	s17 =	simm.s32 $0x1C730;
	v5 =	vld.idx.msk [tilespmem:v4+s10+$0x0], $0xffff  }
0x39f: {  	s18 =	simm.s32 $0x0;
	s21 =	simm.s32 $0x40;
	s22 =	simm.s32 $0xA0;
	v4 =	vld.idx.msk [tilespmem:v7+s10+$0x0], $0xffff;
	[tilespmem:s17+$0x0] =	vst v8  }
.LBB2_46:
0x3a0: {  	s21 =	sadd.s32 $0x40, s21;
	v7 =	vld.idx.msk [tilespmem:v1+s10+$0x0], $0xffff;
	s17 =	sadd.s32 $0x40, s17  }
0x3a1: {  	v1 =	vld [tilespmem:s22+$0x10];
	p0 =	slt.u32 s21, $0xFC0;
	[tilespmem:s20+$0xFFFFFFF0] =	vst v6  }
0x3a2: {  	s23 =	sand.u32 $0xFC0, s18;
	s18 =	smov.u32 s19;
	s19 =	smov.u32 s21;
	v8 =	vld [tilespmem:s22+$0xFFFFFFE0]  }
0x3a3: {  	v9 =	vld [tilespmem:s22+$0xFFFFFFF0];
	[tilespmem:s20+$0xFFFFFFE0] =	vst v5;
	s20 =	smov.u32 s17  }
.Ltmp22:
0x3a4: {  	v6 =	vld.idx.msk [tilespmem:v3+s10+$0x0], $0xffff;
	[tilespmem:s23+$0x1C700] =	vst v4;
	(pc) =	sbr.rel @p0 .LBB2_46-.Ltmp22, $4  }
0x3a5: {  	v3 =	vld [tilespmem:s22+$0x0]  }
0x3a6: {  	v5 =	vld.idx.msk [tilespmem:v2+s10+$0x0], $0xffff;
	[tilespmem:s17+$0x0] =	vst v7  }
0x3a7: {  	v4 =	vld.idx.msk [tilespmem:v0+s10+$0x0], $0xffff;
	v0 =	vmov v8  }
0x3a8: {  	s22 =	sadd.s32 $0x40, s22;
	v2 =	vmov v9  }
0x3a9: {  	_ =	sdelay $0x3  }
0x3aa: {  	v1 =	vld.idx.msk [tilespmem:v1+s10+$0x0], $0xffff  }
0x3ab: {  	v2 =	vld.idx.msk [tilespmem:v2+s10+$0x0], $0xffff  }
0x3ac: {  	[tilespmem:s20+$0xFFFFFFF0] =	vst v6;
	v0 =	vld.idx.msk [tilespmem:v0+s10+$0x0], $0xffff  }
0x3ad: {  	s18 =	sand.u32 $0xFC0, s18;
	v3 =	vld.idx.msk [tilespmem:v3+s10+$0x0], $0xffff;
	[tilespmem:s20+$0xFFFFFFE0] =	vst v5  }
0x3ae: {  	s17 =	sadd.s32 $0x40, s17;
	[tilespmem:s18+$0x1C700] =	vst v4  }
0x3af: {  	[tilespmem:s17+$0x0] =	vst v1  }
0x3b0: {  	s21 =	sand.u32 $0xFC0, s19;
	[tilespmem:s17+$0xFFFFFFE0] =	vst v2  }
0x3b1: {  	[tilespmem:s21+$0x1C700] =	vst v0  }
0x3b2: {  	[tilespmem:s17+$0xFFFFFFF0] =	vst v3  }
0x3b3: {  	_ =	swait.ge [sflag:s14], $0x1000  }
0x3b4: {  	[sflag:s14] =	ssyncset.done $0x0  }
0x3b5: {  	s22 =	simm.s32 $0x1020;
	[sflag:s14] =	ssyncadd.s32 $0xFFFFF000  }
0x3b6: {  	v0 =	vld [tilespmem:s22+$0x10]  }
0x3b7: {  	v3 =	vld [tilespmem:s22+$0x0];
	_ =	sdelay $0x2  }
0x3b8: {  	v4 =	vld [tilespmem:s22+$0xFFFFFFF0]  }
0x3b9: {  	s23 =	simm.s32 $0x1060;
	v7 =	vld [tilespmem:s22+$0xFFFFFFE0]  }
0x3ba: {  	v1 =	vld [tilespmem:s23+$0x10]  }
0x3bb: {  	v2 =	vld [tilespmem:s23+$0xFFFFFFF0]  }
0x3bc: {  	v8 =	vld.idx.msk [tilespmem:v0+s10+$0x0], $0xffff  }
0x3bd: {  	v6 =	vld.idx.msk [tilespmem:v3+s10+$0x0], $0xffff  }
0x3be: {  	v3 =	vld [tilespmem:s23+$0x0]  }
0x3bf: {  	v0 =	vld [tilespmem:s23+$0xFFFFFFE0]  }
0x3c0: {  	s19 =	simm.s32 $0x40;
	s20 =	simm.s32 $0x1D730;
	s17 =	simm.s32 $0x1D730;
	v5 =	vld.idx.msk [tilespmem:v4+s10+$0x0], $0xffff  }
0x3c1: {  	s18 =	simm.s32 $0x0;
	s21 =	simm.s32 $0x40;
	s22 =	simm.s32 $0x10A0;
	v4 =	vld.idx.msk [tilespmem:v7+s10+$0x0], $0xffff;
	[tilespmem:s17+$0x0] =	vst v8  }
.LBB2_48:
0x3c2: {  	s21 =	sadd.s32 $0x40, s21;
	v7 =	vld.idx.msk [tilespmem:v1+s10+$0x0], $0xffff;
	s17 =	sadd.s32 $0x40, s17  }
0x3c3: {  	v1 =	vld [tilespmem:s22+$0x10];
	p0 =	slt.u32 s21, $0xFC0;
	[tilespmem:s20+$0xFFFFFFF0] =	vst v6  }
0x3c4: {  	s23 =	sand.u32 $0xFC0, s18;
	s18 =	smov.u32 s19;
	s19 =	smov.u32 s21;
	v8 =	vld [tilespmem:s22+$0xFFFFFFE0]  }
0x3c5: {  	v9 =	vld [tilespmem:s22+$0xFFFFFFF0];
	[tilespmem:s20+$0xFFFFFFE0] =	vst v5;
	s20 =	smov.u32 s17  }
.Ltmp23:
0x3c6: {  	v6 =	vld.idx.msk [tilespmem:v3+s10+$0x0], $0xffff;
	[tilespmem:s23+$0x1D700] =	vst v4;
	(pc) =	sbr.rel @p0 .LBB2_48-.Ltmp23, $4  }
0x3c7: {  	v3 =	vld [tilespmem:s22+$0x0]  }
0x3c8: {  	v5 =	vld.idx.msk [tilespmem:v2+s10+$0x0], $0xffff;
	[tilespmem:s17+$0x0] =	vst v7  }
0x3c9: {  	v4 =	vld.idx.msk [tilespmem:v0+s10+$0x0], $0xffff;
	v0 =	vmov v8  }
0x3ca: {  	s22 =	sadd.s32 $0x40, s22;
	v2 =	vmov v9  }
0x3cb: {  	_ =	sdelay $0x3  }
0x3cc: {  	v1 =	vld.idx.msk [tilespmem:v1+s10+$0x0], $0xffff  }
0x3cd: {  	v2 =	vld.idx.msk [tilespmem:v2+s10+$0x0], $0xffff  }
0x3ce: {  	[tilespmem:s20+$0xFFFFFFF0] =	vst v6;
	v0 =	vld.idx.msk [tilespmem:v0+s10+$0x0], $0xffff  }
0x3cf: {  	s18 =	sand.u32 $0xFC0, s18;
	v3 =	vld.idx.msk [tilespmem:v3+s10+$0x0], $0xffff;
	[tilespmem:s20+$0xFFFFFFE0] =	vst v5  }
0x3d0: {  	s17 =	sadd.s32 $0x40, s17;
	[tilespmem:s18+$0x1D700] =	vst v4  }
0x3d1: {  	[tilespmem:s17+$0x0] =	vst v1  }
0x3d2: {  	s23 =	sand.u32 $0xFC0, s19;
	[tilespmem:s17+$0xFFFFFFE0] =	vst v2  }
0x3d3: {  	[tilespmem:s23+$0x1D700] =	vst v0  }
0x3d4: {  	[tilespmem:s17+$0xFFFFFFF0] =	vst v3  }
0x3d5: {  	s2 =	sadd.s32 $0x1, s2;
	s17 =	rddreg [dreg:$0x17]  }
0x3d6: {  	[hbm4b:s17+s8] =	stream.strided.scatter [tilespmem:s0], [sflag:$0x3], $0x2000, s9, s8, $0x38;
	[tilespmem:$0x1E700] =	vst v63  }
0x3d7: {  	p0 =	sne.s32 s2, s25;
	_ =	swait.ge [sflag:s1], $0x2000  }
.Ltmp24:
0x3d8: {  	[sflag:s1] =	ssyncset.done $0x0;
	(pc) =	sbr.rel @p0 .LBB2_1-.Ltmp24, $4  }
0x3d9: {  	[sflag:s1] =	ssyncadd.s32 $0xFFFFE000  }
0x3da: {  	_ =	swait.ge [sflag:s16], $0x2000  }
0x3db: {  	[sflag:s16] =	ssyncset.done $0x0  }
0x3dc: {  	[sflag:s16] =	ssyncadd.s32 $0xFFFFE000  }
0x3dd: {  	_ =	sfence.sel $0x180000  }
0x3de: {  	[bflag:$0x0] =	sbarrier.arrive $0xFFFF  }
0x3df: {  	_ =	strace $0x90000047  }
0x3e0: {  	s0 =	stileid.u32;
	[bflag:$0x2] =	sbarrier.arrive $0xFFFF  }
0x3e1: {  	p0 =	sne.s32 s0, $0x0;
	s0 =	rddreg [dreg:$0x7]  }
0x3e2: {  	s0 =	sadd.s32 @!p0 $0x100000, s0  }
0x3e3: {  	[sflag:s0] =	ssyncadd.tile.s32 @!p0 $0x1;
	_ =	shalt  }
.Lfunc_end2:
_tile_overlayer_lowered:
.L_overlay_start_2:
0x3e4: {  	(tag) =	ssettag $0x2  }
0x3e5: {  	s0 =	rddreg [dreg:$0x0];
	s2 =	stileid.u32  }
0x3e6: {  	s1 =	rddreg [dreg:$0x1];
	p0 =	sne.s32 s2, $0x0  }
0x3e7: {  	s3 =	rddreg [dreg:$0x2];
	[bflag:$0x3] =	sbarrier.arrive $0xFFFF;
	s2 =	simm.s32 @!p0 $0x1C06  }
0x3e8: {  	[timem:s3], [sflag:s2] =	dma.local @!p0 [hbm:s0], s1  }
0x3e9: {  	s0 =	simm.s32 @!p0 $0x6  }
0x3ea: {  	_ =	swait.ge @!p0 [sflag:s0], s1  }
0x3eb: {  	s1 =	ssub.s32 @!p0 $0x0, s1;
	[sflag:s0] =	ssyncset.done @!p0 $0x0  }
0x3ec: {  	[sflag:s0] =	ssyncadd.s32 @!p0 s1  }
0x3ed: {  	[bflag:$0x3] =	sbarrier.arrive $0xFFFF  }
0x3ee: {  	_ =	shalt  }

</sc_bundles>
